<compile_context>
chip_gen: v7x
topology: tpu7x:2x2x1
jax: 0.10.2.dev20260603
libtpu: 0.0.44.dev20260713+nightly
codegen_flags: <defaults>
</compile_context>

<pallas_src>
import numpy as np
import jax
import jax.numpy as jnp
from jax import lax
from jax.experimental import pallas as pl
from jax.experimental.pallas import tpu as pltpu
from jax.experimental.pallas import tpu_sc as plsc

N = 8192
NUM_GRAPHS = 8
K = 80
KCAP = 64
R1SQ = np.float32(0.2 * 0.2)
R2SQ = np.float32(0.4 * 0.4)
NC, NS = 2, 16
NW = NC * NS
QPW = N // NW
LANES = 16

Q = 128
T = N // Q
QK = Q * K
W = 256

RT = 512
TT = N // RT



def _nbr_body(px_h, py_h, pz_h, bat_h, off_h, nbr1_h, nbr2_h,
              pxv, pyv, pzv, batv, offv, rb1, rb2):
    wid = lax.axis_index("s") * NC + lax.axis_index("c")
    base = wid * QPW
    pltpu.sync_copy(px_h, pxv.at[pl.ds(0, N)])
    pltpu.sync_copy(py_h, pyv.at[pl.ds(0, N)])
    pltpu.sync_copy(pz_h, pzv.at[pl.ds(0, N)])
    pltpu.sync_copy(bat_h.at[pl.ds(base, QPW)], batv.at[pl.ds(0, QPW)])
    pltpu.sync_copy(off_h, offv.at[pl.ds(0, 16)])

    def qloop(q, carry):
        i = base + q
        b = batv[pl.ds(q, LANES)][0]
        lo = offv[pl.ds(b, LANES)][0]
        hi = offv[pl.ds(b + 1, LANES)][0]
        qx = pxv[pl.ds(i, LANES)][0]
        qy = pyv[pl.ds(i, LANES)][0]
        qz = pzv[pl.ds(i, LANES)][0]
        c0 = lo // LANES
        c1 = (hi + (LANES - 1)) // LANES

        def body(c, st):
            n1, n2 = st
            jv = c * LANES + lax.iota(jnp.int32, LANES)
            s = pl.ds(c * LANES, LANES)
            dx = pxv[s] - qx
            dy = pyv[s] - qy
            dz = pzv[s] - qz
            d2 = dx * dx + dy * dy + dz * dz
            inb = (jv >= lo) & (jv < hi)
            m2 = inb & (d2 <= R2SQ)
            m1 = m2 & (d2 <= R1SQ)
            em1 = m1 & (n1 < KCAP)
            em2 = m2 & (n2 < KCAP)
            plsc.store_compressed(
                rb1.at[pl.ds(q * K + jnp.minimum(n1, KCAP), LANES)], jv,
                mask=em1)
            plsc.store_compressed(
                rb2.at[pl.ds(q * K + jnp.minimum(n2, KCAP), LANES)], jv,
                mask=em2)
            n1 = n1 + jnp.sum(em1.astype(jnp.int32))
            n2 = n2 + jnp.sum(em2.astype(jnp.int32))
            return n1, n2

        n1, n2 = lax.fori_loop(
            c0, c1, body, (jnp.int32(0), jnp.int32(0)))
        cut1 = jnp.minimum(n1, KCAP)
        cut2 = jnp.minimum(n2, KCAP)
        for k in range(K // LANES):
            lane = k * LANES + lax.iota(jnp.int32, LANES)
            s = pl.ds(q * K + k * LANES, LANES)
            rb1[s] = jnp.where(lane >= cut1, i, rb1[s])
            rb2[s] = jnp.where(lane >= cut2, i, rb2[s])
        return carry

    lax.fori_loop(0, QPW, qloop, jnp.int32(0))
    pltpu.sync_copy(rb1, nbr1_h.at[pl.ds(base * K, QPW * K)])
    pltpu.sync_copy(rb2, nbr2_h.at[pl.ds(base * K, QPW * K)])


def _build_neighbors(px, py, pz, batch, offs16):
    f = pl.kernel(
        _nbr_body,
        out_type=(jax.ShapeDtypeStruct((N * K,), jnp.int32),
                  jax.ShapeDtypeStruct((N * K,), jnp.int32)),
        mesh=plsc.VectorSubcoreMesh(
            core_axis_name="c", subcore_axis_name="s",
            num_cores=NC, num_subcores=NS),
        scratch_types=[
            pltpu.VMEM((N + LANES,), jnp.float32),
            pltpu.VMEM((N + LANES,), jnp.float32),
            pltpu.VMEM((N + LANES,), jnp.float32),
            pltpu.VMEM((QPW + LANES,), jnp.int32),
            pltpu.VMEM((32,), jnp.int32),
            pltpu.VMEM((QPW * K,), jnp.int32),
            pltpu.VMEM((QPW * K,), jnp.int32),
        ],
        compiler_params=pltpu.CompilerParams(needs_layout_passes=False),
    )
    return f(px, py, pz, batch, offs16)



def _sa_body(clo_ref, chi_ref, fp_ref, post_ref, nbr_ref,
             pu_ref, pv_ref, vb_ref, w2_ref, b2_ref, w3_ref, b3_ref,
             out_ref, z1_ref):
    t = pl.program_id(0)
    clo = clo_ref[t]
    chi = chi_ref[t]
    nbr_row = nbr_ref[0]
    z1_ref[...] = jnp.zeros_like(z1_ref)

    def chunk(c, carry):
        fp_c = fp_ref[:, pl.ds(c * W, W)]
        u_c = jnp.dot(pu_ref[...], fp_c,
                      preferred_element_type=jnp.float32)
        cand = c * W + lax.broadcasted_iota(jnp.int32, (W, 1), 0)
        oh = jnp.where(nbr_row == cand, 1.0, 0.0)
        z1_ref[...] += jnp.dot(u_c, oh,
                               preferred_element_type=jnp.float32)
        return carry

    lax.fori_loop(clo, chi, chunk, jnp.int32(0))

    vt = jnp.dot(pv_ref[...], post_ref[...],
                 preferred_element_type=jnp.float32) - vb_ref[...]
    z1 = z1_ref[...]
    a1 = jnp.concatenate(
        [jnp.maximum(z1[:, k * Q:(k + 1) * Q] - vt, 0.0)
         for k in range(K)], axis=1)
    a2 = jnp.maximum(
        jnp.dot(w2_ref[...], a1, preferred_element_type=jnp.float32)
        + b2_ref[...], 0.0)
    z3 = (jnp.dot(w3_ref[...], a2, preferred_element_type=jnp.float32)
          + b3_ref[...])
    m = z3[:, 0:Q]
    for k in range(1, K):
        m = jnp.maximum(m, z3[:, k * Q:(k + 1) * Q])
    out_ref[...] = m


def _sa_stage(fpT, posT, nbrF, clo, chi, puT, pvT, vb, w2T, b2, w3T, b3):
    feat_dim = fpT.shape[0]
    c1 = puT.shape[0]
    c2 = w2T.shape[0]
    c3 = w3T.shape[0]
    grid_spec = pltpu.PrefetchScalarGridSpec(
        num_scalar_prefetch=2,
        grid=(T,),
        in_specs=[
            pl.BlockSpec((feat_dim, N), lambda t, *_: (0, 0)),
            pl.BlockSpec((8, Q), lambda t, *_: (0, t)),
            pl.BlockSpec((1, 1, QK), lambda t, *_: (t, 0, 0)),
            pl.BlockSpec((c1, feat_dim), lambda t, *_: (0, 0)),
            pl.BlockSpec((c1, 8), lambda t, *_: (0, 0)),
            pl.BlockSpec((c1, 1), lambda t, *_: (0, 0)),
            pl.BlockSpec((c2, c1), lambda t, *_: (0, 0)),
            pl.BlockSpec((c2, 1), lambda t, *_: (0, 0)),
            pl.BlockSpec((c3, c2), lambda t, *_: (0, 0)),
            pl.BlockSpec((c3, 1), lambda t, *_: (0, 0)),
        ],
        out_specs=pl.BlockSpec((c3, Q), lambda t, *_: (0, t)),
        scratch_shapes=[pltpu.VMEM((c1, QK), jnp.float32)],
    )
    return pl.pallas_call(
        _sa_body,
        grid_spec=grid_spec,
        out_shape=jax.ShapeDtypeStruct((c3, N), jnp.float32),
        compiler_params=pltpu.CompilerParams(
            dimension_semantics=("arbitrary",)),
    )(clo, chi, fpT, posT, nbrF, puT, pvT, vb, w2T, b2, w3T, b3)



def _tail_body(hp_ref, bat_ref,
               g1_ref, g1b_ref, g2_ref, g2b_ref, g3_ref, g3b_ref,
               f1_ref, f1b_ref, f2_ref, f2b_ref, f3_ref, f3b_ref,
               out_ref, pool_ref):
    t = pl.program_id(0)

    @pl.when(t == 0)
    def _():
        pool_ref[...] = jnp.full_like(pool_ref, -jnp.inf)

    g1 = jnp.maximum(
        jnp.dot(g1_ref[...], hp_ref[...], preferred_element_type=jnp.float32)
        + g1b_ref[...], 0.0)
    g2 = jnp.maximum(
        jnp.dot(g2_ref[...], g1, preferred_element_type=jnp.float32)
        + g2b_ref[...], 0.0)
    g3 = (jnp.dot(g3_ref[...], g2, preferred_element_type=jnp.float32)
          + g3b_ref[...])
    bat = bat_ref[0]
    for g in range(NUM_GRAPHS):
        mg = jnp.max(jnp.where(bat == g, g3, -jnp.inf),
                     axis=1, keepdims=True)
        pool_ref[:, g:g + 1] = jnp.maximum(pool_ref[:, g:g + 1], mg)

    @pl.when(t == TT - 1)
    def _():
        p = pool_ref[...]
        f1 = jnp.maximum(
            jnp.dot(f1_ref[...], p, preferred_element_type=jnp.float32)
            + f1b_ref[...], 0.0)
        f2 = jnp.maximum(
            jnp.dot(f2_ref[...], f1, preferred_element_type=jnp.float32)
            + f2b_ref[...], 0.0)
        out_ref[...] = (jnp.dot(f3_ref[...], f2,
                                preferred_element_type=jnp.float32)
                        + f3b_ref[...])


def _tail_stage(hpT, bat3, g1T, g1b, g2T, g2b, g3T, g3b,
                f1T, f1b, f2T, f2b, f3T, f3b):
    fd = hpT.shape[0]
    return pl.pallas_call(
        _tail_body,
        grid=(TT,),
        in_specs=[
            pl.BlockSpec((fd, RT), lambda t: (0, t)),
            pl.BlockSpec((1, 1, RT), lambda t: (t, 0, 0)),
            pl.BlockSpec((256, fd), lambda t: (0, 0)),
            pl.BlockSpec((256, 1), lambda t: (0, 0)),
            pl.BlockSpec((512, 256), lambda t: (0, 0)),
            pl.BlockSpec((512, 1), lambda t: (0, 0)),
            pl.BlockSpec((1024, 512), lambda t: (0, 0)),
            pl.BlockSpec((1024, 1), lambda t: (0, 0)),
            pl.BlockSpec((512, 1024), lambda t: (0, 0)),
            pl.BlockSpec((512, 1), lambda t: (0, 0)),
            pl.BlockSpec((256, 512), lambda t: (0, 0)),
            pl.BlockSpec((256, 1), lambda t: (0, 0)),
            pl.BlockSpec((16, 256), lambda t: (0, 0)),
            pl.BlockSpec((16, 1), lambda t: (0, 0)),
        ],
        out_specs=pl.BlockSpec((16, NUM_GRAPHS), lambda t: (0, 0)),
        out_shape=jax.ShapeDtypeStruct((16, NUM_GRAPHS), jnp.float32),
        scratch_shapes=[pltpu.VMEM((1024, NUM_GRAPHS), jnp.float32)],
        compiler_params=pltpu.CompilerParams(
            dimension_semantics=("arbitrary",)),
    )(hpT, bat3, g1T, g1b, g2T, g2b, g3T, g3b,
      f1T, f1b, f2T, f2b, f3T, f3b)



def _bn_scale(lp):
    s = lp['gamma'] / jnp.sqrt(lp['var'] + 1e-5)
    return s, lp['beta'] - lp['mean'] * s


def _fold_sa(layers, cin, fpad):
    l0, l1, l2 = layers
    s0, t0 = _bn_scale(l0)
    w0 = l0['W'] * s0[:, None]
    c1 = w0.shape[0]
    puT = jnp.zeros((c1, fpad), jnp.float32).at[:, :cin + 3].set(w0)
    pvT = jnp.zeros((c1, 8), jnp.float32).at[:, :3].set(w0[:, cin:cin + 3])
    vb = (l0['b'] * s0 + t0)[:, None]
    s1, t1 = _bn_scale(l1)
    w2T = l1['W'] * s1[:, None]
    b2 = (l1['b'] * s1 + t1)[:, None]
    w3T = l2['W']
    b3 = l2['b'][:, None]
    return puT, pvT, vb, w2T, b2, w3T, b3


def _chunk_bounds(batch, offs):
    bfirst = batch[::Q]
    blast = batch[Q - 1::Q]
    clo = (offs[bfirst] // W).astype(jnp.int32)
    chi = ((offs[blast + 1] + W - 1) // W).astype(jnp.int32)
    return clo, chi


def kernel(x, pos, batch, params):
    batch = batch.astype(jnp.int32)
    posT = pos.T
    offs = jnp.searchsorted(
        batch, jnp.arange(NUM_GRAPHS + 1, dtype=jnp.int32)).astype(jnp.int32)
    offs16 = jnp.zeros((16,), jnp.int32).at[:NUM_GRAPHS + 1].set(offs)

    nbr1, nbr2 = _build_neighbors(
        posT[0], posT[1], posT[2], batch, offs16)
    nbr1F = nbr1.reshape(T, Q, K).transpose(0, 2, 1).reshape(T, 1, QK)
    nbr2F = nbr2.reshape(T, Q, K).transpose(0, 2, 1).reshape(T, 1, QK)

    posT8 = jnp.zeros((8, N), jnp.float32).at[:3].set(posT)
    clo, chi = _chunk_bounds(batch, offs)

    fp1T = jnp.zeros((8, N), jnp.float32).at[:3].set(x.T).at[3:6].set(posT)
    h1T = _sa_stage(fp1T, posT8, nbr1F, clo, chi,
                    *_fold_sa(params['sa1'], 3, 8))

    fp2T = jnp.zeros((136, N), jnp.float32).at[:128].set(h1T) \
        .at[128:131].set(posT)
    h2T = _sa_stage(fp2T, posT8, nbr2F, clo, chi,
                    *_fold_sa(params['sa2'], 128, 136))

    hpT = jnp.zeros((264, N), jnp.float32).at[:256].set(h2T) \
        .at[256:259].set(posT)
    gl0, gl1, gl2 = params['glob']
    gs0, gt0 = _bn_scale(gl0)
    g1T = jnp.zeros((256, 264), jnp.float32).at[:, :259].set(
        gl0['W'] * gs0[:, None])
    g1b = (gl0['b'] * gs0 + gt0)[:, None]
    gs1, gt1 = _bn_scale(gl1)
    g2T = gl1['W'] * gs1[:, None]
    g2b = (gl1['b'] * gs1 + gt1)[:, None]
    g3T = gl2['W']
    g3b = gl2['b'][:, None]
    fl0, fl1, fl2 = params['final']
    f3T = jnp.zeros((16, 256), jnp.float32).at[:9].set(fl2['W'])
    f3b = jnp.zeros((16, 1), jnp.float32).at[:9].set(fl2['b'][:, None])
    bat3 = batch.reshape(TT, 1, RT)

    outT = _tail_stage(
        hpT, bat3, g1T, g1b, g2T, g2b, g3T, g3b,
        fl0['W'], fl0['b'][:, None], fl1['W'], fl1['b'][:, None], f3T, f3b)
    return outT[:9].T

# --- scband reference (transcript-rebuilt; emitter-appended) ---
"""Pipeline reference for scband-point-net-89438398972568 (READ-ONLY COPY).

The authoritative reference and input builder live on the scoring server;
editing this copy changes nothing except your own understanding.
"""

import jax, jax.numpy as jnp
import numpy as np

N = 8192
NUM_GRAPHS = 8
SA1 = [6, 64, 64, 128]
SA2 = [131, 128, 128, 256]
GLOB = [259, 256, 512, 1024]
FINAL = [1024, 512, 256, 9]


def init_mlp(key, dims, use_bn=True):
    layers = []
    for i in range(len(dims) - 1):
        key, k1 = jax.random.split(key)
        lp = {'W': jax.random.normal(k1, (dims[i + 1], dims[i]), dtype=jnp.float32) / float(np.sqrt(dims[i])),
              'b': jnp.zeros((dims[i + 1],), jnp.float32)}
        if use_bn and i < len(dims) - 2:
            lp['gamma'] = jnp.ones((dims[i + 1],), jnp.float32)
            lp['beta'] = jnp.zeros((dims[i + 1],), jnp.float32)
            lp['mean'] = jnp.zeros((dims[i + 1],), jnp.float32)
            lp['var'] = jnp.ones((dims[i + 1],), jnp.float32)
        layers.append(lp)
    return layers


def mlp_apply(layers, x):
    # PyG MLP, eval mode: Linear -> BatchNorm(running stats) -> ReLU, plain last layer, dropout inactive.
    n = len(layers)
    for i, lp in enumerate(layers):
        x = x @ lp['W'].T + lp['b']
        if i < n - 1:
            if 'gamma' in lp:
                x = (x - lp['mean']) / jnp.sqrt(lp['var'] + 1e-5) * lp['gamma'] + lp['beta']
            x = jax.nn.relu(x)
    return x


def radius_edges(pos, batch, r, max_neighbors):
    # torch_cluster.radius with ratio=1.0 (queries == sources), capped at max_neighbors
    # (first-by-index), followed by PointNetConv's remove_self_loops + add_self_loops.
    n = pos.shape[0]
    k = max_neighbors + 1
    all_idx = jnp.arange(n, dtype=jnp.int32)
    nbrs = []
    chunk = 2048
    for s in range(0, n, chunk):
        e = min(s + chunk, n)
        q = pos[s:e]
        d2 = ((q[:, None, :] - pos[None, :, :]) ** 2).sum(-1)
        mask = (d2 <= r * r) & (batch[s:e, None] == batch[None, :])
        rank = jnp.cumsum(mask, axis=1)
        keep = mask & (rank <= max_neighbors)
        keep = keep.at[jnp.arange(e - s), jnp.arange(s, e)].set(True)  # guaranteed self loops
        idx = jnp.where(keep, all_idx[None, :], jnp.int32(n))
        nbrs.append(jnp.sort(idx, axis=1)[:, :k])
    nbr = jnp.concatenate(nbrs, axis=0)
    return nbr, nbr < n


def pointnet_conv(layers, x, pos, nbr, valid):
    # message: local_nn([x_j, pos_j - pos_i]); aggregation: max
    j = jnp.where(valid, nbr, 0)
    h = jnp.concatenate([x[j], pos[j] - pos[:, None, :]], axis=2)
    m = mlp_apply(layers, h)
    m = jnp.where(valid[:, :, None], m, -jnp.inf)
    return m.max(axis=1)


def setup_inputs(seed: int = 0):
    key = jax.random.key(seed)
    k1, k2, k3, k4, k5, k6, k7 = jax.random.split(key, 7)
    x = jax.random.normal(k1, (N, 3), dtype=jnp.float32)
    pos = jax.random.uniform(k2, (N, 3), dtype=jnp.float32)
    batch = jnp.sort(jax.random.randint(k3, (N,), 0, NUM_GRAPHS, dtype=jnp.int32))
    params = {
        'sa1': init_mlp(k4, SA1, True),
        'sa2': init_mlp(k5, SA2, True),
        'glob': init_mlp(k6, GLOB, True),
        'final': init_mlp(k7, FINAL, False),
    }
    return {'x': x, 'pos': pos, 'batch': batch, 'params': params}


def reference(x, pos, batch, params):
    # SA1 (ratio=1.0 -> no fps, idx = identity)
    nbr1, valid1 = radius_edges(pos, batch, 0.2, 64)
    h1 = pointnet_conv(params['sa1'], x, pos, nbr1, valid1)
    # SA2
    nbr2, valid2 = radius_edges(pos, batch, 0.4, 64)
    h2 = pointnet_conv(params['sa2'], h1, pos, nbr2, valid2)
    # GlobalSetAbstraction: nn(cat([x, pos])) then global_max_pool over batch
    g = mlp_apply(params['glob'], jnp.concatenate([h2, pos], axis=1))
    pooled = jax.ops.segment_max(g, batch, num_segments=NUM_GRAPHS)
    # final MLP (norm=None, dropout inactive in eval)
    return mlp_apply(params['final'], pooled)

if __name__ == "__main__":
    import jax
    _d = setup_inputs()
    print(jax.jit(kernel)(*tuple(_d.values())))

</pallas_src>

<mosaic_0001>
#map = affine_map<(d0, d1) -> (0)>
module attributes {stable_mosaic.version = 14 : i64} {
  func.func @_nbr_body(%arg0: i32, %arg1: i32, %arg2: memref<8192xf32, #tpu.memory_space<hbm>>, %arg3: memref<8192xf32, #tpu.memory_space<hbm>>, %arg4: memref<8192xf32, #tpu.memory_space<hbm>>, %arg5: memref<8192xi32, #tpu.memory_space<hbm>>, %arg6: memref<16xi32, #tpu.memory_space<hbm>>, %arg7: memref<655360xi32, #tpu.memory_space<hbm>>, %arg8: memref<655360xi32, #tpu.memory_space<hbm>>, %arg9: memref<8208xf32, #tpu.memory_space<vmem>>, %arg10: memref<8208xf32, #tpu.memory_space<vmem>>, %arg11: memref<8208xf32, #tpu.memory_space<vmem>>, %arg12: memref<272xi32, #tpu.memory_space<vmem>>, %arg13: memref<32xi32, #tpu.memory_space<vmem>>, %arg14: memref<20480xi32, #tpu.memory_space<vmem>>, %arg15: memref<20480xi32, #tpu.memory_space<vmem>>) attributes {dimension_semantics = [#tpu.dimension_semantics<core_parallel>, #tpu.dimension_semantics<subcore_parallel>], iteration_bounds = array<i64: 2, 16>, scalar_prefetch = 0 : i64, scratch_operands = 7 : i64, tpu.core_type = #tpu.core_type<sc_vector_subcore>, window_params = [{transform_indices = #map}, {transform_indices = #map}, {transform_indices = #map}, {transform_indices = #map}, {transform_indices = #map}, {transform_indices = #map}, {transform_indices = #map}]} {
    %mul3A = arith.constant 2 : i32
    %mul3A_0 = arith.muli %arg1, %mul3A : i32
    %add3A = arith.addi %mul3A_0, %arg0 : i32
    %mul3A_1 = arith.constant 256 : i32
    %mul3A_2 = arith.muli %add3A, %mul3A_1 : i32
    "tpu.region"() ({
      %run_scoped3A = tpu.sem_alloc : memref<!tpu.dma_semaphore, #tpu.memory_space<semaphore_mem>>
      %dma_start3A = arith.constant 0 : i32
      %dma_start3A_12 = tpu.memref_slice %arg9[%dma_start3A] : memref<8208xf32, #tpu.memory_space<vmem>> -> memref<8192xf32, #tpu.memory_space<vmem>>
      %dma_start3A_13 = arith.constant 0 : i32
      %dma_start3A_14 = tpu.memref_slice %arg9[%dma_start3A_13] : memref<8208xf32, #tpu.memory_space<vmem>> -> memref<8192xf32, #tpu.memory_space<vmem>>
      tpu.enqueue_dma source(%arg2 : memref<8192xf32, #tpu.memory_space<hbm>>) target(%dma_start3A_14 : memref<8192xf32, #tpu.memory_space<vmem>>) target_semaphore(%run_scoped3A : memref<!tpu.dma_semaphore, #tpu.memory_space<semaphore_mem>>)
      %dma_wait3A = arith.constant 0 : i32
      %dma_wait3A_15 = tpu.memref_slice %arg9[%dma_wait3A] : memref<8208xf32, #tpu.memory_space<vmem>> -> memref<8192xf32, #tpu.memory_space<vmem>>
      %dma_wait3A_16 = arith.constant 0 : i32
      %dma_wait3A_17 = tpu.memref_slice %arg9[%dma_wait3A_16] : memref<8208xf32, #tpu.memory_space<vmem>> -> memref<8192xf32, #tpu.memory_space<vmem>>
      tpu.wait_dma2 semaphore(%run_scoped3A : memref<!tpu.dma_semaphore, #tpu.memory_space<semaphore_mem>>) src(%arg2 : memref<8192xf32, #tpu.memory_space<hbm>>) dst(%dma_wait3A_17 : memref<8192xf32, #tpu.memory_space<vmem>>)
      tpu.yield
    }) : () -> ()
    "tpu.region"() ({
      %run_scoped3A = tpu.sem_alloc : memref<!tpu.dma_semaphore, #tpu.memory_space<semaphore_mem>>
      %dma_start3A = arith.constant 0 : i32
      %dma_start3A_12 = tpu.memref_slice %arg10[%dma_start3A] : memref<8208xf32, #tpu.memory_space<vmem>> -> memref<8192xf32, #tpu.memory_space<vmem>>
      %dma_start3A_13 = arith.constant 0 : i32
      %dma_start3A_14 = tpu.memref_slice %arg10[%dma_start3A_13] : memref<8208xf32, #tpu.memory_space<vmem>> -> memref<8192xf32, #tpu.memory_space<vmem>>
      tpu.enqueue_dma source(%arg3 : memref<8192xf32, #tpu.memory_space<hbm>>) target(%dma_start3A_14 : memref<8192xf32, #tpu.memory_space<vmem>>) target_semaphore(%run_scoped3A : memref<!tpu.dma_semaphore, #tpu.memory_space<semaphore_mem>>)
      %dma_wait3A = arith.constant 0 : i32
      %dma_wait3A_15 = tpu.memref_slice %arg10[%dma_wait3A] : memref<8208xf32, #tpu.memory_space<vmem>> -> memref<8192xf32, #tpu.memory_space<vmem>>
      %dma_wait3A_16 = arith.constant 0 : i32
      %dma_wait3A_17 = tpu.memref_slice %arg10[%dma_wait3A_16] : memref<8208xf32, #tpu.memory_space<vmem>> -> memref<8192xf32, #tpu.memory_space<vmem>>
      tpu.wait_dma2 semaphore(%run_scoped3A : memref<!tpu.dma_semaphore, #tpu.memory_space<semaphore_mem>>) src(%arg3 : memref<8192xf32, #tpu.memory_space<hbm>>) dst(%dma_wait3A_17 : memref<8192xf32, #tpu.memory_space<vmem>>)
      tpu.yield
    }) : () -> ()
    "tpu.region"() ({
      %run_scoped3A = tpu.sem_alloc : memref<!tpu.dma_semaphore, #tpu.memory_space<semaphore_mem>>
      %dma_start3A = arith.constant 0 : i32
      %dma_start3A_12 = tpu.memref_slice %arg11[%dma_start3A] : memref<8208xf32, #tpu.memory_space<vmem>> -> memref<8192xf32, #tpu.memory_space<vmem>>
      %dma_start3A_13 = arith.constant 0 : i32
      %dma_start3A_14 = tpu.memref_slice %arg11[%dma_start3A_13] : memref<8208xf32, #tpu.memory_space<vmem>> -> memref<8192xf32, #tpu.memory_space<vmem>>
      tpu.enqueue_dma source(%arg4 : memref<8192xf32, #tpu.memory_space<hbm>>) target(%dma_start3A_14 : memref<8192xf32, #tpu.memory_space<vmem>>) target_semaphore(%run_scoped3A : memref<!tpu.dma_semaphore, #tpu.memory_space<semaphore_mem>>)
      %dma_wait3A = arith.constant 0 : i32
      %dma_wait3A_15 = tpu.memref_slice %arg11[%dma_wait3A] : memref<8208xf32, #tpu.memory_space<vmem>> -> memref<8192xf32, #tpu.memory_space<vmem>>
      %dma_wait3A_16 = arith.constant 0 : i32
      %dma_wait3A_17 = tpu.memref_slice %arg11[%dma_wait3A_16] : memref<8208xf32, #tpu.memory_space<vmem>> -> memref<8192xf32, #tpu.memory_space<vmem>>
      tpu.wait_dma2 semaphore(%run_scoped3A : memref<!tpu.dma_semaphore, #tpu.memory_space<semaphore_mem>>) src(%arg4 : memref<8192xf32, #tpu.memory_space<hbm>>) dst(%dma_wait3A_17 : memref<8192xf32, #tpu.memory_space<vmem>>)
      tpu.yield
    }) : () -> ()
    "tpu.region"() ({
      %run_scoped3A = tpu.sem_alloc : memref<!tpu.dma_semaphore, #tpu.memory_space<semaphore_mem>>
      %dma_start3A = arith.constant 0 : i32
      %dma_start3A_12 = tpu.memref_slice %arg12[%dma_start3A] : memref<272xi32, #tpu.memory_space<vmem>> -> memref<256xi32, #tpu.memory_space<vmem>>
      %dma_start3A_13 = tpu.memref_slice %arg5[%mul3A_2] : memref<8192xi32, #tpu.memory_space<hbm>> -> memref<256xi32, #tpu.memory_space<hbm>>
      %dma_start3A_14 = arith.constant 0 : i32
      %dma_start3A_15 = tpu.memref_slice %arg12[%dma_start3A_14] : memref<272xi32, #tpu.memory_space<vmem>> -> memref<256xi32, #tpu.memory_space<vmem>>
      %dma_start3A_16 = tpu.memref_slice %arg5[%mul3A_2] : memref<8192xi32, #tpu.memory_space<hbm>> -> memref<256xi32, #tpu.memory_space<hbm>>
      tpu.enqueue_dma source(%dma_start3A_16 : memref<256xi32, #tpu.memory_space<hbm>>) target(%dma_start3A_15 : memref<256xi32, #tpu.memory_space<vmem>>) target_semaphore(%run_scoped3A : memref<!tpu.dma_semaphore, #tpu.memory_space<semaphore_mem>>)
      %dma_wait3A = arith.constant 0 : i32
      %dma_wait3A_17 = tpu.memref_slice %arg12[%dma_wait3A] : memref<272xi32, #tpu.memory_space<vmem>> -> memref<256xi32, #tpu.memory_space<vmem>>
      %dma_wait3A_18 = tpu.memref_slice %arg5[%mul3A_2] : memref<8192xi32, #tpu.memory_space<hbm>> -> memref<256xi32, #tpu.memory_space<hbm>>
      %dma_wait3A_19 = arith.constant 0 : i32
      %dma_wait3A_20 = tpu.memref_slice %arg12[%dma_wait3A_19] : memref<272xi32, #tpu.memory_space<vmem>> -> memref<256xi32, #tpu.memory_space<vmem>>
      %dma_wait3A_21 = tpu.memref_slice %arg5[%mul3A_2] : memref<8192xi32, #tpu.memory_space<hbm>> -> memref<256xi32, #tpu.memory_space<hbm>>
      tpu.wait_dma2 semaphore(%run_scoped3A : memref<!tpu.dma_semaphore, #tpu.memory_space<semaphore_mem>>) src(%dma_wait3A_21 : memref<256xi32, #tpu.memory_space<hbm>>) dst(%dma_wait3A_20 : memref<256xi32, #tpu.memory_space<vmem>>)
      tpu.yield
    }) : () -> ()
    "tpu.region"() ({
      %run_scoped3A = tpu.sem_alloc : memref<!tpu.dma_semaphore, #tpu.memory_space<semaphore_mem>>
      %dma_start3A = arith.constant 0 : i32
      %dma_start3A_12 = tpu.memref_slice %arg13[%dma_start3A] : memref<32xi32, #tpu.memory_space<vmem>> -> memref<16xi32, #tpu.memory_space<vmem>>
      %dma_start3A_13 = arith.constant 0 : i32
      %dma_start3A_14 = tpu.memref_slice %arg13[%dma_start3A_13] : memref<32xi32, #tpu.memory_space<vmem>> -> memref<16xi32, #tpu.memory_space<vmem>>
      tpu.enqueue_dma source(%arg6 : memref<16xi32, #tpu.memory_space<hbm>>) target(%dma_start3A_14 : memref<16xi32, #tpu.memory_space<vmem>>) target_semaphore(%run_scoped3A : memref<!tpu.dma_semaphore, #tpu.memory_space<semaphore_mem>>)
      %dma_wait3A = arith.constant 0 : i32
      %dma_wait3A_15 = tpu.memref_slice %arg13[%dma_wait3A] : memref<32xi32, #tpu.memory_space<vmem>> -> memref<16xi32, #tpu.memory_space<vmem>>
      %dma_wait3A_16 = arith.constant 0 : i32
      %dma_wait3A_17 = tpu.memref_slice %arg13[%dma_wait3A_16] : memref<32xi32, #tpu.memory_space<vmem>> -> memref<16xi32, #tpu.memory_space<vmem>>
      tpu.wait_dma2 semaphore(%run_scoped3A : memref<!tpu.dma_semaphore, #tpu.memory_space<semaphore_mem>>) src(%arg6 : memref<16xi32, #tpu.memory_space<hbm>>) dst(%dma_wait3A_17 : memref<16xi32, #tpu.memory_space<vmem>>)
      tpu.yield
    }) : () -> ()
    %scan3A = arith.constant 0 : i32
    %scan3A_3 = arith.constant 0 : i32
    %scan3A_4 = arith.constant 256 : i32
    %scan3A_5 = arith.addi %scan3A_3, %scan3A_4 : i32
    %scan3A_6 = arith.constant 1 : i32
    scf.for %scan3A_12 = %scan3A_3 to %scan3A_5 step %scan3A_6  : i32 {
      %add3A_13 = arith.addi %mul3A_2, %scan3A_12 : i32
      %get3A = arith.index_cast %scan3A_12 : i32 to index
      %get3A_14 = tpu.vector_load %arg12[%get3A] {strides = array<i32>} : memref<272xi32, #tpu.memory_space<vmem>>, vector<16xi32>,
      %slice3A = vector.extract_strided_slice %get3A_14 {offsets = [0], sizes = [1], strides = [1]} : vector<16xi32> to vector<1xi32>
      %squeeze3A = vector.extract %slice3A[0] : i32 from vector<1xi32>
      %get3A_15 = arith.index_cast %squeeze3A : i32 to index
      %get3A_16 = tpu.vector_load %arg13[%get3A_15] {strides = array<i32>} : memref<32xi32, #tpu.memory_space<vmem>>, vector<16xi32>,
      %slice3A_17 = vector.extract_strided_slice %get3A_16 {offsets = [0], sizes = [1], strides = [1]} : vector<16xi32> to vector<1xi32>
      %squeeze3A_18 = vector.extract %slice3A_17[0] : i32 from vector<1xi32>
      %add3A_19 = arith.constant 1 : i32
      %add3A_20 = arith.addi %squeeze3A, %add3A_19 : i32
      %get3A_21 = arith.index_cast %add3A_20 : i32 to index
      %get3A_22 = tpu.vector_load %arg13[%get3A_21] {strides = array<i32>} : memref<32xi32, #tpu.memory_space<vmem>>, vector<16xi32>,
      %slice3A_23 = vector.extract_strided_slice %get3A_22 {offsets = [0], sizes = [1], strides = [1]} : vector<16xi32> to vector<1xi32>
      %squeeze3A_24 = vector.extract %slice3A_23[0] : i32 from vector<1xi32>
      %get3A_25 = arith.index_cast %add3A_13 : i32 to index
      %get3A_26 = tpu.vector_load %arg9[%get3A_25] {strides = array<i32>} : memref<8208xf32, #tpu.memory_space<vmem>>, vector<16xf32>,
      %slice3A_27 = vector.extract_strided_slice %get3A_26 {offsets = [0], sizes = [1], strides = [1]} : vector<16xf32> to vector<1xf32>
      %squeeze3A_28 = vector.extract %slice3A_27[0] : f32 from vector<1xf32>
      %get3A_29 = arith.index_cast %add3A_13 : i32 to index
      %get3A_30 = tpu.vector_load %arg10[%get3A_29] {strides = array<i32>} : memref<8208xf32, #tpu.memory_space<vmem>>, vector<16xf32>,
      %slice3A_31 = vector.extract_strided_slice %get3A_30 {offsets = [0], sizes = [1], strides = [1]} : vector<16xf32> to vector<1xf32>
      %squeeze3A_32 = vector.extract %slice3A_31[0] : f32 from vector<1xf32>
      %get3A_33 = arith.index_cast %add3A_13 : i32 to index
      %get3A_34 = tpu.vector_load %arg11[%get3A_33] {strides = array<i32>} : memref<8208xf32, #tpu.memory_space<vmem>>, vector<16xf32>,
      %slice3A_35 = vector.extract_strided_slice %get3A_34 {offsets = [0], sizes = [1], strides = [1]} : vector<16xf32> to vector<1xf32>
      %squeeze3A_36 = vector.extract %slice3A_35[0] : f32 from vector<1xf32>
      %jit3A = arith.constant 16 : i32
      %div3A = arith.divsi %squeeze3A_18, %jit3A : i32
      %sign3A = arith.constant 0 : i32
      %sign3A_37 = arith.cmpi sgt, %squeeze3A_18, %sign3A : i32
      %sign3A_38 = arith.extui %sign3A_37 : i1 to i32
      %sign3A_39 = arith.constant 0 : i32
      %sign3A_40 = arith.cmpi slt, %squeeze3A_18, %sign3A_39 : i32
      %sign3A_41 = arith.extui %sign3A_40 : i1 to i32
      %sign3A_42 = arith.subi %sign3A_38, %sign3A_41 : i32
      %sign3A_43 = arith.constant 0 : i32
      %sign3A_44 = arith.cmpi sgt, %jit3A, %sign3A_43 : i32
      %sign3A_45 = arith.extui %sign3A_44 : i1 to i32
      %sign3A_46 = arith.constant 0 : i32
      %sign3A_47 = arith.cmpi slt, %jit3A, %sign3A_46 : i32
      %sign3A_48 = arith.extui %sign3A_47 : i1 to i32
      %sign3A_49 = arith.subi %sign3A_45, %sign3A_48 : i32
      %ne3A = arith.cmpi ne, %sign3A_42, %sign3A_49 : i32
      %rem3A = arith.remsi %squeeze3A_18, %jit3A : i32
      %ne3A_50 = arith.constant 0 : i32
      %ne3A_51 = arith.cmpi ne, %rem3A, %ne3A_50 : i32
      %and3A = arith.andi %ne3A, %ne3A_51 : i1
      %sub3A = arith.constant 1 : i32
      %sub3A_52 = arith.subi %div3A, %sub3A : i32
      %select_n3A = arith.select %and3A, %sub3A_52, %div3A : i32
      %add3A_53 = arith.constant 15 : i32
      %add3A_54 = arith.addi %squeeze3A_24, %add3A_53 : i32
      %jit3A_55 = arith.constant 16 : i32
      %div3A_56 = arith.divsi %add3A_54, %jit3A_55 : i32
      %sign3A_57 = arith.constant 0 : i32
      %sign3A_58 = arith.cmpi sgt, %add3A_54, %sign3A_57 : i32
      %sign3A_59 = arith.extui %sign3A_58 : i1 to i32
      %sign3A_60 = arith.constant 0 : i32
      %sign3A_61 = arith.cmpi slt, %add3A_54, %sign3A_60 : i32
      %sign3A_62 = arith.extui %sign3A_61 : i1 to i32
      %sign3A_63 = arith.subi %sign3A_59, %sign3A_62 : i32
      %sign3A_64 = arith.constant 0 : i32
      %sign3A_65 = arith.cmpi sgt, %jit3A_55, %sign3A_64 : i32
      %sign3A_66 = arith.extui %sign3A_65 : i1 to i32
      %sign3A_67 = arith.constant 0 : i32
      %sign3A_68 = arith.cmpi slt, %jit3A_55, %sign3A_67 : i32
      %sign3A_69 = arith.extui %sign3A_68 : i1 to i32
      %sign3A_70 = arith.subi %sign3A_66, %sign3A_69 : i32
      %ne3A_71 = arith.cmpi ne, %sign3A_63, %sign3A_70 : i32
      %rem3A_72 = arith.remsi %add3A_54, %jit3A_55 : i32
      %ne3A_73 = arith.constant 0 : i32
      %ne3A_74 = arith.cmpi ne, %rem3A_72, %ne3A_73 : i32
      %and3A_75 = arith.andi %ne3A_71, %ne3A_74 : i1
      %sub3A_76 = arith.constant 1 : i32
      %sub3A_77 = arith.subi %div3A_56, %sub3A_76 : i32
      %select_n3A_78 = arith.select %and3A_75, %sub3A_77, %div3A_56 : i32
      %while3A = arith.constant 0 : i32
      %while3A_79 = arith.constant 0 : i32
      %while3A_80 = arith.subi %select_n3A_78, %select_n3A : i32
      %while3A_81 = arith.addi %select_n3A, %while3A_80 : i32
      %while3A_82 = arith.constant 1 : i32
      %while3A_83 = arith.divsi %while3A_80, %while3A_82 : i32
      %while3A_84 = arith.muli %while3A_83, %while3A_82 : i32
      %while3A_85 = arith.addi %select_n3A, %while3A_84 : i32
      %while3A_86 = arith.constant 1 : i32
      %while3A_87:2 = scf.for %while3A_209 = %select_n3A to %while3A_85 step %while3A_86 iter_args(%while3A_210 = %while3A, %while3A_211 = %while3A_79) -> (i32, i32)  : i32 {
        %mul3A_212 = arith.constant 16 : i32
        %mul3A_213 = arith.muli %while3A_209, %mul3A_212 : i32
        %iota3A_214 = tpu.iota {dimensions = array<i32: 0>} : vector<16xi32>
        %add3A_215 = vector.broadcast %mul3A_213 : i32 to vector<16xi32>
        %add3A_216 = arith.addi %add3A_215, %iota3A_214 : vector<16xi32>
        %mul3A_217 = arith.constant 16 : i32
        %mul3A_218 = arith.muli %while3A_209, %mul3A_217 : i32
        %get3A_219 = arith.index_cast %mul3A_218 : i32 to index
        %get3A_220 = tpu.vector_load %arg9[%get3A_219] {strides = array<i32>} : memref<8208xf32, #tpu.memory_space<vmem>>, vector<16xf32>,
        %sub3A_221 = vector.broadcast %squeeze3A_28 : f32 to vector<16xf32>
        %sub3A_222 = arith.subf %get3A_220, %sub3A_221 : vector<16xf32>
        %get3A_223 = arith.index_cast %mul3A_218 : i32 to index
        %get3A_224 = tpu.vector_load %arg10[%get3A_223] {strides = array<i32>} : memref<8208xf32, #tpu.memory_space<vmem>>, vector<16xf32>,
        %sub3A_225 = vector.broadcast %squeeze3A_32 : f32 to vector<16xf32>
        %sub3A_226 = arith.subf %get3A_224, %sub3A_225 : vector<16xf32>
        %get3A_227 = arith.index_cast %mul3A_218 : i32 to index
        %get3A_228 = tpu.vector_load %arg11[%get3A_227] {strides = array<i32>} : memref<8208xf32, #tpu.memory_space<vmem>>, vector<16xf32>,
        %sub3A_229 = vector.broadcast %squeeze3A_36 : f32 to vector<16xf32>
        %sub3A_230 = arith.subf %get3A_228, %sub3A_229 : vector<16xf32>
        %mul3A_231 = arith.mulf %sub3A_222, %sub3A_222 : vector<16xf32>
        %mul3A_232 = arith.mulf %sub3A_226, %sub3A_226 : vector<16xf32>
        %add3A_233 = arith.addf %mul3A_231, %mul3A_232 : vector<16xf32>
        %mul3A_234 = arith.mulf %sub3A_230, %sub3A_230 : vector<16xf32>
        %add3A_235 = arith.addf %add3A_233, %mul3A_234 : vector<16xf32>
        %ge3A_236 = vector.broadcast %squeeze3A_18 : i32 to vector<16xi32>
        %ge3A_237 = arith.cmpi sge, %add3A_216, %ge3A_236 : vector<16xi32>
        %lt3A = vector.broadcast %squeeze3A_24 : i32 to vector<16xi32>
        %lt3A_238 = arith.cmpi slt, %add3A_216, %lt3A : vector<16xi32>
        %and3A_239 = arith.andi %ge3A_237, %lt3A_238 : vector<16xi1>
        %le3A = arith.constant 1.600000e-01 : f32
        %le3A_240 = vector.broadcast %le3A : f32 to vector<16xf32>
        %le3A_241 = arith.cmpf ole, %add3A_235, %le3A_240 : vector<16xf32>
        %and3A_242 = arith.andi %and3A_239, %le3A_241 : vector<16xi1>
        %le3A_243 = arith.constant 4.000000e-02 : f32
        %le3A_244 = vector.broadcast %le3A_243 : f32 to vector<16xf32>
        %le3A_245 = arith.cmpf ole, %add3A_235, %le3A_244 : vector<16xf32>
        %and3A_246 = arith.andi %and3A_242, %le3A_245 : vector<16xi1>
        %lt3A_247 = arith.constant 64 : i32
        %lt3A_248 = arith.cmpi slt, %while3A_210, %lt3A_247 : i32
        %and3A_249 = vector.broadcast %lt3A_248 : i1 to vector<16xi1>
        %and3A_250 = arith.andi %and3A_246, %and3A_249 : vector<16xi1>
        %lt3A_251 = arith.constant 64 : i32
        %lt3A_252 = arith.cmpi slt, %while3A_211, %lt3A_251 : i32
        %and3A_253 = vector.broadcast %lt3A_252 : i1 to vector<16xi1>
        %and3A_254 = arith.andi %and3A_242, %and3A_253 : vector<16xi1>
        %mul3A_255 = arith.constant 80 : i32
        %mul3A_256 = arith.muli %scan3A_12, %mul3A_255 : i32
        %min3A_257 = arith.constant 64 : i32
        %min3A_258 = arith.minsi %while3A_210, %min3A_257 : i32
        %add3A_259 = arith.addi %mul3A_256, %min3A_258 : i32
        %swap3A_260 = arith.index_cast %add3A_259 : i32 to index
        %swap3A_261 = tpu.vector_load %arg14[%swap3A_260] masked %and3A_250 {strides = array<i32>} : memref<20480xi32, #tpu.memory_space<vmem>>, vector<16xi32>, vector<16xi1>
        tpu.vector_store %arg14[%swap3A_260], %add3A_216 masked %and3A_250 {strides = array<i32>} : memref<20480xi32, #tpu.memory_space<vmem>>, vector<16xi32>, vector<16xi1>
        %mul3A_262 = arith.constant 80 : i32
        %mul3A_263 = arith.muli %scan3A_12, %mul3A_262 : i32
        %min3A_264 = arith.constant 64 : i32
        %min3A_265 = arith.minsi %while3A_211, %min3A_264 : i32
        %add3A_266 = arith.addi %mul3A_263, %min3A_265 : i32
        %swap3A_267 = arith.index_cast %add3A_266 : i32 to index
        %swap3A_268 = tpu.vector_load %arg15[%swap3A_267] masked %and3A_254 {strides = array<i32>} : memref<20480xi32, #tpu.memory_space<vmem>>, vector<16xi32>, vector<16xi1>
        tpu.vector_store %arg15[%swap3A_267], %add3A_216 masked %and3A_254 {strides = array<i32>} : memref<20480xi32, #tpu.memory_space<vmem>>, vector<16xi32>, vector<16xi1>
        %convert_element_type3A = arith.extui %and3A_250 : vector<16xi1> to vector<16xi32>
        %reduce_sum3A = arith.constant true
        %reduce_sum3A_269 = vector.broadcast %reduce_sum3A : i1 to vector<16xi1>
        %reduce_sum3A_270 = tpu.scan <sum>, %convert_element_type3A masked %reduce_sum3A_269 : vector<16xi32>, vector<16xi1> -> vector<16xi32>
        %reduce_sum3A_271 = vector.extract %reduce_sum3A_270[15] : i32 from vector<16xi32>
        %add3A_272 = arith.addi %while3A_210, %reduce_sum3A_271 : i32
        %convert_element_type3A_273 = arith.extui %and3A_254 : vector<16xi1> to vector<16xi32>
        %reduce_sum3A_274 = arith.constant true
        %reduce_sum3A_275 = vector.broadcast %reduce_sum3A_274 : i1 to vector<16xi1>
        %reduce_sum3A_276 = tpu.scan <sum>, %convert_element_type3A_273 masked %reduce_sum3A_275 : vector<16xi32>, vector<16xi1> -> vector<16xi32>
        %reduce_sum3A_277 = vector.extract %reduce_sum3A_276[15] : i32 from vector<16xi32>
        %add3A_278 = arith.addi %while3A_211, %reduce_sum3A_277 : i32
        scf.yield %add3A_272, %add3A_278 : i32, i32
      }
      %while3A_88 = arith.constant 1 : i32
      %while3A_89:2 = scf.for %while3A_209 = %while3A_85 to %while3A_81 step %while3A_88 iter_args(%while3A_210 = %while3A_87#0, %while3A_211 = %while3A_87#1) -> (i32, i32)  : i32 {
        %mul3A_212 = arith.constant 16 : i32
        %mul3A_213 = arith.muli %while3A_209, %mul3A_212 : i32
        %iota3A_214 = tpu.iota {dimensions = array<i32: 0>} : vector<16xi32>
        %add3A_215 = vector.broadcast %mul3A_213 : i32 to vector<16xi32>
        %add3A_216 = arith.addi %add3A_215, %iota3A_214 : vector<16xi32>
        %mul3A_217 = arith.constant 16 : i32
        %mul3A_218 = arith.muli %while3A_209, %mul3A_217 : i32
        %get3A_219 = arith.index_cast %mul3A_218 : i32 to index
        %get3A_220 = tpu.vector_load %arg9[%get3A_219] {strides = array<i32>} : memref<8208xf32, #tpu.memory_space<vmem>>, vector<16xf32>,
        %sub3A_221 = vector.broadcast %squeeze3A_28 : f32 to vector<16xf32>
        %sub3A_222 = arith.subf %get3A_220, %sub3A_221 : vector<16xf32>
        %get3A_223 = arith.index_cast %mul3A_218 : i32 to index
        %get3A_224 = tpu.vector_load %arg10[%get3A_223] {strides = array<i32>} : memref<8208xf32, #tpu.memory_space<vmem>>, vector<16xf32>,
        %sub3A_225 = vector.broadcast %squeeze3A_32 : f32 to vector<16xf32>
        %sub3A_226 = arith.subf %get3A_224, %sub3A_225 : vector<16xf32>
        %get3A_227 = arith.index_cast %mul3A_218 : i32 to index
        %get3A_228 = tpu.vector_load %arg11[%get3A_227] {strides = array<i32>} : memref<8208xf32, #tpu.memory_space<vmem>>, vector<16xf32>,
        %sub3A_229 = vector.broadcast %squeeze3A_36 : f32 to vector<16xf32>
        %sub3A_230 = arith.subf %get3A_228, %sub3A_229 : vector<16xf32>
        %mul3A_231 = arith.mulf %sub3A_222, %sub3A_222 : vector<16xf32>
        %mul3A_232 = arith.mulf %sub3A_226, %sub3A_226 : vector<16xf32>
        %add3A_233 = arith.addf %mul3A_231, %mul3A_232 : vector<16xf32>
        %mul3A_234 = arith.mulf %sub3A_230, %sub3A_230 : vector<16xf32>
        %add3A_235 = arith.addf %add3A_233, %mul3A_234 : vector<16xf32>
        %ge3A_236 = vector.broadcast %squeeze3A_18 : i32 to vector<16xi32>
        %ge3A_237 = arith.cmpi sge, %add3A_216, %ge3A_236 : vector<16xi32>
        %lt3A = vector.broadcast %squeeze3A_24 : i32 to vector<16xi32>
        %lt3A_238 = arith.cmpi slt, %add3A_216, %lt3A : vector<16xi32>
        %and3A_239 = arith.andi %ge3A_237, %lt3A_238 : vector<16xi1>
        %le3A = arith.constant 1.600000e-01 : f32
        %le3A_240 = vector.broadcast %le3A : f32 to vector<16xf32>
        %le3A_241 = arith.cmpf ole, %add3A_235, %le3A_240 : vector<16xf32>
        %and3A_242 = arith.andi %and3A_239, %le3A_241 : vector<16xi1>
        %le3A_243 = arith.constant 4.000000e-02 : f32
        %le3A_244 = vector.broadcast %le3A_243 : f32 to vector<16xf32>
        %le3A_245 = arith.cmpf ole, %add3A_235, %le3A_244 : vector<16xf32>
        %and3A_246 = arith.andi %and3A_242, %le3A_245 : vector<16xi1>
        %lt3A_247 = arith.constant 64 : i32
        %lt3A_248 = arith.cmpi slt, %while3A_210, %lt3A_247 : i32
        %and3A_249 = vector.broadcast %lt3A_248 : i1 to vector<16xi1>
        %and3A_250 = arith.andi %and3A_246, %and3A_249 : vector<16xi1>
        %lt3A_251 = arith.constant 64 : i32
        %lt3A_252 = arith.cmpi slt, %while3A_211, %lt3A_251 : i32
        %and3A_253 = vector.broadcast %lt3A_252 : i1 to vector<16xi1>
        %and3A_254 = arith.andi %and3A_242, %and3A_253 : vector<16xi1>
        %mul3A_255 = arith.constant 80 : i32
        %mul3A_256 = arith.muli %scan3A_12, %mul3A_255 : i32
        %min3A_257 = arith.constant 64 : i32
        %min3A_258 = arith.minsi %while3A_210, %min3A_257 : i32
        %add3A_259 = arith.addi %mul3A_256, %min3A_258 : i32
        %swap3A_260 = arith.index_cast %add3A_259 : i32 to index
        %swap3A_261 = tpu.vector_load %arg14[%swap3A_260] masked %and3A_250 {strides = array<i32>} : memref<20480xi32, #tpu.memory_space<vmem>>, vector<16xi32>, vector<16xi1>
        tpu.vector_store %arg14[%swap3A_260], %add3A_216 masked %and3A_250 {strides = array<i32>} : memref<20480xi32, #tpu.memory_space<vmem>>, vector<16xi32>, vector<16xi1>
        %mul3A_262 = arith.constant 80 : i32
        %mul3A_263 = arith.muli %scan3A_12, %mul3A_262 : i32
        %min3A_264 = arith.constant 64 : i32
        %min3A_265 = arith.minsi %while3A_211, %min3A_264 : i32
        %add3A_266 = arith.addi %mul3A_263, %min3A_265 : i32
        %swap3A_267 = arith.index_cast %add3A_266 : i32 to index
        %swap3A_268 = tpu.vector_load %arg15[%swap3A_267] masked %and3A_254 {strides = array<i32>} : memref<20480xi32, #tpu.memory_space<vmem>>, vector<16xi32>, vector<16xi1>
        tpu.vector_store %arg15[%swap3A_267], %add3A_216 masked %and3A_254 {strides = array<i32>} : memref<20480xi32, #tpu.memory_space<vmem>>, vector<16xi32>, vector<16xi1>
        %convert_element_type3A = arith.extui %and3A_250 : vector<16xi1> to vector<16xi32>
        %reduce_sum3A = arith.constant true
        %reduce_sum3A_269 = vector.broadcast %reduce_sum3A : i1 to vector<16xi1>
        %reduce_sum3A_270 = tpu.scan <sum>, %convert_element_type3A masked %reduce_sum3A_269 : vector<16xi32>, vector<16xi1> -> vector<16xi32>
        %reduce_sum3A_271 = vector.extract %reduce_sum3A_270[15] : i32 from vector<16xi32>
        %add3A_272 = arith.addi %while3A_210, %reduce_sum3A_271 : i32
        %convert_element_type3A_273 = arith.extui %and3A_254 : vector<16xi1> to vector<16xi32>
        %reduce_sum3A_274 = arith.constant true
        %reduce_sum3A_275 = vector.broadcast %reduce_sum3A_274 : i1 to vector<16xi1>
        %reduce_sum3A_276 = tpu.scan <sum>, %convert_element_type3A_273 masked %reduce_sum3A_275 : vector<16xi32>, vector<16xi1> -> vector<16xi32>
        %reduce_sum3A_277 = vector.extract %reduce_sum3A_276[15] : i32 from vector<16xi32>
        %add3A_278 = arith.addi %while3A_211, %reduce_sum3A_277 : i32
        scf.yield %add3A_272, %add3A_278 : i32, i32
      }
      %min3A = arith.constant 64 : i32
      %min3A_90 = arith.minsi %while3A_89#0, %min3A : i32
      %min3A_91 = arith.constant 64 : i32
      %min3A_92 = arith.minsi %while3A_89#1, %min3A_91 : i32
      %iota3A = tpu.iota {dimensions = array<i32: 0>} : vector<16xi32>
      %add3A_93 = arith.constant 0 : i32
      %add3A_94 = vector.broadcast %add3A_93 : i32 to vector<16xi32>
      %add3A_95 = arith.addi %add3A_94, %iota3A : vector<16xi32>
      %mul3A_96 = arith.constant 80 : i32
      %mul3A_97 = arith.muli %scan3A_12, %mul3A_96 : i32
      %add3A_98 = arith.constant 0 : i32
      %add3A_99 = arith.addi %mul3A_97, %add3A_98 : i32
      %ge3A = vector.broadcast %min3A_90 : i32 to vector<16xi32>
      %ge3A_100 = arith.cmpi sge, %add3A_95, %ge3A : vector<16xi32>
      %get3A_101 = arith.index_cast %add3A_99 : i32 to index
      %get3A_102 = tpu.vector_load %arg14[%get3A_101] {strides = array<i32>} : memref<20480xi32, #tpu.memory_space<vmem>>, vector<16xi32>,
      %broadcast_in_dim3A = vector.broadcast %add3A_13 : i32 to vector<16xi32>
      %select_n3A_103 = arith.select %ge3A_100, %broadcast_in_dim3A, %get3A_102 : vector<16xi1>, vector<16xi32>
      %swap3A = arith.index_cast %add3A_99 : i32 to index
      %swap3A_104 = tpu.vector_load %arg14[%swap3A] {strides = array<i32>} : memref<20480xi32, #tpu.memory_space<vmem>>, vector<16xi32>,
      tpu.vector_store %arg14[%swap3A], %select_n3A_103 {strides = array<i32>} : memref<20480xi32, #tpu.memory_space<vmem>>, vector<16xi32>,
      %ge3A_105 = vector.broadcast %min3A_92 : i32 to vector<16xi32>
      %ge3A_106 = arith.cmpi sge, %add3A_95, %ge3A_105 : vector<16xi32>
      %get3A_107 = arith.index_cast %add3A_99 : i32 to index
      %get3A_108 = tpu.vector_load %arg15[%get3A_107] {strides = array<i32>} : memref<20480xi32, #tpu.memory_space<vmem>>, vector<16xi32>,
      %broadcast_in_dim3A_109 = vector.broadcast %add3A_13 : i32 to vector<16xi32>
      %select_n3A_110 = arith.select %ge3A_106, %broadcast_in_dim3A_109, %get3A_108 : vector<16xi1>, vector<16xi32>
      %swap3A_111 = arith.index_cast %add3A_99 : i32 to index
      %swap3A_112 = tpu.vector_load %arg15[%swap3A_111] {strides = array<i32>} : memref<20480xi32, #tpu.memory_space<vmem>>, vector<16xi32>,
      tpu.vector_store %arg15[%swap3A_111], %select_n3A_110 {strides = array<i32>} : memref<20480xi32, #tpu.memory_space<vmem>>, vector<16xi32>,
      %iota3A_113 = tpu.iota {dimensions = array<i32: 0>} : vector<16xi32>
      %add3A_114 = arith.constant 16 : i32
      %add3A_115 = vector.broadcast %add3A_114 : i32 to vector<16xi32>
      %add3A_116 = arith.addi %add3A_115, %iota3A_113 : vector<16xi32>
      %mul3A_117 = arith.constant 80 : i32
      %mul3A_118 = arith.muli %scan3A_12, %mul3A_117 : i32
      %add3A_119 = arith.constant 16 : i32
      %add3A_120 = arith.addi %mul3A_118, %add3A_119 : i32
      %ge3A_121 = vector.broadcast %min3A_90 : i32 to vector<16xi32>
      %ge3A_122 = arith.cmpi sge, %add3A_116, %ge3A_121 : vector<16xi32>
      %get3A_123 = arith.index_cast %add3A_120 : i32 to index
      %get3A_124 = tpu.vector_load %arg14[%get3A_123] {strides = array<i32>} : memref<20480xi32, #tpu.memory_space<vmem>>, vector<16xi32>,
      %broadcast_in_dim3A_125 = vector.broadcast %add3A_13 : i32 to vector<16xi32>
      %select_n3A_126 = arith.select %ge3A_122, %broadcast_in_dim3A_125, %get3A_124 : vector<16xi1>, vector<16xi32>
      %swap3A_127 = arith.index_cast %add3A_120 : i32 to index
      %swap3A_128 = tpu.vector_load %arg14[%swap3A_127] {strides = array<i32>} : memref<20480xi32, #tpu.memory_space<vmem>>, vector<16xi32>,
      tpu.vector_store %arg14[%swap3A_127], %select_n3A_126 {strides = array<i32>} : memref<20480xi32, #tpu.memory_space<vmem>>, vector<16xi32>,
      %ge3A_129 = vector.broadcast %min3A_92 : i32 to vector<16xi32>
      %ge3A_130 = arith.cmpi sge, %add3A_116, %ge3A_129 : vector<16xi32>
      %get3A_131 = arith.index_cast %add3A_120 : i32 to index
      %get3A_132 = tpu.vector_load %arg15[%get3A_131] {strides = array<i32>} : memref<20480xi32, #tpu.memory_space<vmem>>, vector<16xi32>,
      %broadcast_in_dim3A_133 = vector.broadcast %add3A_13 : i32 to vector<16xi32>
      %select_n3A_134 = arith.select %ge3A_130, %broadcast_in_dim3A_133, %get3A_132 : vector<16xi1>, vector<16xi32>
      %swap3A_135 = arith.index_cast %add3A_120 : i32 to index
      %swap3A_136 = tpu.vector_load %arg15[%swap3A_135] {strides = array<i32>} : memref<20480xi32, #tpu.memory_space<vmem>>, vector<16xi32>,
      tpu.vector_store %arg15[%swap3A_135], %select_n3A_134 {strides = array<i32>} : memref<20480xi32, #tpu.memory_space<vmem>>, vector<16xi32>,
      %iota3A_137 = tpu.iota {dimensions = array<i32: 0>} : vector<16xi32>
      %add3A_138 = arith.constant 32 : i32
      %add3A_139 = vector.broadcast %add3A_138 : i32 to vector<16xi32>
      %add3A_140 = arith.addi %add3A_139, %iota3A_137 : vector<16xi32>
      %mul3A_141 = arith.constant 80 : i32
      %mul3A_142 = arith.muli %scan3A_12, %mul3A_141 : i32
      %add3A_143 = arith.constant 32 : i32
      %add3A_144 = arith.addi %mul3A_142, %add3A_143 : i32
      %ge3A_145 = vector.broadcast %min3A_90 : i32 to vector<16xi32>
      %ge3A_146 = arith.cmpi sge, %add3A_140, %ge3A_145 : vector<16xi32>
      %get3A_147 = arith.index_cast %add3A_144 : i32 to index
      %get3A_148 = tpu.vector_load %arg14[%get3A_147] {strides = array<i32>} : memref<20480xi32, #tpu.memory_space<vmem>>, vector<16xi32>,
      %broadcast_in_dim3A_149 = vector.broadcast %add3A_13 : i32 to vector<16xi32>
      %select_n3A_150 = arith.select %ge3A_146, %broadcast_in_dim3A_149, %get3A_148 : vector<16xi1>, vector<16xi32>
      %swap3A_151 = arith.index_cast %add3A_144 : i32 to index
      %swap3A_152 = tpu.vector_load %arg14[%swap3A_151] {strides = array<i32>} : memref<20480xi32, #tpu.memory_space<vmem>>, vector<16xi32>,
      tpu.vector_store %arg14[%swap3A_151], %select_n3A_150 {strides = array<i32>} : memref<20480xi32, #tpu.memory_space<vmem>>, vector<16xi32>,
      %ge3A_153 = vector.broadcast %min3A_92 : i32 to vector<16xi32>
      %ge3A_154 = arith.cmpi sge, %add3A_140, %ge3A_153 : vector<16xi32>
      %get3A_155 = arith.index_cast %add3A_144 : i32 to index
      %get3A_156 = tpu.vector_load %arg15[%get3A_155] {strides = array<i32>} : memref<20480xi32, #tpu.memory_space<vmem>>, vector<16xi32>,
      %broadcast_in_dim3A_157 = vector.broadcast %add3A_13 : i32 to vector<16xi32>
      %select_n3A_158 = arith.select %ge3A_154, %broadcast_in_dim3A_157, %get3A_156 : vector<16xi1>, vector<16xi32>
      %swap3A_159 = arith.index_cast %add3A_144 : i32 to index
      %swap3A_160 = tpu.vector_load %arg15[%swap3A_159] {strides = array<i32>} : memref<20480xi32, #tpu.memory_space<vmem>>, vector<16xi32>,
      tpu.vector_store %arg15[%swap3A_159], %select_n3A_158 {strides = array<i32>} : memref<20480xi32, #tpu.memory_space<vmem>>, vector<16xi32>,
      %iota3A_161 = tpu.iota {dimensions = array<i32: 0>} : vector<16xi32>
      %add3A_162 = arith.constant 48 : i32
      %add3A_163 = vector.broadcast %add3A_162 : i32 to vector<16xi32>
      %add3A_164 = arith.addi %add3A_163, %iota3A_161 : vector<16xi32>
      %mul3A_165 = arith.constant 80 : i32
      %mul3A_166 = arith.muli %scan3A_12, %mul3A_165 : i32
      %add3A_167 = arith.constant 48 : i32
      %add3A_168 = arith.addi %mul3A_166, %add3A_167 : i32
      %ge3A_169 = vector.broadcast %min3A_90 : i32 to vector<16xi32>
      %ge3A_170 = arith.cmpi sge, %add3A_164, %ge3A_169 : vector<16xi32>
      %get3A_171 = arith.index_cast %add3A_168 : i32 to index
      %get3A_172 = tpu.vector_load %arg14[%get3A_171] {strides = array<i32>} : memref<20480xi32, #tpu.memory_space<vmem>>, vector<16xi32>,
      %broadcast_in_dim3A_173 = vector.broadcast %add3A_13 : i32 to vector<16xi32>
      %select_n3A_174 = arith.select %ge3A_170, %broadcast_in_dim3A_173, %get3A_172 : vector<16xi1>, vector<16xi32>
      %swap3A_175 = arith.index_cast %add3A_168 : i32 to index
      %swap3A_176 = tpu.vector_load %arg14[%swap3A_175] {strides = array<i32>} : memref<20480xi32, #tpu.memory_space<vmem>>, vector<16xi32>,
      tpu.vector_store %arg14[%swap3A_175], %select_n3A_174 {strides = array<i32>} : memref<20480xi32, #tpu.memory_space<vmem>>, vector<16xi32>,
      %ge3A_177 = vector.broadcast %min3A_92 : i32 to vector<16xi32>
      %ge3A_178 = arith.cmpi sge, %add3A_164, %ge3A_177 : vector<16xi32>
      %get3A_179 = arith.index_cast %add3A_168 : i32 to index
      %get3A_180 = tpu.vector_load %arg15[%get3A_179] {strides = array<i32>} : memref<20480xi32, #tpu.memory_space<vmem>>, vector<16xi32>,
      %broadcast_in_dim3A_181 = vector.broadcast %add3A_13 : i32 to vector<16xi32>
      %select_n3A_182 = arith.select %ge3A_178, %broadcast_in_dim3A_181, %get3A_180 : vector<16xi1>, vector<16xi32>
      %swap3A_183 = arith.index_cast %add3A_168 : i32 to index
      %swap3A_184 = tpu.vector_load %arg15[%swap3A_183] {strides = array<i32>} : memref<20480xi32, #tpu.memory_space<vmem>>, vector<16xi32>,
      tpu.vector_store %arg15[%swap3A_183], %select_n3A_182 {strides = array<i32>} : memref<20480xi32, #tpu.memory_space<vmem>>, vector<16xi32>,
      %iota3A_185 = tpu.iota {dimensions = array<i32: 0>} : vector<16xi32>
      %add3A_186 = arith.constant 64 : i32
      %add3A_187 = vector.broadcast %add3A_186 : i32 to vector<16xi32>
      %add3A_188 = arith.addi %add3A_187, %iota3A_185 : vector<16xi32>
      %mul3A_189 = arith.constant 80 : i32
      %mul3A_190 = arith.muli %scan3A_12, %mul3A_189 : i32
      %add3A_191 = arith.constant 64 : i32
      %add3A_192 = arith.addi %mul3A_190, %add3A_191 : i32
      %ge3A_193 = vector.broadcast %min3A_90 : i32 to vector<16xi32>
      %ge3A_194 = arith.cmpi sge, %add3A_188, %ge3A_193 : vector<16xi32>
      %get3A_195 = arith.index_cast %add3A_192 : i32 to index
      %get3A_196 = tpu.vector_load %arg14[%get3A_195] {strides = array<i32>} : memref<20480xi32, #tpu.memory_space<vmem>>, vector<16xi32>,
      %broadcast_in_dim3A_197 = vector.broadcast %add3A_13 : i32 to vector<16xi32>
      %select_n3A_198 = arith.select %ge3A_194, %broadcast_in_dim3A_197, %get3A_196 : vector<16xi1>, vector<16xi32>
      %swap3A_199 = arith.index_cast %add3A_192 : i32 to index
      %swap3A_200 = tpu.vector_load %arg14[%swap3A_199] {strides = array<i32>} : memref<20480xi32, #tpu.memory_space<vmem>>, vector<16xi32>,
      tpu.vector_store %arg14[%swap3A_199], %select_n3A_198 {strides = array<i32>} : memref<20480xi32, #tpu.memory_space<vmem>>, vector<16xi32>,
      %ge3A_201 = vector.broadcast %min3A_92 : i32 to vector<16xi32>
      %ge3A_202 = arith.cmpi sge, %add3A_188, %ge3A_201 : vector<16xi32>
      %get3A_203 = arith.index_cast %add3A_192 : i32 to index
      %get3A_204 = tpu.vector_load %arg15[%get3A_203] {strides = array<i32>} : memref<20480xi32, #tpu.memory_space<vmem>>, vector<16xi32>,
      %broadcast_in_dim3A_205 = vector.broadcast %add3A_13 : i32 to vector<16xi32>
      %select_n3A_206 = arith.select %ge3A_202, %broadcast_in_dim3A_205, %get3A_204 : vector<16xi1>, vector<16xi32>
      %swap3A_207 = arith.index_cast %add3A_192 : i32 to index
      %swap3A_208 = tpu.vector_load %arg15[%swap3A_207] {strides = array<i32>} : memref<20480xi32, #tpu.memory_space<vmem>>, vector<16xi32>,
      tpu.vector_store %arg15[%swap3A_207], %select_n3A_206 {strides = array<i32>} : memref<20480xi32, #tpu.memory_space<vmem>>, vector<16xi32>,
    }
    %scan3A_7 = arith.constant 256 : i32
    %mul3A_8 = arith.constant 80 : i32
    %mul3A_9 = arith.muli %mul3A_2, %mul3A_8 : i32
    "tpu.region"() ({
      %run_scoped3A = tpu.sem_alloc : memref<!tpu.dma_semaphore, #tpu.memory_space<semaphore_mem>>
      %dma_start3A = tpu.memref_slice %arg7[%mul3A_9] : memref<655360xi32, #tpu.memory_space<hbm>> -> memref<20480xi32, #tpu.memory_space<hbm>>
      %dma_start3A_12 = tpu.memref_slice %arg7[%mul3A_9] : memref<655360xi32, #tpu.memory_space<hbm>> -> memref<20480xi32, #tpu.memory_space<hbm>>
      tpu.enqueue_dma source(%arg14 : memref<20480xi32, #tpu.memory_space<vmem>>) target(%dma_start3A_12 : memref<20480xi32, #tpu.memory_space<hbm>>) target_semaphore(%run_scoped3A : memref<!tpu.dma_semaphore, #tpu.memory_space<semaphore_mem>>)
      %dma_wait3A = tpu.memref_slice %arg7[%mul3A_9] : memref<655360xi32, #tpu.memory_space<hbm>> -> memref<20480xi32, #tpu.memory_space<hbm>>
      %dma_wait3A_13 = tpu.memref_slice %arg7[%mul3A_9] : memref<655360xi32, #tpu.memory_space<hbm>> -> memref<20480xi32, #tpu.memory_space<hbm>>
      tpu.wait_dma2 semaphore(%run_scoped3A : memref<!tpu.dma_semaphore, #tpu.memory_space<semaphore_mem>>) src(%arg14 : memref<20480xi32, #tpu.memory_space<vmem>>) dst(%dma_wait3A_13 : memref<20480xi32, #tpu.memory_space<hbm>>)
      tpu.yield
    }) : () -> ()
    %mul3A_10 = arith.constant 80 : i32
    %mul3A_11 = arith.muli %mul3A_2, %mul3A_10 : i32
    "tpu.region"() ({
      %run_scoped3A = tpu.sem_alloc : memref<!tpu.dma_semaphore, #tpu.memory_space<semaphore_mem>>
      %dma_start3A = tpu.memref_slice %arg8[%mul3A_11] : memref<655360xi32, #tpu.memory_space<hbm>> -> memref<20480xi32, #tpu.memory_space<hbm>>
      %dma_start3A_12 = tpu.memref_slice %arg8[%mul3A_11] : memref<655360xi32, #tpu.memory_space<hbm>> -> memref<20480xi32, #tpu.memory_space<hbm>>
      tpu.enqueue_dma source(%arg15 : memref<20480xi32, #tpu.memory_space<vmem>>) target(%dma_start3A_12 : memref<20480xi32, #tpu.memory_space<hbm>>) target_semaphore(%run_scoped3A : memref<!tpu.dma_semaphore, #tpu.memory_space<semaphore_mem>>)
      %dma_wait3A = tpu.memref_slice %arg8[%mul3A_11] : memref<655360xi32, #tpu.memory_space<hbm>> -> memref<20480xi32, #tpu.memory_space<hbm>>
      %dma_wait3A_13 = tpu.memref_slice %arg8[%mul3A_11] : memref<655360xi32, #tpu.memory_space<hbm>> -> memref<20480xi32, #tpu.memory_space<hbm>>
      tpu.wait_dma2 semaphore(%run_scoped3A : memref<!tpu.dma_semaphore, #tpu.memory_space<semaphore_mem>>) src(%arg15 : memref<20480xi32, #tpu.memory_space<vmem>>) dst(%dma_wait3A_13 : memref<20480xi32, #tpu.memory_space<hbm>>)
      tpu.yield
    }) : () -> ()
    return
  }
}

module attributes {stable_mosaic.version = 14 : i64} {
  func.func @_sa_body(%arg0: i32, %arg1: memref<64xi32, #tpu.memory_space<smem>>, %arg2: memref<64xi32, #tpu.memory_space<smem>>, %arg3: memref<8x8192xf32, #tpu.memory_space<vmem>>, %arg4: memref<8x128xf32, #tpu.memory_space<vmem>>, %arg5: memref<1x1x10240xi32, #tpu.memory_space<vmem>>, %arg6: memref<64x8xf32, #tpu.memory_space<vmem>>, %arg7: memref<64x8xf32, #tpu.memory_space<vmem>>, %arg8: memref<64x1xf32, #tpu.memory_space<vmem>>, %arg9: memref<64x64xf32, #tpu.memory_space<vmem>>, %arg10: memref<64x1xf32, #tpu.memory_space<vmem>>, %arg11: memref<128x64xf32, #tpu.memory_space<vmem>>, %arg12: memref<128x1xf32, #tpu.memory_space<vmem>>, %arg13: memref<128x128xf32, #tpu.memory_space<vmem>>, %arg14: memref<64x10240xf32, #tpu.memory_space<vmem>>) attributes {dimension_semantics = [#tpu.dimension_semantics<arbitrary>], iteration_bounds = array<i64: 64>, scalar_prefetch = 2 : i64, scratch_operands = 1 : i64, tpu.core_type = #tpu.core_type<tc>, window_params = [{pipeline_mode = #tpu.pipeline_mode<synchronous>, transform_indices = @transform_0, window_bounds = array<i64: 8, 8192>}, {transform_indices = @transform_1, window_bounds = array<i64: 8, 128>}, {transform_indices = @transform_2, window_bounds = array<i64: 1, 1, 10240>}, {pipeline_mode = #tpu.pipeline_mode<synchronous>, transform_indices = @transform_3, window_bounds = array<i64: 64, 8>}, {pipeline_mode = #tpu.pipeline_mode<synchronous>, transform_indices = @transform_4, window_bounds = array<i64: 64, 8>}, {pipeline_mode = #tpu.pipeline_mode<synchronous>, transform_indices = @transform_5, window_bounds = array<i64: 64, 1>}, {pipeline_mode = #tpu.pipeline_mode<synchronous>, transform_indices = @transform_6, window_bounds = array<i64: 64, 64>}, {pipeline_mode = #tpu.pipeline_mode<synchronous>, transform_indices = @transform_7, window_bounds = array<i64: 64, 1>}, {pipeline_mode = #tpu.pipeline_mode<synchronous>, transform_indices = @transform_8, window_bounds = array<i64: 128, 64>}, {pipeline_mode = #tpu.pipeline_mode<synchronous>, transform_indices = @transform_9, window_bounds = array<i64: 128, 1>}, {transform_indices = @transform_10, window_bounds = array<i64: 128, 128>}]} {
    %get3A = arith.index_cast %arg0 : i32 to index
    %get3A_0 = memref.load %arg1[%get3A] : memref<64xi32, #tpu.memory_space<smem>>
    %get3A_1 = arith.index_cast %arg0 : i32 to index
    %get3A_2 = memref.load %arg2[%get3A_1] : memref<64xi32, #tpu.memory_space<smem>>
    %get3A_3 = arith.constant 0 : index
    %get3A_4 = arith.constant 0 : index
    %get3A_5 = arith.constant 0 : index
    %get3A_6 = vector.load %arg5[%get3A_3, %get3A_4, %get3A_5] : memref<1x1x10240xi32, #tpu.memory_space<vmem>>, vector<1x1x10240xi32>
    %get3A_7 = vector.shape_cast %get3A_6 : vector<1x1x10240xi32> to vector<1x10240xi32>
    %broadcast_in_dim3A = arith.constant 0.000000e+00 : f32
    %broadcast_in_dim3A_8 = vector.broadcast %broadcast_in_dim3A : f32 to vector<64x10240xf32>
    %swap3A = arith.constant 0 : index
    %swap3A_9 = arith.constant 0 : index
    %swap3A_10 = vector.load %arg14[%swap3A, %swap3A_9] : memref<64x10240xf32, #tpu.memory_space<vmem>>, vector<64x10240xf32>
    tpu.vector_store %arg14[%swap3A, %swap3A_9], %broadcast_in_dim3A_8 {strides = array<i32>} : memref<64x10240xf32, #tpu.memory_space<vmem>>, vector<64x10240xf32>,
    %while3A = arith.constant 0 : i32
    %while3A_11 = arith.subi %get3A_2, %get3A_0 : i32
    %while3A_12 = arith.addi %get3A_0, %while3A_11 : i32
    %while3A_13 = arith.constant 1 : i32
    %while3A_14 = arith.divsi %while3A_11, %while3A_13 : i32
    %while3A_15 = arith.muli %while3A_14, %while3A_13 : i32
    %while3A_16 = arith.addi %get3A_0, %while3A_15 : i32
    %while3A_17 = arith.constant 1 : i32
    scf.for %while3A_615 = %get3A_0 to %while3A_16 step %while3A_17  : i32 {
      %mul3A = arith.constant 256 : i32
      %mul3A_616 = arith.muli %while3A_615, %mul3A : i32
      %get3A_617 = arith.constant 0 : index
      %get3A_618 = arith.index_cast %mul3A_616 : i32 to index
      %get3A_619 = vector.load %arg3[%get3A_617, %get3A_618] : memref<8x8192xf32, #tpu.memory_space<vmem>>, vector<8x256xf32>
      %get3A_620 = arith.constant 0 : index
      %get3A_621 = arith.constant 0 : index
      %get3A_622 = vector.load %arg6[%get3A_620, %get3A_621] : memref<64x8xf32, #tpu.memory_space<vmem>>, vector<64x8xf32>
      %dot_general3A_623 = arith.constant dense<0.000000e+00> : vector<64x256xf32>
      %dot_general3A_624 = tpu.matmul %get3A_622, %get3A_619, %dot_general3A_623 {dimension_numbers = #tpu.dot_dimension_numbers<[1], [0], [0], [1], [0, 0, 1, 1], [], []>, transpose_lhs_hint = false} : vector<64x8xf32>, vector<8x256xf32>, vector<64x256xf32> -> vector<64x256xf32>
      %mul3A_625 = arith.constant 256 : i32
      %mul3A_626 = arith.muli %while3A_615, %mul3A_625 : i32
      %iota3A = tpu.iota {dimensions = array<i32: 0>} : vector<256x1xi32>
      %add3A_627 = vector.broadcast %mul3A_626 : i32 to vector<256x1xi32>
      %add3A_628 = arith.addi %add3A_627, %iota3A : vector<256x1xi32>
      %eq3A = vector.broadcast %get3A_7 : vector<1x10240xi32> to vector<256x10240xi32>
      %eq3A_629 = vector.broadcast %add3A_628 : vector<256x1xi32> to vector<256x10240xi32>
      %eq3A_630 = arith.cmpi eq, %eq3A, %eq3A_629 : vector<256x10240xi32>
      %jit3A = arith.constant 1.000000e+00 : f32
      %jit3A_631 = arith.constant 0.000000e+00 : f32
      %broadcast_in_dim3A_632 = vector.broadcast %jit3A : f32 to vector<256x10240xf32>
      %broadcast_in_dim3A_633 = vector.broadcast %jit3A_631 : f32 to vector<256x10240xf32>
      %select_n3A = arith.select %eq3A_630, %broadcast_in_dim3A_632, %broadcast_in_dim3A_633 : vector<256x10240xi1>, vector<256x10240xf32>
      %get3A_634 = arith.constant 0 : index
      %get3A_635 = arith.constant 0 : index
      %get3A_636 = vector.load %arg14[%get3A_634, %get3A_635] : memref<64x10240xf32, #tpu.memory_space<vmem>>, vector<64x10240xf32>
      %dot_general3A_637 = arith.constant dense<0.000000e+00> : vector<64x10240xf32>
      %dot_general3A_638 = tpu.matmul %dot_general3A_624, %select_n3A, %dot_general3A_637 {dimension_numbers = #tpu.dot_dimension_numbers<[1], [0], [0], [1], [0, 0, 1, 1], [], []>, transpose_lhs_hint = false} : vector<64x256xf32>, vector<256x10240xf32>, vector<64x10240xf32> -> vector<64x10240xf32>
      %add3A_639 = arith.addf %get3A_636, %dot_general3A_638 : vector<64x10240xf32>
      %swap3A_640 = arith.constant 0 : index
      %swap3A_641 = arith.constant 0 : index
      %swap3A_642 = vector.load %arg14[%swap3A_640, %swap3A_641] : memref<64x10240xf32, #tpu.memory_space<vmem>>, vector<64x10240xf32>
      tpu.vector_store %arg14[%swap3A_640, %swap3A_641], %add3A_639 {strides = array<i32>} : memref<64x10240xf32, #tpu.memory_space<vmem>>, vector<64x10240xf32>,
    }
    %while3A_18 = arith.constant 1 : i32
    scf.for %while3A_615 = %while3A_16 to %while3A_12 step %while3A_18  : i32 {
      %mul3A = arith.constant 256 : i32
      %mul3A_616 = arith.muli %while3A_615, %mul3A : i32
      %get3A_617 = arith.constant 0 : index
      %get3A_618 = arith.index_cast %mul3A_616 : i32 to index
      %get3A_619 = vector.load %arg3[%get3A_617, %get3A_618] : memref<8x8192xf32, #tpu.memory_space<vmem>>, vector<8x256xf32>
      %get3A_620 = arith.constant 0 : index
      %get3A_621 = arith.constant 0 : index
      %get3A_622 = vector.load %arg6[%get3A_620, %get3A_621] : memref<64x8xf32, #tpu.memory_space<vmem>>, vector<64x8xf32>
      %dot_general3A_623 = arith.constant dense<0.000000e+00> : vector<64x256xf32>
      %dot_general3A_624 = tpu.matmul %get3A_622, %get3A_619, %dot_general3A_623 {dimension_numbers = #tpu.dot_dimension_numbers<[1], [0], [0], [1], [0, 0, 1, 1], [], []>, transpose_lhs_hint = false} : vector<64x8xf32>, vector<8x256xf32>, vector<64x256xf32> -> vector<64x256xf32>
      %mul3A_625 = arith.constant 256 : i32
      %mul3A_626 = arith.muli %while3A_615, %mul3A_625 : i32
      %iota3A = tpu.iota {dimensions = array<i32: 0>} : vector<256x1xi32>
      %add3A_627 = vector.broadcast %mul3A_626 : i32 to vector<256x1xi32>
      %add3A_628 = arith.addi %add3A_627, %iota3A : vector<256x1xi32>
      %eq3A = vector.broadcast %get3A_7 : vector<1x10240xi32> to vector<256x10240xi32>
      %eq3A_629 = vector.broadcast %add3A_628 : vector<256x1xi32> to vector<256x10240xi32>
      %eq3A_630 = arith.cmpi eq, %eq3A, %eq3A_629 : vector<256x10240xi32>
      %jit3A = arith.constant 1.000000e+00 : f32
      %jit3A_631 = arith.constant 0.000000e+00 : f32
      %broadcast_in_dim3A_632 = vector.broadcast %jit3A : f32 to vector<256x10240xf32>
      %broadcast_in_dim3A_633 = vector.broadcast %jit3A_631 : f32 to vector<256x10240xf32>
      %select_n3A = arith.select %eq3A_630, %broadcast_in_dim3A_632, %broadcast_in_dim3A_633 : vector<256x10240xi1>, vector<256x10240xf32>
      %get3A_634 = arith.constant 0 : index
      %get3A_635 = arith.constant 0 : index
      %get3A_636 = vector.load %arg14[%get3A_634, %get3A_635] : memref<64x10240xf32, #tpu.memory_space<vmem>>, vector<64x10240xf32>
      %dot_general3A_637 = arith.constant dense<0.000000e+00> : vector<64x10240xf32>
      %dot_general3A_638 = tpu.matmul %dot_general3A_624, %select_n3A, %dot_general3A_637 {dimension_numbers = #tpu.dot_dimension_numbers<[1], [0], [0], [1], [0, 0, 1, 1], [], []>, transpose_lhs_hint = false} : vector<64x256xf32>, vector<256x10240xf32>, vector<64x10240xf32> -> vector<64x10240xf32>
      %add3A_639 = arith.addf %get3A_636, %dot_general3A_638 : vector<64x10240xf32>
      %swap3A_640 = arith.constant 0 : index
      %swap3A_641 = arith.constant 0 : index
      %swap3A_642 = vector.load %arg14[%swap3A_640, %swap3A_641] : memref<64x10240xf32, #tpu.memory_space<vmem>>, vector<64x10240xf32>
      tpu.vector_store %arg14[%swap3A_640, %swap3A_641], %add3A_639 {strides = array<i32>} : memref<64x10240xf32, #tpu.memory_space<vmem>>, vector<64x10240xf32>,
    }
    %get3A_19 = arith.constant 0 : index
    %get3A_20 = arith.constant 0 : index
    %get3A_21 = vector.load %arg7[%get3A_19, %get3A_20] : memref<64x8xf32, #tpu.memory_space<vmem>>, vector<64x8xf32>
    %get3A_22 = arith.constant 0 : index
    %get3A_23 = arith.constant 0 : index
    %get3A_24 = vector.load %arg4[%get3A_22, %get3A_23] : memref<8x128xf32, #tpu.memory_space<vmem>>, vector<8x128xf32>
    %dot_general3A = arith.constant dense<0.000000e+00> : vector<64x128xf32>
    %dot_general3A_25 = tpu.matmul %get3A_21, %get3A_24, %dot_general3A {dimension_numbers = #tpu.dot_dimension_numbers<[1], [0], [0], [1], [0, 0, 1, 1], [], []>, transpose_lhs_hint = false} : vector<64x8xf32>, vector<8x128xf32>, vector<64x128xf32> -> vector<64x128xf32>
    %get3A_26 = arith.constant 0 : index
    %get3A_27 = arith.constant 0 : index
    %get3A_28 = vector.load %arg8[%get3A_26, %get3A_27] : memref<64x1xf32, #tpu.memory_space<vmem>>, vector<64x1xf32>
    %sub3A = vector.broadcast %get3A_28 : vector<64x1xf32> to vector<64x128xf32>
    %sub3A_29 = arith.subf %dot_general3A_25, %sub3A : vector<64x128xf32>
    %get3A_30 = arith.constant 0 : index
    %get3A_31 = arith.constant 0 : index
    %get3A_32 = vector.load %arg14[%get3A_30, %get3A_31] : memref<64x10240xf32, #tpu.memory_space<vmem>>, vector<64x10240xf32>
    %slice3A = vector.extract_strided_slice %get3A_32 {offsets = [0, 0], sizes = [64, 128], strides = [1, 1]} : vector<64x10240xf32> to vector<64x128xf32>
    %sub3A_33 = arith.subf %slice3A, %sub3A_29 : vector<64x128xf32>
    %max3A = arith.constant 0.000000e+00 : f32
    %max3A_34 = vector.broadcast %max3A : f32 to vector<64x128xf32>
    %max3A_35 = arith.maximumf %sub3A_33, %max3A_34 : vector<64x128xf32>
    %slice3A_36 = vector.extract_strided_slice %get3A_32 {offsets = [0, 128], sizes = [64, 128], strides = [1, 1]} : vector<64x10240xf32> to vector<64x128xf32>
    %sub3A_37 = arith.subf %slice3A_36, %sub3A_29 : vector<64x128xf32>
    %max3A_38 = arith.constant 0.000000e+00 : f32
    %max3A_39 = vector.broadcast %max3A_38 : f32 to vector<64x128xf32>
    %max3A_40 = arith.maximumf %sub3A_37, %max3A_39 : vector<64x128xf32>
    %slice3A_41 = vector.extract_strided_slice %get3A_32 {offsets = [0, 256], sizes = [64, 128], strides = [1, 1]} : vector<64x10240xf32> to vector<64x128xf32>
    %sub3A_42 = arith.subf %slice3A_41, %sub3A_29 : vector<64x128xf32>
    %max3A_43 = arith.constant 0.000000e+00 : f32
    %max3A_44 = vector.broadcast %max3A_43 : f32 to vector<64x128xf32>
    %max3A_45 = arith.maximumf %sub3A_42, %max3A_44 : vector<64x128xf32>
    %slice3A_46 = vector.extract_strided_slice %get3A_32 {offsets = [0, 384], sizes = [64, 128], strides = [1, 1]} : vector<64x10240xf32> to vector<64x128xf32>
    %sub3A_47 = arith.subf %slice3A_46, %sub3A_29 : vector<64x128xf32>
    %max3A_48 = arith.constant 0.000000e+00 : f32
    %max3A_49 = vector.broadcast %max3A_48 : f32 to vector<64x128xf32>
    %max3A_50 = arith.maximumf %sub3A_47, %max3A_49 : vector<64x128xf32>
    %slice3A_51 = vector.extract_strided_slice %get3A_32 {offsets = [0, 512], sizes = [64, 128], strides = [1, 1]} : vector<64x10240xf32> to vector<64x128xf32>
    %sub3A_52 = arith.subf %slice3A_51, %sub3A_29 : vector<64x128xf32>
    %max3A_53 = arith.constant 0.000000e+00 : f32
    %max3A_54 = vector.broadcast %max3A_53 : f32 to vector<64x128xf32>
    %max3A_55 = arith.maximumf %sub3A_52, %max3A_54 : vector<64x128xf32>
    %slice3A_56 = vector.extract_strided_slice %get3A_32 {offsets = [0, 640], sizes = [64, 128], strides = [1, 1]} : vector<64x10240xf32> to vector<64x128xf32>
    %sub3A_57 = arith.subf %slice3A_56, %sub3A_29 : vector<64x128xf32>
    %max3A_58 = arith.constant 0.000000e+00 : f32
    %max3A_59 = vector.broadcast %max3A_58 : f32 to vector<64x128xf32>
    %max3A_60 = arith.maximumf %sub3A_57, %max3A_59 : vector<64x128xf32>
    %slice3A_61 = vector.extract_strided_slice %get3A_32 {offsets = [0, 768], sizes = [64, 128], strides = [1, 1]} : vector<64x10240xf32> to vector<64x128xf32>
    %sub3A_62 = arith.subf %slice3A_61, %sub3A_29 : vector<64x128xf32>
    %max3A_63 = arith.constant 0.000000e+00 : f32
    %max3A_64 = vector.broadcast %max3A_63 : f32 to vector<64x128xf32>
    %max3A_65 = arith.maximumf %sub3A_62, %max3A_64 : vector<64x128xf32>
    %slice3A_66 = vector.extract_strided_slice %get3A_32 {offsets = [0, 896], sizes = [64, 128], strides = [1, 1]} : vector<64x10240xf32> to vector<64x128xf32>
    %sub3A_67 = arith.subf %slice3A_66, %sub3A_29 : vector<64x128xf32>
    %max3A_68 = arith.constant 0.000000e+00 : f32
    %max3A_69 = vector.broadcast %max3A_68 : f32 to vector<64x128xf32>
    %max3A_70 = arith.maximumf %sub3A_67, %max3A_69 : vector<64x128xf32>
    %slice3A_71 = vector.extract_strided_slice %get3A_32 {offsets = [0, 1024], sizes = [64, 128], strides = [1, 1]} : vector<64x10240xf32> to vector<64x128xf32>
    %sub3A_72 = arith.subf %slice3A_71, %sub3A_29 : vector<64x128xf32>
    %max3A_73 = arith.constant 0.000000e+00 : f32
    %max3A_74 = vector.broadcast %max3A_73 : f32 to vector<64x128xf32>
    %max3A_75 = arith.maximumf %sub3A_72, %max3A_74 : vector<64x128xf32>
    %slice3A_76 = vector.extract_strided_slice %get3A_32 {offsets = [0, 1152], sizes = [64, 128], strides = [1, 1]} : vector<64x10240xf32> to vector<64x128xf32>
    %sub3A_77 = arith.subf %slice3A_76, %sub3A_29 : vector<64x128xf32>
    %max3A_78 = arith.constant 0.000000e+00 : f32
    %max3A_79 = vector.broadcast %max3A_78 : f32 to vector<64x128xf32>
    %max3A_80 = arith.maximumf %sub3A_77, %max3A_79 : vector<64x128xf32>
    %slice3A_81 = vector.extract_strided_slice %get3A_32 {offsets = [0, 1280], sizes = [64, 128], strides = [1, 1]} : vector<64x10240xf32> to vector<64x128xf32>
    %sub3A_82 = arith.subf %slice3A_81, %sub3A_29 : vector<64x128xf32>
    %max3A_83 = arith.constant 0.000000e+00 : f32
    %max3A_84 = vector.broadcast %max3A_83 : f32 to vector<64x128xf32>
    %max3A_85 = arith.maximumf %sub3A_82, %max3A_84 : vector<64x128xf32>
    %slice3A_86 = vector.extract_strided_slice %get3A_32 {offsets = [0, 1408], sizes = [64, 128], strides = [1, 1]} : vector<64x10240xf32> to vector<64x128xf32>
    %sub3A_87 = arith.subf %slice3A_86, %sub3A_29 : vector<64x128xf32>
    %max3A_88 = arith.constant 0.000000e+00 : f32
    %max3A_89 = vector.broadcast %max3A_88 : f32 to vector<64x128xf32>
    %max3A_90 = arith.maximumf %sub3A_87, %max3A_89 : vector<64x128xf32>
    %slice3A_91 = vector.extract_strided_slice %get3A_32 {offsets = [0, 1536], sizes = [64, 128], strides = [1, 1]} : vector<64x10240xf32> to vector<64x128xf32>
    %sub3A_92 = arith.subf %slice3A_91, %sub3A_29 : vector<64x128xf32>
    %max3A_93 = arith.constant 0.000000e+00 : f32
    %max3A_94 = vector.broadcast %max3A_93 : f32 to vector<64x128xf32>
    %max3A_95 = arith.maximumf %sub3A_92, %max3A_94 : vector<64x128xf32>
    %slice3A_96 = vector.extract_strided_slice %get3A_32 {offsets = [0, 1664], sizes = [64, 128], strides = [1, 1]} : vector<64x10240xf32> to vector<64x128xf32>
    %sub3A_97 = arith.subf %slice3A_96, %sub3A_29 : vector<64x128xf32>
    %max3A_98 = arith.constant 0.000000e+00 : f32
    %max3A_99 = vector.broadcast %max3A_98 : f32 to vector<64x128xf32>
    %max3A_100 = arith.maximumf %sub3A_97, %max3A_99 : vector<64x128xf32>
    %slice3A_101 = vector.extract_strided_slice %get3A_32 {offsets = [0, 1792], sizes = [64, 128], strides = [1, 1]} : vector<64x10240xf32> to vector<64x128xf32>
    %sub3A_102 = arith.subf %slice3A_101, %sub3A_29 : vector<64x128xf32>
    %max3A_103 = arith.constant 0.000000e+00 : f32
    %max3A_104 = vector.broadcast %max3A_103 : f32 to vector<64x128xf32>
    %max3A_105 = arith.maximumf %sub3A_102, %max3A_104 : vector<64x128xf32>
    %slice3A_106 = vector.extract_strided_slice %get3A_32 {offsets = [0, 1920], sizes = [64, 128], strides = [1, 1]} : vector<64x10240xf32> to vector<64x128xf32>
    %sub3A_107 = arith.subf %slice3A_106, %sub3A_29 : vector<64x128xf32>
    %max3A_108 = arith.constant 0.000000e+00 : f32
    %max3A_109 = vector.broadcast %max3A_108 : f32 to vector<64x128xf32>
    %max3A_110 = arith.maximumf %sub3A_107, %max3A_109 : vector<64x128xf32>
    %slice3A_111 = vector.extract_strided_slice %get3A_32 {offsets = [0, 2048], sizes = [64, 128], strides = [1, 1]} : vector<64x10240xf32> to vector<64x128xf32>
    %sub3A_112 = arith.subf %slice3A_111, %sub3A_29 : vector<64x128xf32>
    %max3A_113 = arith.constant 0.000000e+00 : f32
    %max3A_114 = vector.broadcast %max3A_113 : f32 to vector<64x128xf32>
    %max3A_115 = arith.maximumf %sub3A_112, %max3A_114 : vector<64x128xf32>
    %slice3A_116 = vector.extract_strided_slice %get3A_32 {offsets = [0, 2176], sizes = [64, 128], strides = [1, 1]} : vector<64x10240xf32> to vector<64x128xf32>
    %sub3A_117 = arith.subf %slice3A_116, %sub3A_29 : vector<64x128xf32>
    %max3A_118 = arith.constant 0.000000e+00 : f32
    %max3A_119 = vector.broadcast %max3A_118 : f32 to vector<64x128xf32>
    %max3A_120 = arith.maximumf %sub3A_117, %max3A_119 : vector<64x128xf32>
    %slice3A_121 = vector.extract_strided_slice %get3A_32 {offsets = [0, 2304], sizes = [64, 128], strides = [1, 1]} : vector<64x10240xf32> to vector<64x128xf32>
    %sub3A_122 = arith.subf %slice3A_121, %sub3A_29 : vector<64x128xf32>
    %max3A_123 = arith.constant 0.000000e+00 : f32
    %max3A_124 = vector.broadcast %max3A_123 : f32 to vector<64x128xf32>
    %max3A_125 = arith.maximumf %sub3A_122, %max3A_124 : vector<64x128xf32>
    %slice3A_126 = vector.extract_strided_slice %get3A_32 {offsets = [0, 2432], sizes = [64, 128], strides = [1, 1]} : vector<64x10240xf32> to vector<64x128xf32>
    %sub3A_127 = arith.subf %slice3A_126, %sub3A_29 : vector<64x128xf32>
    %max3A_128 = arith.constant 0.000000e+00 : f32
    %max3A_129 = vector.broadcast %max3A_128 : f32 to vector<64x128xf32>
    %max3A_130 = arith.maximumf %sub3A_127, %max3A_129 : vector<64x128xf32>
    %slice3A_131 = vector.extract_strided_slice %get3A_32 {offsets = [0, 2560], sizes = [64, 128], strides = [1, 1]} : vector<64x10240xf32> to vector<64x128xf32>
    %sub3A_132 = arith.subf %slice3A_131, %sub3A_29 : vector<64x128xf32>
    %max3A_133 = arith.constant 0.000000e+00 : f32
    %max3A_134 = vector.broadcast %max3A_133 : f32 to vector<64x128xf32>
    %max3A_135 = arith.maximumf %sub3A_132, %max3A_134 : vector<64x128xf32>
    %slice3A_136 = vector.extract_strided_slice %get3A_32 {offsets = [0, 2688], sizes = [64, 128], strides = [1, 1]} : vector<64x10240xf32> to vector<64x128xf32>
    %sub3A_137 = arith.subf %slice3A_136, %sub3A_29 : vector<64x128xf32>
    %max3A_138 = arith.constant 0.000000e+00 : f32
    %max3A_139 = vector.broadcast %max3A_138 : f32 to vector<64x128xf32>
    %max3A_140 = arith.maximumf %sub3A_137, %max3A_139 : vector<64x128xf32>
    %slice3A_141 = vector.extract_strided_slice %get3A_32 {offsets = [0, 2816], sizes = [64, 128], strides = [1, 1]} : vector<64x10240xf32> to vector<64x128xf32>
    %sub3A_142 = arith.subf %slice3A_141, %sub3A_29 : vector<64x128xf32>
    %max3A_143 = arith.constant 0.000000e+00 : f32
    %max3A_144 = vector.broadcast %max3A_143 : f32 to vector<64x128xf32>
    %max3A_145 = arith.maximumf %sub3A_142, %max3A_144 : vector<64x128xf32>
    %slice3A_146 = vector.extract_strided_slice %get3A_32 {offsets = [0, 2944], sizes = [64, 128], strides = [1, 1]} : vector<64x10240xf32> to vector<64x128xf32>
    %sub3A_147 = arith.subf %slice3A_146, %sub3A_29 : vector<64x128xf32>
    %max3A_148 = arith.constant 0.000000e+00 : f32
    %max3A_149 = vector.broadcast %max3A_148 : f32 to vector<64x128xf32>
    %max3A_150 = arith.maximumf %sub3A_147, %max3A_149 : vector<64x128xf32>
    %slice3A_151 = vector.extract_strided_slice %get3A_32 {offsets = [0, 3072], sizes = [64, 128], strides = [1, 1]} : vector<64x10240xf32> to vector<64x128xf32>
    %sub3A_152 = arith.subf %slice3A_151, %sub3A_29 : vector<64x128xf32>
    %max3A_153 = arith.constant 0.000000e+00 : f32
    %max3A_154 = vector.broadcast %max3A_153 : f32 to vector<64x128xf32>
    %max3A_155 = arith.maximumf %sub3A_152, %max3A_154 : vector<64x128xf32>
    %slice3A_156 = vector.extract_strided_slice %get3A_32 {offsets = [0, 3200], sizes = [64, 128], strides = [1, 1]} : vector<64x10240xf32> to vector<64x128xf32>
    %sub3A_157 = arith.subf %slice3A_156, %sub3A_29 : vector<64x128xf32>
    %max3A_158 = arith.constant 0.000000e+00 : f32
    %max3A_159 = vector.broadcast %max3A_158 : f32 to vector<64x128xf32>
    %max3A_160 = arith.maximumf %sub3A_157, %max3A_159 : vector<64x128xf32>
    %slice3A_161 = vector.extract_strided_slice %get3A_32 {offsets = [0, 3328], sizes = [64, 128], strides = [1, 1]} : vector<64x10240xf32> to vector<64x128xf32>
    %sub3A_162 = arith.subf %slice3A_161, %sub3A_29 : vector<64x128xf32>
    %max3A_163 = arith.constant 0.000000e+00 : f32
    %max3A_164 = vector.broadcast %max3A_163 : f32 to vector<64x128xf32>
    %max3A_165 = arith.maximumf %sub3A_162, %max3A_164 : vector<64x128xf32>
    %slice3A_166 = vector.extract_strided_slice %get3A_32 {offsets = [0, 3456], sizes = [64, 128], strides = [1, 1]} : vector<64x10240xf32> to vector<64x128xf32>
    %sub3A_167 = arith.subf %slice3A_166, %sub3A_29 : vector<64x128xf32>
    %max3A_168 = arith.constant 0.000000e+00 : f32
    %max3A_169 = vector.broadcast %max3A_168 : f32 to vector<64x128xf32>
    %max3A_170 = arith.maximumf %sub3A_167, %max3A_169 : vector<64x128xf32>
    %slice3A_171 = vector.extract_strided_slice %get3A_32 {offsets = [0, 3584], sizes = [64, 128], strides = [1, 1]} : vector<64x10240xf32> to vector<64x128xf32>
    %sub3A_172 = arith.subf %slice3A_171, %sub3A_29 : vector<64x128xf32>
    %max3A_173 = arith.constant 0.000000e+00 : f32
    %max3A_174 = vector.broadcast %max3A_173 : f32 to vector<64x128xf32>
    %max3A_175 = arith.maximumf %sub3A_172, %max3A_174 : vector<64x128xf32>
    %slice3A_176 = vector.extract_strided_slice %get3A_32 {offsets = [0, 3712], sizes = [64, 128], strides = [1, 1]} : vector<64x10240xf32> to vector<64x128xf32>
    %sub3A_177 = arith.subf %slice3A_176, %sub3A_29 : vector<64x128xf32>
    %max3A_178 = arith.constant 0.000000e+00 : f32
    %max3A_179 = vector.broadcast %max3A_178 : f32 to vector<64x128xf32>
    %max3A_180 = arith.maximumf %sub3A_177, %max3A_179 : vector<64x128xf32>
    %slice3A_181 = vector.extract_strided_slice %get3A_32 {offsets = [0, 3840], sizes = [64, 128], strides = [1, 1]} : vector<64x10240xf32> to vector<64x128xf32>
    %sub3A_182 = arith.subf %slice3A_181, %sub3A_29 : vector<64x128xf32>
    %max3A_183 = arith.constant 0.000000e+00 : f32
    %max3A_184 = vector.broadcast %max3A_183 : f32 to vector<64x128xf32>
    %max3A_185 = arith.maximumf %sub3A_182, %max3A_184 : vector<64x128xf32>
    %slice3A_186 = vector.extract_strided_slice %get3A_32 {offsets = [0, 3968], sizes = [64, 128], strides = [1, 1]} : vector<64x10240xf32> to vector<64x128xf32>
    %sub3A_187 = arith.subf %slice3A_186, %sub3A_29 : vector<64x128xf32>
    %max3A_188 = arith.constant 0.000000e+00 : f32
    %max3A_189 = vector.broadcast %max3A_188 : f32 to vector<64x128xf32>
    %max3A_190 = arith.maximumf %sub3A_187, %max3A_189 : vector<64x128xf32>
    %slice3A_191 = vector.extract_strided_slice %get3A_32 {offsets = [0, 4096], sizes = [64, 128], strides = [1, 1]} : vector<64x10240xf32> to vector<64x128xf32>
    %sub3A_192 = arith.subf %slice3A_191, %sub3A_29 : vector<64x128xf32>
    %max3A_193 = arith.constant 0.000000e+00 : f32
    %max3A_194 = vector.broadcast %max3A_193 : f32 to vector<64x128xf32>
    %max3A_195 = arith.maximumf %sub3A_192, %max3A_194 : vector<64x128xf32>
    %slice3A_196 = vector.extract_strided_slice %get3A_32 {offsets = [0, 4224], sizes = [64, 128], strides = [1, 1]} : vector<64x10240xf32> to vector<64x128xf32>
    %sub3A_197 = arith.subf %slice3A_196, %sub3A_29 : vector<64x128xf32>
    %max3A_198 = arith.constant 0.000000e+00 : f32
    %max3A_199 = vector.broadcast %max3A_198 : f32 to vector<64x128xf32>
    %max3A_200 = arith.maximumf %sub3A_197, %max3A_199 : vector<64x128xf32>
    %slice3A_201 = vector.extract_strided_slice %get3A_32 {offsets = [0, 4352], sizes = [64, 128], strides = [1, 1]} : vector<64x10240xf32> to vector<64x128xf32>
    %sub3A_202 = arith.subf %slice3A_201, %sub3A_29 : vector<64x128xf32>
    %max3A_203 = arith.constant 0.000000e+00 : f32
    %max3A_204 = vector.broadcast %max3A_203 : f32 to vector<64x128xf32>
    %max3A_205 = arith.maximumf %sub3A_202, %max3A_204 : vector<64x128xf32>
    %slice3A_206 = vector.extract_strided_slice %get3A_32 {offsets = [0, 4480], sizes = [64, 128], strides = [1, 1]} : vector<64x10240xf32> to vector<64x128xf32>
    %sub3A_207 = arith.subf %slice3A_206, %sub3A_29 : vector<64x128xf32>
    %max3A_208 = arith.constant 0.000000e+00 : f32
    %max3A_209 = vector.broadcast %max3A_208 : f32 to vector<64x128xf32>
    %max3A_210 = arith.maximumf %sub3A_207, %max3A_209 : vector<64x128xf32>
    %slice3A_211 = vector.extract_strided_slice %get3A_32 {offsets = [0, 4608], sizes = [64, 128], strides = [1, 1]} : vector<64x10240xf32> to vector<64x128xf32>
    %sub3A_212 = arith.subf %slice3A_211, %sub3A_29 : vector<64x128xf32>
    %max3A_213 = arith.constant 0.000000e+00 : f32
    %max3A_214 = vector.broadcast %max3A_213 : f32 to vector<64x128xf32>
    %max3A_215 = arith.maximumf %sub3A_212, %max3A_214 : vector<64x128xf32>
    %slice3A_216 = vector.extract_strided_slice %get3A_32 {offsets = [0, 4736], sizes = [64, 128], strides = [1, 1]} : vector<64x10240xf32> to vector<64x128xf32>
    %sub3A_217 = arith.subf %slice3A_216, %sub3A_29 : vector<64x128xf32>
    %max3A_218 = arith.constant 0.000000e+00 : f32
    %max3A_219 = vector.broadcast %max3A_218 : f32 to vector<64x128xf32>
    %max3A_220 = arith.maximumf %sub3A_217, %max3A_219 : vector<64x128xf32>
    %slice3A_221 = vector.extract_strided_slice %get3A_32 {offsets = [0, 4864], sizes = [64, 128], strides = [1, 1]} : vector<64x10240xf32> to vector<64x128xf32>
    %sub3A_222 = arith.subf %slice3A_221, %sub3A_29 : vector<64x128xf32>
    %max3A_223 = arith.constant 0.000000e+00 : f32
    %max3A_224 = vector.broadcast %max3A_223 : f32 to vector<64x128xf32>
    %max3A_225 = arith.maximumf %sub3A_222, %max3A_224 : vector<64x128xf32>
    %slice3A_226 = vector.extract_strided_slice %get3A_32 {offsets = [0, 4992], sizes = [64, 128], strides = [1, 1]} : vector<64x10240xf32> to vector<64x128xf32>
    %sub3A_227 = arith.subf %slice3A_226, %sub3A_29 : vector<64x128xf32>
    %max3A_228 = arith.constant 0.000000e+00 : f32
    %max3A_229 = vector.broadcast %max3A_228 : f32 to vector<64x128xf32>
    %max3A_230 = arith.maximumf %sub3A_227, %max3A_229 : vector<64x128xf32>
    %slice3A_231 = vector.extract_strided_slice %get3A_32 {offsets = [0, 5120], sizes = [64, 128], strides = [1, 1]} : vector<64x10240xf32> to vector<64x128xf32>
    %sub3A_232 = arith.subf %slice3A_231, %sub3A_29 : vector<64x128xf32>
    %max3A_233 = arith.constant 0.000000e+00 : f32
    %max3A_234 = vector.broadcast %max3A_233 : f32 to vector<64x128xf32>
    %max3A_235 = arith.maximumf %sub3A_232, %max3A_234 : vector<64x128xf32>
    %slice3A_236 = vector.extract_strided_slice %get3A_32 {offsets = [0, 5248], sizes = [64, 128], strides = [1, 1]} : vector<64x10240xf32> to vector<64x128xf32>
    %sub3A_237 = arith.subf %slice3A_236, %sub3A_29 : vector<64x128xf32>
    %max3A_238 = arith.constant 0.000000e+00 : f32
    %max3A_239 = vector.broadcast %max3A_238 : f32 to vector<64x128xf32>
    %max3A_240 = arith.maximumf %sub3A_237, %max3A_239 : vector<64x128xf32>
    %slice3A_241 = vector.extract_strided_slice %get3A_32 {offsets = [0, 5376], sizes = [64, 128], strides = [1, 1]} : vector<64x10240xf32> to vector<64x128xf32>
    %sub3A_242 = arith.subf %slice3A_241, %sub3A_29 : vector<64x128xf32>
    %max3A_243 = arith.constant 0.000000e+00 : f32
    %max3A_244 = vector.broadcast %max3A_243 : f32 to vector<64x128xf32>
    %max3A_245 = arith.maximumf %sub3A_242, %max3A_244 : vector<64x128xf32>
    %slice3A_246 = vector.extract_strided_slice %get3A_32 {offsets = [0, 5504], sizes = [64, 128], strides = [1, 1]} : vector<64x10240xf32> to vector<64x128xf32>
    %sub3A_247 = arith.subf %slice3A_246, %sub3A_29 : vector<64x128xf32>
    %max3A_248 = arith.constant 0.000000e+00 : f32
    %max3A_249 = vector.broadcast %max3A_248 : f32 to vector<64x128xf32>
    %max3A_250 = arith.maximumf %sub3A_247, %max3A_249 : vector<64x128xf32>
    %slice3A_251 = vector.extract_strided_slice %get3A_32 {offsets = [0, 5632], sizes = [64, 128], strides = [1, 1]} : vector<64x10240xf32> to vector<64x128xf32>
    %sub3A_252 = arith.subf %slice3A_251, %sub3A_29 : vector<64x128xf32>
    %max3A_253 = arith.constant 0.000000e+00 : f32
    %max3A_254 = vector.broadcast %max3A_253 : f32 to vector<64x128xf32>
    %max3A_255 = arith.maximumf %sub3A_252, %max3A_254 : vector<64x128xf32>
    %slice3A_256 = vector.extract_strided_slice %get3A_32 {offsets = [0, 5760], sizes = [64, 128], strides = [1, 1]} : vector<64x10240xf32> to vector<64x128xf32>
    %sub3A_257 = arith.subf %slice3A_256, %sub3A_29 : vector<64x128xf32>
    %max3A_258 = arith.constant 0.000000e+00 : f32
    %max3A_259 = vector.broadcast %max3A_258 : f32 to vector<64x128xf32>
    %max3A_260 = arith.maximumf %sub3A_257, %max3A_259 : vector<64x128xf32>
    %slice3A_261 = vector.extract_strided_slice %get3A_32 {offsets = [0, 5888], sizes = [64, 128], strides = [1, 1]} : vector<64x10240xf32> to vector<64x128xf32>
    %sub3A_262 = arith.subf %slice3A_261, %sub3A_29 : vector<64x128xf32>
    %max3A_263 = arith.constant 0.000000e+00 : f32
    %max3A_264 = vector.broadcast %max3A_263 : f32 to vector<64x128xf32>
    %max3A_265 = arith.maximumf %sub3A_262, %max3A_264 : vector<64x128xf32>
    %slice3A_266 = vector.extract_strided_slice %get3A_32 {offsets = [0, 6016], sizes = [64, 128], strides = [1, 1]} : vector<64x10240xf32> to vector<64x128xf32>
    %sub3A_267 = arith.subf %slice3A_266, %sub3A_29 : vector<64x128xf32>
    %max3A_268 = arith.constant 0.000000e+00 : f32
    %max3A_269 = vector.broadcast %max3A_268 : f32 to vector<64x128xf32>
    %max3A_270 = arith.maximumf %sub3A_267, %max3A_269 : vector<64x128xf32>
    %slice3A_271 = vector.extract_strided_slice %get3A_32 {offsets = [0, 6144], sizes = [64, 128], strides = [1, 1]} : vector<64x10240xf32> to vector<64x128xf32>
    %sub3A_272 = arith.subf %slice3A_271, %sub3A_29 : vector<64x128xf32>
    %max3A_273 = arith.constant 0.000000e+00 : f32
    %max3A_274 = vector.broadcast %max3A_273 : f32 to vector<64x128xf32>
    %max3A_275 = arith.maximumf %sub3A_272, %max3A_274 : vector<64x128xf32>
    %slice3A_276 = vector.extract_strided_slice %get3A_32 {offsets = [0, 6272], sizes = [64, 128], strides = [1, 1]} : vector<64x10240xf32> to vector<64x128xf32>
    %sub3A_277 = arith.subf %slice3A_276, %sub3A_29 : vector<64x128xf32>
    %max3A_278 = arith.constant 0.000000e+00 : f32
    %max3A_279 = vector.broadcast %max3A_278 : f32 to vector<64x128xf32>
    %max3A_280 = arith.maximumf %sub3A_277, %max3A_279 : vector<64x128xf32>
    %slice3A_281 = vector.extract_strided_slice %get3A_32 {offsets = [0, 6400], sizes = [64, 128], strides = [1, 1]} : vector<64x10240xf32> to vector<64x128xf32>
    %sub3A_282 = arith.subf %slice3A_281, %sub3A_29 : vector<64x128xf32>
    %max3A_283 = arith.constant 0.000000e+00 : f32
    %max3A_284 = vector.broadcast %max3A_283 : f32 to vector<64x128xf32>
    %max3A_285 = arith.maximumf %sub3A_282, %max3A_284 : vector<64x128xf32>
    %slice3A_286 = vector.extract_strided_slice %get3A_32 {offsets = [0, 6528], sizes = [64, 128], strides = [1, 1]} : vector<64x10240xf32> to vector<64x128xf32>
    %sub3A_287 = arith.subf %slice3A_286, %sub3A_29 : vector<64x128xf32>
    %max3A_288 = arith.constant 0.000000e+00 : f32
    %max3A_289 = vector.broadcast %max3A_288 : f32 to vector<64x128xf32>
    %max3A_290 = arith.maximumf %sub3A_287, %max3A_289 : vector<64x128xf32>
    %slice3A_291 = vector.extract_strided_slice %get3A_32 {offsets = [0, 6656], sizes = [64, 128], strides = [1, 1]} : vector<64x10240xf32> to vector<64x128xf32>
    %sub3A_292 = arith.subf %slice3A_291, %sub3A_29 : vector<64x128xf32>
    %max3A_293 = arith.constant 0.000000e+00 : f32
    %max3A_294 = vector.broadcast %max3A_293 : f32 to vector<64x128xf32>
    %max3A_295 = arith.maximumf %sub3A_292, %max3A_294 : vector<64x128xf32>
    %slice3A_296 = vector.extract_strided_slice %get3A_32 {offsets = [0, 6784], sizes = [64, 128], strides = [1, 1]} : vector<64x10240xf32> to vector<64x128xf32>
    %sub3A_297 = arith.subf %slice3A_296, %sub3A_29 : vector<64x128xf32>
    %max3A_298 = arith.constant 0.000000e+00 : f32
    %max3A_299 = vector.broadcast %max3A_298 : f32 to vector<64x128xf32>
    %max3A_300 = arith.maximumf %sub3A_297, %max3A_299 : vector<64x128xf32>
    %slice3A_301 = vector.extract_strided_slice %get3A_32 {offsets = [0, 6912], sizes = [64, 128], strides = [1, 1]} : vector<64x10240xf32> to vector<64x128xf32>
    %sub3A_302 = arith.subf %slice3A_301, %sub3A_29 : vector<64x128xf32>
    %max3A_303 = arith.constant 0.000000e+00 : f32
    %max3A_304 = vector.broadcast %max3A_303 : f32 to vector<64x128xf32>
    %max3A_305 = arith.maximumf %sub3A_302, %max3A_304 : vector<64x128xf32>
    %slice3A_306 = vector.extract_strided_slice %get3A_32 {offsets = [0, 7040], sizes = [64, 128], strides = [1, 1]} : vector<64x10240xf32> to vector<64x128xf32>
    %sub3A_307 = arith.subf %slice3A_306, %sub3A_29 : vector<64x128xf32>
    %max3A_308 = arith.constant 0.000000e+00 : f32
    %max3A_309 = vector.broadcast %max3A_308 : f32 to vector<64x128xf32>
    %max3A_310 = arith.maximumf %sub3A_307, %max3A_309 : vector<64x128xf32>
    %slice3A_311 = vector.extract_strided_slice %get3A_32 {offsets = [0, 7168], sizes = [64, 128], strides = [1, 1]} : vector<64x10240xf32> to vector<64x128xf32>
    %sub3A_312 = arith.subf %slice3A_311, %sub3A_29 : vector<64x128xf32>
    %max3A_313 = arith.constant 0.000000e+00 : f32
    %max3A_314 = vector.broadcast %max3A_313 : f32 to vector<64x128xf32>
    %max3A_315 = arith.maximumf %sub3A_312, %max3A_314 : vector<64x128xf32>
    %slice3A_316 = vector.extract_strided_slice %get3A_32 {offsets = [0, 7296], sizes = [64, 128], strides = [1, 1]} : vector<64x10240xf32> to vector<64x128xf32>
    %sub3A_317 = arith.subf %slice3A_316, %sub3A_29 : vector<64x128xf32>
    %max3A_318 = arith.constant 0.000000e+00 : f32
    %max3A_319 = vector.broadcast %max3A_318 : f32 to vector<64x128xf32>
    %max3A_320 = arith.maximumf %sub3A_317, %max3A_319 : vector<64x128xf32>
    %slice3A_321 = vector.extract_strided_slice %get3A_32 {offsets = [0, 7424], sizes = [64, 128], strides = [1, 1]} : vector<64x10240xf32> to vector<64x128xf32>
    %sub3A_322 = arith.subf %slice3A_321, %sub3A_29 : vector<64x128xf32>
    %max3A_323 = arith.constant 0.000000e+00 : f32
    %max3A_324 = vector.broadcast %max3A_323 : f32 to vector<64x128xf32>
    %max3A_325 = arith.maximumf %sub3A_322, %max3A_324 : vector<64x128xf32>
    %slice3A_326 = vector.extract_strided_slice %get3A_32 {offsets = [0, 7552], sizes = [64, 128], strides = [1, 1]} : vector<64x10240xf32> to vector<64x128xf32>
    %sub3A_327 = arith.subf %slice3A_326, %sub3A_29 : vector<64x128xf32>
    %max3A_328 = arith.constant 0.000000e+00 : f32
    %max3A_329 = vector.broadcast %max3A_328 : f32 to vector<64x128xf32>
    %max3A_330 = arith.maximumf %sub3A_327, %max3A_329 : vector<64x128xf32>
    %slice3A_331 = vector.extract_strided_slice %get3A_32 {offsets = [0, 7680], sizes = [64, 128], strides = [1, 1]} : vector<64x10240xf32> to vector<64x128xf32>
    %sub3A_332 = arith.subf %slice3A_331, %sub3A_29 : vector<64x128xf32>
    %max3A_333 = arith.constant 0.000000e+00 : f32
    %max3A_334 = vector.broadcast %max3A_333 : f32 to vector<64x128xf32>
    %max3A_335 = arith.maximumf %sub3A_332, %max3A_334 : vector<64x128xf32>
    %slice3A_336 = vector.extract_strided_slice %get3A_32 {offsets = [0, 7808], sizes = [64, 128], strides = [1, 1]} : vector<64x10240xf32> to vector<64x128xf32>
    %sub3A_337 = arith.subf %slice3A_336, %sub3A_29 : vector<64x128xf32>
    %max3A_338 = arith.constant 0.000000e+00 : f32
    %max3A_339 = vector.broadcast %max3A_338 : f32 to vector<64x128xf32>
    %max3A_340 = arith.maximumf %sub3A_337, %max3A_339 : vector<64x128xf32>
    %slice3A_341 = vector.extract_strided_slice %get3A_32 {offsets = [0, 7936], sizes = [64, 128], strides = [1, 1]} : vector<64x10240xf32> to vector<64x128xf32>
    %sub3A_342 = arith.subf %slice3A_341, %sub3A_29 : vector<64x128xf32>
    %max3A_343 = arith.constant 0.000000e+00 : f32
    %max3A_344 = vector.broadcast %max3A_343 : f32 to vector<64x128xf32>
    %max3A_345 = arith.maximumf %sub3A_342, %max3A_344 : vector<64x128xf32>
    %slice3A_346 = vector.extract_strided_slice %get3A_32 {offsets = [0, 8064], sizes = [64, 128], strides = [1, 1]} : vector<64x10240xf32> to vector<64x128xf32>
    %sub3A_347 = arith.subf %slice3A_346, %sub3A_29 : vector<64x128xf32>
    %max3A_348 = arith.constant 0.000000e+00 : f32
    %max3A_349 = vector.broadcast %max3A_348 : f32 to vector<64x128xf32>
    %max3A_350 = arith.maximumf %sub3A_347, %max3A_349 : vector<64x128xf32>
    %slice3A_351 = vector.extract_strided_slice %get3A_32 {offsets = [0, 8192], sizes = [64, 128], strides = [1, 1]} : vector<64x10240xf32> to vector<64x128xf32>
    %sub3A_352 = arith.subf %slice3A_351, %sub3A_29 : vector<64x128xf32>
    %max3A_353 = arith.constant 0.000000e+00 : f32
    %max3A_354 = vector.broadcast %max3A_353 : f32 to vector<64x128xf32>
    %max3A_355 = arith.maximumf %sub3A_352, %max3A_354 : vector<64x128xf32>
    %slice3A_356 = vector.extract_strided_slice %get3A_32 {offsets = [0, 8320], sizes = [64, 128], strides = [1, 1]} : vector<64x10240xf32> to vector<64x128xf32>
    %sub3A_357 = arith.subf %slice3A_356, %sub3A_29 : vector<64x128xf32>
    %max3A_358 = arith.constant 0.000000e+00 : f32
    %max3A_359 = vector.broadcast %max3A_358 : f32 to vector<64x128xf32>
    %max3A_360 = arith.maximumf %sub3A_357, %max3A_359 : vector<64x128xf32>
    %slice3A_361 = vector.extract_strided_slice %get3A_32 {offsets = [0, 8448], sizes = [64, 128], strides = [1, 1]} : vector<64x10240xf32> to vector<64x128xf32>
    %sub3A_362 = arith.subf %slice3A_361, %sub3A_29 : vector<64x128xf32>
    %max3A_363 = arith.constant 0.000000e+00 : f32
    %max3A_364 = vector.broadcast %max3A_363 : f32 to vector<64x128xf32>
    %max3A_365 = arith.maximumf %sub3A_362, %max3A_364 : vector<64x128xf32>
    %slice3A_366 = vector.extract_strided_slice %get3A_32 {offsets = [0, 8576], sizes = [64, 128], strides = [1, 1]} : vector<64x10240xf32> to vector<64x128xf32>
    %sub3A_367 = arith.subf %slice3A_366, %sub3A_29 : vector<64x128xf32>
    %max3A_368 = arith.constant 0.000000e+00 : f32
    %max3A_369 = vector.broadcast %max3A_368 : f32 to vector<64x128xf32>
    %max3A_370 = arith.maximumf %sub3A_367, %max3A_369 : vector<64x128xf32>
    %slice3A_371 = vector.extract_strided_slice %get3A_32 {offsets = [0, 8704], sizes = [64, 128], strides = [1, 1]} : vector<64x10240xf32> to vector<64x128xf32>
    %sub3A_372 = arith.subf %slice3A_371, %sub3A_29 : vector<64x128xf32>
    %max3A_373 = arith.constant 0.000000e+00 : f32
    %max3A_374 = vector.broadcast %max3A_373 : f32 to vector<64x128xf32>
    %max3A_375 = arith.maximumf %sub3A_372, %max3A_374 : vector<64x128xf32>
    %slice3A_376 = vector.extract_strided_slice %get3A_32 {offsets = [0, 8832], sizes = [64, 128], strides = [1, 1]} : vector<64x10240xf32> to vector<64x128xf32>
    %sub3A_377 = arith.subf %slice3A_376, %sub3A_29 : vector<64x128xf32>
    %max3A_378 = arith.constant 0.000000e+00 : f32
    %max3A_379 = vector.broadcast %max3A_378 : f32 to vector<64x128xf32>
    %max3A_380 = arith.maximumf %sub3A_377, %max3A_379 : vector<64x128xf32>
    %slice3A_381 = vector.extract_strided_slice %get3A_32 {offsets = [0, 8960], sizes = [64, 128], strides = [1, 1]} : vector<64x10240xf32> to vector<64x128xf32>
    %sub3A_382 = arith.subf %slice3A_381, %sub3A_29 : vector<64x128xf32>
    %max3A_383 = arith.constant 0.000000e+00 : f32
    %max3A_384 = vector.broadcast %max3A_383 : f32 to vector<64x128xf32>
    %max3A_385 = arith.maximumf %sub3A_382, %max3A_384 : vector<64x128xf32>
    %slice3A_386 = vector.extract_strided_slice %get3A_32 {offsets = [0, 9088], sizes = [64, 128], strides = [1, 1]} : vector<64x10240xf32> to vector<64x128xf32>
    %sub3A_387 = arith.subf %slice3A_386, %sub3A_29 : vector<64x128xf32>
    %max3A_388 = arith.constant 0.000000e+00 : f32
    %max3A_389 = vector.broadcast %max3A_388 : f32 to vector<64x128xf32>
    %max3A_390 = arith.maximumf %sub3A_387, %max3A_389 : vector<64x128xf32>
    %slice3A_391 = vector.extract_strided_slice %get3A_32 {offsets = [0, 9216], sizes = [64, 128], strides = [1, 1]} : vector<64x10240xf32> to vector<64x128xf32>
    %sub3A_392 = arith.subf %slice3A_391, %sub3A_29 : vector<64x128xf32>
    %max3A_393 = arith.constant 0.000000e+00 : f32
    %max3A_394 = vector.broadcast %max3A_393 : f32 to vector<64x128xf32>
    %max3A_395 = arith.maximumf %sub3A_392, %max3A_394 : vector<64x128xf32>
    %slice3A_396 = vector.extract_strided_slice %get3A_32 {offsets = [0, 9344], sizes = [64, 128], strides = [1, 1]} : vector<64x10240xf32> to vector<64x128xf32>
    %sub3A_397 = arith.subf %slice3A_396, %sub3A_29 : vector<64x128xf32>
    %max3A_398 = arith.constant 0.000000e+00 : f32
    %max3A_399 = vector.broadcast %max3A_398 : f32 to vector<64x128xf32>
    %max3A_400 = arith.maximumf %sub3A_397, %max3A_399 : vector<64x128xf32>
    %slice3A_401 = vector.extract_strided_slice %get3A_32 {offsets = [0, 9472], sizes = [64, 128], strides = [1, 1]} : vector<64x10240xf32> to vector<64x128xf32>
    %sub3A_402 = arith.subf %slice3A_401, %sub3A_29 : vector<64x128xf32>
    %max3A_403 = arith.constant 0.000000e+00 : f32
    %max3A_404 = vector.broadcast %max3A_403 : f32 to vector<64x128xf32>
    %max3A_405 = arith.maximumf %sub3A_402, %max3A_404 : vector<64x128xf32>
    %slice3A_406 = vector.extract_strided_slice %get3A_32 {offsets = [0, 9600], sizes = [64, 128], strides = [1, 1]} : vector<64x10240xf32> to vector<64x128xf32>
    %sub3A_407 = arith.subf %slice3A_406, %sub3A_29 : vector<64x128xf32>
    %max3A_408 = arith.constant 0.000000e+00 : f32
    %max3A_409 = vector.broadcast %max3A_408 : f32 to vector<64x128xf32>
    %max3A_410 = arith.maximumf %sub3A_407, %max3A_409 : vector<64x128xf32>
    %slice3A_411 = vector.extract_strided_slice %get3A_32 {offsets = [0, 9728], sizes = [64, 128], strides = [1, 1]} : vector<64x10240xf32> to vector<64x128xf32>
    %sub3A_412 = arith.subf %slice3A_411, %sub3A_29 : vector<64x128xf32>
    %max3A_413 = arith.constant 0.000000e+00 : f32
    %max3A_414 = vector.broadcast %max3A_413 : f32 to vector<64x128xf32>
    %max3A_415 = arith.maximumf %sub3A_412, %max3A_414 : vector<64x128xf32>
    %slice3A_416 = vector.extract_strided_slice %get3A_32 {offsets = [0, 9856], sizes = [64, 128], strides = [1, 1]} : vector<64x10240xf32> to vector<64x128xf32>
    %sub3A_417 = arith.subf %slice3A_416, %sub3A_29 : vector<64x128xf32>
    %max3A_418 = arith.constant 0.000000e+00 : f32
    %max3A_419 = vector.broadcast %max3A_418 : f32 to vector<64x128xf32>
    %max3A_420 = arith.maximumf %sub3A_417, %max3A_419 : vector<64x128xf32>
    %slice3A_421 = vector.extract_strided_slice %get3A_32 {offsets = [0, 9984], sizes = [64, 128], strides = [1, 1]} : vector<64x10240xf32> to vector<64x128xf32>
    %sub3A_422 = arith.subf %slice3A_421, %sub3A_29 : vector<64x128xf32>
    %max3A_423 = arith.constant 0.000000e+00 : f32
    %max3A_424 = vector.broadcast %max3A_423 : f32 to vector<64x128xf32>
    %max3A_425 = arith.maximumf %sub3A_422, %max3A_424 : vector<64x128xf32>
    %slice3A_426 = vector.extract_strided_slice %get3A_32 {offsets = [0, 10112], sizes = [64, 128], strides = [1, 1]} : vector<64x10240xf32> to vector<64x128xf32>
    %sub3A_427 = arith.subf %slice3A_426, %sub3A_29 : vector<64x128xf32>
    %max3A_428 = arith.constant 0.000000e+00 : f32
    %max3A_429 = vector.broadcast %max3A_428 : f32 to vector<64x128xf32>
    %max3A_430 = arith.maximumf %sub3A_427, %max3A_429 : vector<64x128xf32>
    %concatenate3A = tpu.concatenate %max3A_35, %max3A_40, %max3A_45, %max3A_50, %max3A_55, %max3A_60, %max3A_65, %max3A_70, %max3A_75, %max3A_80, %max3A_85, %max3A_90, %max3A_95, %max3A_100, %max3A_105, %max3A_110, %max3A_115, %max3A_120, %max3A_125, %max3A_130, %max3A_135, %max3A_140, %max3A_145, %max3A_150, %max3A_155, %max3A_160, %max3A_165, %max3A_170, %max3A_175, %max3A_180, %max3A_185, %max3A_190, %max3A_195, %max3A_200, %max3A_205, %max3A_210, %max3A_215, %max3A_220, %max3A_225, %max3A_230, %max3A_235, %max3A_240, %max3A_245, %max3A_250, %max3A_255, %max3A_260, %max3A_265, %max3A_270, %max3A_275, %max3A_280, %max3A_285, %max3A_290, %max3A_295, %max3A_300, %max3A_305, %max3A_310, %max3A_315, %max3A_320, %max3A_325, %max3A_330, %max3A_335, %max3A_340, %max3A_345, %max3A_350, %max3A_355, %max3A_360, %max3A_365, %max3A_370, %max3A_375, %max3A_380, %max3A_385, %max3A_390, %max3A_395, %max3A_400, %max3A_405, %max3A_410, %max3A_415, %max3A_420, %max3A_425, %max3A_430 in 1 : vector<64x128xf32>, vector<64x128xf32>, vector<64x128xf32>, vector<64x128xf32>, vector<64x128xf32>, vector<64x128xf32>, vector<64x128xf32>, vector<64x128xf32>, vector<64x128xf32>, vector<64x128xf32>, vector<64x128xf32>, vector<64x128xf32>, vector<64x128xf32>, vector<64x128xf32>, vector<64x128xf32>, vector<64x128xf32>, vector<64x128xf32>, vector<64x128xf32>, vector<64x128xf32>, vector<64x128xf32>, vector<64x128xf32>, vector<64x128xf32>, vector<64x128xf32>, vector<64x128xf32>, vector<64x128xf32>, vector<64x128xf32>, vector<64x128xf32>, vector<64x128xf32>, vector<64x128xf32>, vector<64x128xf32>, vector<64x128xf32>, vector<64x128xf32>, vector<64x128xf32>, vector<64x128xf32>, vector<64x128xf32>, vector<64x128xf32>, vector<64x128xf32>, vector<64x128xf32>, vector<64x128xf32>, vector<64x128xf32>, vector<64x128xf32>, vector<64x128xf32>, vector<64x128xf32>, vector<64x128xf32>, vector<64x128xf32>, vector<64x128xf32>, vector<64x128xf32>, vector<64x128xf32>, vector<64x128xf32>, vector<64x128xf32>, vector<64x128xf32>, vector<64x128xf32>, vector<64x128xf32>, vector<64x128xf32>, vector<64x128xf32>, vector<64x128xf32>, vector<64x128xf32>, vector<64x128xf32>, vector<64x128xf32>, vector<64x128xf32>, vector<64x128xf32>, vector<64x128xf32>, vector<64x128xf32>, vector<64x128xf32>, vector<64x128xf32>, vector<64x128xf32>, vector<64x128xf32>, vector<64x128xf32>, vector<64x128xf32>, vector<64x128xf32>, vector<64x128xf32>, vector<64x128xf32>, vector<64x128xf32>, vector<64x128xf32>, vector<64x128xf32>, vector<64x128xf32>, vector<64x128xf32>, vector<64x128xf32>, vector<64x128xf32>, vector<64x128xf32> -> vector<64x10240xf32>
    %get3A_431 = arith.constant 0 : index
    %get3A_432 = arith.constant 0 : index
    %get3A_433 = vector.load %arg9[%get3A_431, %get3A_432] : memref<64x64xf32, #tpu.memory_space<vmem>>, vector<64x64xf32>
    %dot_general3A_434 = arith.constant dense<0.000000e+00> : vector<64x10240xf32>
    %dot_general3A_435 = tpu.matmul %get3A_433, %concatenate3A, %dot_general3A_434 {dimension_numbers = #tpu.dot_dimension_numbers<[1], [0], [0], [1], [0, 0, 1, 1], [], []>, transpose_lhs_hint = false} : vector<64x64xf32>, vector<64x10240xf32>, vector<64x10240xf32> -> vector<64x10240xf32>
    %get3A_436 = arith.constant 0 : index
    %get3A_437 = arith.constant 0 : index
    %get3A_438 = vector.load %arg10[%get3A_436, %get3A_437] : memref<64x1xf32, #tpu.memory_space<vmem>>, vector<64x1xf32>
    %add3A = vector.broadcast %get3A_438 : vector<64x1xf32> to vector<64x10240xf32>
    %add3A_439 = arith.addf %dot_general3A_435, %add3A : vector<64x10240xf32>
    %max3A_440 = arith.constant 0.000000e+00 : f32
    %max3A_441 = vector.broadcast %max3A_440 : f32 to vector<64x10240xf32>
    %max3A_442 = arith.maximumf %add3A_439, %max3A_441 : vector<64x10240xf32>
    %get3A_443 = arith.constant 0 : index
    %get3A_444 = arith.constant 0 : index
    %get3A_445 = vector.load %arg11[%get3A_443, %get3A_444] : memref<128x64xf32, #tpu.memory_space<vmem>>, vector<128x64xf32>
    %dot_general3A_446 = arith.constant dense<0.000000e+00> : vector<128x10240xf32>
    %dot_general3A_447 = tpu.matmul %get3A_445, %max3A_442, %dot_general3A_446 {dimension_numbers = #tpu.dot_dimension_numbers<[1], [0], [0], [1], [0, 0, 1, 1], [], []>, transpose_lhs_hint = false} : vector<128x64xf32>, vector<64x10240xf32>, vector<128x10240xf32> -> vector<128x10240xf32>
    %get3A_448 = arith.constant 0 : index
    %get3A_449 = arith.constant 0 : index
    %get3A_450 = vector.load %arg12[%get3A_448, %get3A_449] : memref<128x1xf32, #tpu.memory_space<vmem>>, vector<128x1xf32>
    %add3A_451 = vector.broadcast %get3A_450 : vector<128x1xf32> to vector<128x10240xf32>
    %add3A_452 = arith.addf %dot_general3A_447, %add3A_451 : vector<128x10240xf32>
    %slice3A_453 = vector.extract_strided_slice %add3A_452 {offsets = [0, 0], sizes = [128, 128], strides = [1, 1]} : vector<128x10240xf32> to vector<128x128xf32>
    %slice3A_454 = vector.extract_strided_slice %add3A_452 {offsets = [0, 128], sizes = [128, 128], strides = [1, 1]} : vector<128x10240xf32> to vector<128x128xf32>
    %max3A_455 = arith.maximumf %slice3A_453, %slice3A_454 : vector<128x128xf32>
    %slice3A_456 = vector.extract_strided_slice %add3A_452 {offsets = [0, 256], sizes = [128, 128], strides = [1, 1]} : vector<128x10240xf32> to vector<128x128xf32>
    %max3A_457 = arith.maximumf %max3A_455, %slice3A_456 : vector<128x128xf32>
    %slice3A_458 = vector.extract_strided_slice %add3A_452 {offsets = [0, 384], sizes = [128, 128], strides = [1, 1]} : vector<128x10240xf32> to vector<128x128xf32>
    %max3A_459 = arith.maximumf %max3A_457, %slice3A_458 : vector<128x128xf32>
    %slice3A_460 = vector.extract_strided_slice %add3A_452 {offsets = [0, 512], sizes = [128, 128], strides = [1, 1]} : vector<128x10240xf32> to vector<128x128xf32>
    %max3A_461 = arith.maximumf %max3A_459, %slice3A_460 : vector<128x128xf32>
    %slice3A_462 = vector.extract_strided_slice %add3A_452 {offsets = [0, 640], sizes = [128, 128], strides = [1, 1]} : vector<128x10240xf32> to vector<128x128xf32>
    %max3A_463 = arith.maximumf %max3A_461, %slice3A_462 : vector<128x128xf32>
    %slice3A_464 = vector.extract_strided_slice %add3A_452 {offsets = [0, 768], sizes = [128, 128], strides = [1, 1]} : vector<128x10240xf32> to vector<128x128xf32>
    %max3A_465 = arith.maximumf %max3A_463, %slice3A_464 : vector<128x128xf32>
    %slice3A_466 = vector.extract_strided_slice %add3A_452 {offsets = [0, 896], sizes = [128, 128], strides = [1, 1]} : vector<128x10240xf32> to vector<128x128xf32>
    %max3A_467 = arith.maximumf %max3A_465, %slice3A_466 : vector<128x128xf32>
    %slice3A_468 = vector.extract_strided_slice %add3A_452 {offsets = [0, 1024], sizes = [128, 128], strides = [1, 1]} : vector<128x10240xf32> to vector<128x128xf32>
    %max3A_469 = arith.maximumf %max3A_467, %slice3A_468 : vector<128x128xf32>
    %slice3A_470 = vector.extract_strided_slice %add3A_452 {offsets = [0, 1152], sizes = [128, 128], strides = [1, 1]} : vector<128x10240xf32> to vector<128x128xf32>
    %max3A_471 = arith.maximumf %max3A_469, %slice3A_470 : vector<128x128xf32>
    %slice3A_472 = vector.extract_strided_slice %add3A_452 {offsets = [0, 1280], sizes = [128, 128], strides = [1, 1]} : vector<128x10240xf32> to vector<128x128xf32>
    %max3A_473 = arith.maximumf %max3A_471, %slice3A_472 : vector<128x128xf32>
    %slice3A_474 = vector.extract_strided_slice %add3A_452 {offsets = [0, 1408], sizes = [128, 128], strides = [1, 1]} : vector<128x10240xf32> to vector<128x128xf32>
    %max3A_475 = arith.maximumf %max3A_473, %slice3A_474 : vector<128x128xf32>
    %slice3A_476 = vector.extract_strided_slice %add3A_452 {offsets = [0, 1536], sizes = [128, 128], strides = [1, 1]} : vector<128x10240xf32> to vector<128x128xf32>
    %max3A_477 = arith.maximumf %max3A_475, %slice3A_476 : vector<128x128xf32>
    %slice3A_478 = vector.extract_strided_slice %add3A_452 {offsets = [0, 1664], sizes = [128, 128], strides = [1, 1]} : vector<128x10240xf32> to vector<128x128xf32>
    %max3A_479 = arith.maximumf %max3A_477, %slice3A_478 : vector<128x128xf32>
    %slice3A_480 = vector.extract_strided_slice %add3A_452 {offsets = [0, 1792], sizes = [128, 128], strides = [1, 1]} : vector<128x10240xf32> to vector<128x128xf32>
    %max3A_481 = arith.maximumf %max3A_479, %slice3A_480 : vector<128x128xf32>
    %slice3A_482 = vector.extract_strided_slice %add3A_452 {offsets = [0, 1920], sizes = [128, 128], strides = [1, 1]} : vector<128x10240xf32> to vector<128x128xf32>
    %max3A_483 = arith.maximumf %max3A_481, %slice3A_482 : vector<128x128xf32>
    %slice3A_484 = vector.extract_strided_slice %add3A_452 {offsets = [0, 2048], sizes = [128, 128], strides = [1, 1]} : vector<128x10240xf32> to vector<128x128xf32>
    %max3A_485 = arith.maximumf %max3A_483, %slice3A_484 : vector<128x128xf32>
    %slice3A_486 = vector.extract_strided_slice %add3A_452 {offsets = [0, 2176], sizes = [128, 128], strides = [1, 1]} : vector<128x10240xf32> to vector<128x128xf32>
    %max3A_487 = arith.maximumf %max3A_485, %slice3A_486 : vector<128x128xf32>
    %slice3A_488 = vector.extract_strided_slice %add3A_452 {offsets = [0, 2304], sizes = [128, 128], strides = [1, 1]} : vector<128x10240xf32> to vector<128x128xf32>
    %max3A_489 = arith.maximumf %max3A_487, %slice3A_488 : vector<128x128xf32>
    %slice3A_490 = vector.extract_strided_slice %add3A_452 {offsets = [0, 2432], sizes = [128, 128], strides = [1, 1]} : vector<128x10240xf32> to vector<128x128xf32>
    %max3A_491 = arith.maximumf %max3A_489, %slice3A_490 : vector<128x128xf32>
    %slice3A_492 = vector.extract_strided_slice %add3A_452 {offsets = [0, 2560], sizes = [128, 128], strides = [1, 1]} : vector<128x10240xf32> to vector<128x128xf32>
    %max3A_493 = arith.maximumf %max3A_491, %slice3A_492 : vector<128x128xf32>
    %slice3A_494 = vector.extract_strided_slice %add3A_452 {offsets = [0, 2688], sizes = [128, 128], strides = [1, 1]} : vector<128x10240xf32> to vector<128x128xf32>
    %max3A_495 = arith.maximumf %max3A_493, %slice3A_494 : vector<128x128xf32>
    %slice3A_496 = vector.extract_strided_slice %add3A_452 {offsets = [0, 2816], sizes = [128, 128], strides = [1, 1]} : vector<128x10240xf32> to vector<128x128xf32>
    %max3A_497 = arith.maximumf %max3A_495, %slice3A_496 : vector<128x128xf32>
    %slice3A_498 = vector.extract_strided_slice %add3A_452 {offsets = [0, 2944], sizes = [128, 128], strides = [1, 1]} : vector<128x10240xf32> to vector<128x128xf32>
    %max3A_499 = arith.maximumf %max3A_497, %slice3A_498 : vector<128x128xf32>
    %slice3A_500 = vector.extract_strided_slice %add3A_452 {offsets = [0, 3072], sizes = [128, 128], strides = [1, 1]} : vector<128x10240xf32> to vector<128x128xf32>
    %max3A_501 = arith.maximumf %max3A_499, %slice3A_500 : vector<128x128xf32>
    %slice3A_502 = vector.extract_strided_slice %add3A_452 {offsets = [0, 3200], sizes = [128, 128], strides = [1, 1]} : vector<128x10240xf32> to vector<128x128xf32>
    %max3A_503 = arith.maximumf %max3A_501, %slice3A_502 : vector<128x128xf32>
    %slice3A_504 = vector.extract_strided_slice %add3A_452 {offsets = [0, 3328], sizes = [128, 128], strides = [1, 1]} : vector<128x10240xf32> to vector<128x128xf32>
    %max3A_505 = arith.maximumf %max3A_503, %slice3A_504 : vector<128x128xf32>
    %slice3A_506 = vector.extract_strided_slice %add3A_452 {offsets = [0, 3456], sizes = [128, 128], strides = [1, 1]} : vector<128x10240xf32> to vector<128x128xf32>
    %max3A_507 = arith.maximumf %max3A_505, %slice3A_506 : vector<128x128xf32>
    %slice3A_508 = vector.extract_strided_slice %add3A_452 {offsets = [0, 3584], sizes = [128, 128], strides = [1, 1]} : vector<128x10240xf32> to vector<128x128xf32>
    %max3A_509 = arith.maximumf %max3A_507, %slice3A_508 : vector<128x128xf32>
    %slice3A_510 = vector.extract_strided_slice %add3A_452 {offsets = [0, 3712], sizes = [128, 128], strides = [1, 1]} : vector<128x10240xf32> to vector<128x128xf32>
    %max3A_511 = arith.maximumf %max3A_509, %slice3A_510 : vector<128x128xf32>
    %slice3A_512 = vector.extract_strided_slice %add3A_452 {offsets = [0, 3840], sizes = [128, 128], strides = [1, 1]} : vector<128x10240xf32> to vector<128x128xf32>
    %max3A_513 = arith.maximumf %max3A_511, %slice3A_512 : vector<128x128xf32>
    %slice3A_514 = vector.extract_strided_slice %add3A_452 {offsets = [0, 3968], sizes = [128, 128], strides = [1, 1]} : vector<128x10240xf32> to vector<128x128xf32>
    %max3A_515 = arith.maximumf %max3A_513, %slice3A_514 : vector<128x128xf32>
    %slice3A_516 = vector.extract_strided_slice %add3A_452 {offsets = [0, 4096], sizes = [128, 128], strides = [1, 1]} : vector<128x10240xf32> to vector<128x128xf32>
    %max3A_517 = arith.maximumf %max3A_515, %slice3A_516 : vector<128x128xf32>
    %slice3A_518 = vector.extract_strided_slice %add3A_452 {offsets = [0, 4224], sizes = [128, 128], strides = [1, 1]} : vector<128x10240xf32> to vector<128x128xf32>
    %max3A_519 = arith.maximumf %max3A_517, %slice3A_518 : vector<128x128xf32>
    %slice3A_520 = vector.extract_strided_slice %add3A_452 {offsets = [0, 4352], sizes = [128, 128], strides = [1, 1]} : vector<128x10240xf32> to vector<128x128xf32>
    %max3A_521 = arith.maximumf %max3A_519, %slice3A_520 : vector<128x128xf32>
    %slice3A_522 = vector.extract_strided_slice %add3A_452 {offsets = [0, 4480], sizes = [128, 128], strides = [1, 1]} : vector<128x10240xf32> to vector<128x128xf32>
    %max3A_523 = arith.maximumf %max3A_521, %slice3A_522 : vector<128x128xf32>
    %slice3A_524 = vector.extract_strided_slice %add3A_452 {offsets = [0, 4608], sizes = [128, 128], strides = [1, 1]} : vector<128x10240xf32> to vector<128x128xf32>
    %max3A_525 = arith.maximumf %max3A_523, %slice3A_524 : vector<128x128xf32>
    %slice3A_526 = vector.extract_strided_slice %add3A_452 {offsets = [0, 4736], sizes = [128, 128], strides = [1, 1]} : vector<128x10240xf32> to vector<128x128xf32>
    %max3A_527 = arith.maximumf %max3A_525, %slice3A_526 : vector<128x128xf32>
    %slice3A_528 = vector.extract_strided_slice %add3A_452 {offsets = [0, 4864], sizes = [128, 128], strides = [1, 1]} : vector<128x10240xf32> to vector<128x128xf32>
    %max3A_529 = arith.maximumf %max3A_527, %slice3A_528 : vector<128x128xf32>
    %slice3A_530 = vector.extract_strided_slice %add3A_452 {offsets = [0, 4992], sizes = [128, 128], strides = [1, 1]} : vector<128x10240xf32> to vector<128x128xf32>
    %max3A_531 = arith.maximumf %max3A_529, %slice3A_530 : vector<128x128xf32>
    %slice3A_532 = vector.extract_strided_slice %add3A_452 {offsets = [0, 5120], sizes = [128, 128], strides = [1, 1]} : vector<128x10240xf32> to vector<128x128xf32>
    %max3A_533 = arith.maximumf %max3A_531, %slice3A_532 : vector<128x128xf32>
    %slice3A_534 = vector.extract_strided_slice %add3A_452 {offsets = [0, 5248], sizes = [128, 128], strides = [1, 1]} : vector<128x10240xf32> to vector<128x128xf32>
    %max3A_535 = arith.maximumf %max3A_533, %slice3A_534 : vector<128x128xf32>
    %slice3A_536 = vector.extract_strided_slice %add3A_452 {offsets = [0, 5376], sizes = [128, 128], strides = [1, 1]} : vector<128x10240xf32> to vector<128x128xf32>
    %max3A_537 = arith.maximumf %max3A_535, %slice3A_536 : vector<128x128xf32>
    %slice3A_538 = vector.extract_strided_slice %add3A_452 {offsets = [0, 5504], sizes = [128, 128], strides = [1, 1]} : vector<128x10240xf32> to vector<128x128xf32>
    %max3A_539 = arith.maximumf %max3A_537, %slice3A_538 : vector<128x128xf32>
    %slice3A_540 = vector.extract_strided_slice %add3A_452 {offsets = [0, 5632], sizes = [128, 128], strides = [1, 1]} : vector<128x10240xf32> to vector<128x128xf32>
    %max3A_541 = arith.maximumf %max3A_539, %slice3A_540 : vector<128x128xf32>
    %slice3A_542 = vector.extract_strided_slice %add3A_452 {offsets = [0, 5760], sizes = [128, 128], strides = [1, 1]} : vector<128x10240xf32> to vector<128x128xf32>
    %max3A_543 = arith.maximumf %max3A_541, %slice3A_542 : vector<128x128xf32>
    %slice3A_544 = vector.extract_strided_slice %add3A_452 {offsets = [0, 5888], sizes = [128, 128], strides = [1, 1]} : vector<128x10240xf32> to vector<128x128xf32>
    %max3A_545 = arith.maximumf %max3A_543, %slice3A_544 : vector<128x128xf32>
    %slice3A_546 = vector.extract_strided_slice %add3A_452 {offsets = [0, 6016], sizes = [128, 128], strides = [1, 1]} : vector<128x10240xf32> to vector<128x128xf32>
    %max3A_547 = arith.maximumf %max3A_545, %slice3A_546 : vector<128x128xf32>
    %slice3A_548 = vector.extract_strided_slice %add3A_452 {offsets = [0, 6144], sizes = [128, 128], strides = [1, 1]} : vector<128x10240xf32> to vector<128x128xf32>
    %max3A_549 = arith.maximumf %max3A_547, %slice3A_548 : vector<128x128xf32>
    %slice3A_550 = vector.extract_strided_slice %add3A_452 {offsets = [0, 6272], sizes = [128, 128], strides = [1, 1]} : vector<128x10240xf32> to vector<128x128xf32>
    %max3A_551 = arith.maximumf %max3A_549, %slice3A_550 : vector<128x128xf32>
    %slice3A_552 = vector.extract_strided_slice %add3A_452 {offsets = [0, 6400], sizes = [128, 128], strides = [1, 1]} : vector<128x10240xf32> to vector<128x128xf32>
    %max3A_553 = arith.maximumf %max3A_551, %slice3A_552 : vector<128x128xf32>
    %slice3A_554 = vector.extract_strided_slice %add3A_452 {offsets = [0, 6528], sizes = [128, 128], strides = [1, 1]} : vector<128x10240xf32> to vector<128x128xf32>
    %max3A_555 = arith.maximumf %max3A_553, %slice3A_554 : vector<128x128xf32>
    %slice3A_556 = vector.extract_strided_slice %add3A_452 {offsets = [0, 6656], sizes = [128, 128], strides = [1, 1]} : vector<128x10240xf32> to vector<128x128xf32>
    %max3A_557 = arith.maximumf %max3A_555, %slice3A_556 : vector<128x128xf32>
    %slice3A_558 = vector.extract_strided_slice %add3A_452 {offsets = [0, 6784], sizes = [128, 128], strides = [1, 1]} : vector<128x10240xf32> to vector<128x128xf32>
    %max3A_559 = arith.maximumf %max3A_557, %slice3A_558 : vector<128x128xf32>
    %slice3A_560 = vector.extract_strided_slice %add3A_452 {offsets = [0, 6912], sizes = [128, 128], strides = [1, 1]} : vector<128x10240xf32> to vector<128x128xf32>
    %max3A_561 = arith.maximumf %max3A_559, %slice3A_560 : vector<128x128xf32>
    %slice3A_562 = vector.extract_strided_slice %add3A_452 {offsets = [0, 7040], sizes = [128, 128], strides = [1, 1]} : vector<128x10240xf32> to vector<128x128xf32>
    %max3A_563 = arith.maximumf %max3A_561, %slice3A_562 : vector<128x128xf32>
    %slice3A_564 = vector.extract_strided_slice %add3A_452 {offsets = [0, 7168], sizes = [128, 128], strides = [1, 1]} : vector<128x10240xf32> to vector<128x128xf32>
    %max3A_565 = arith.maximumf %max3A_563, %slice3A_564 : vector<128x128xf32>
    %slice3A_566 = vector.extract_strided_slice %add3A_452 {offsets = [0, 7296], sizes = [128, 128], strides = [1, 1]} : vector<128x10240xf32> to vector<128x128xf32>
    %max3A_567 = arith.maximumf %max3A_565, %slice3A_566 : vector<128x128xf32>
    %slice3A_568 = vector.extract_strided_slice %add3A_452 {offsets = [0, 7424], sizes = [128, 128], strides = [1, 1]} : vector<128x10240xf32> to vector<128x128xf32>
    %max3A_569 = arith.maximumf %max3A_567, %slice3A_568 : vector<128x128xf32>
    %slice3A_570 = vector.extract_strided_slice %add3A_452 {offsets = [0, 7552], sizes = [128, 128], strides = [1, 1]} : vector<128x10240xf32> to vector<128x128xf32>
    %max3A_571 = arith.maximumf %max3A_569, %slice3A_570 : vector<128x128xf32>
    %slice3A_572 = vector.extract_strided_slice %add3A_452 {offsets = [0, 7680], sizes = [128, 128], strides = [1, 1]} : vector<128x10240xf32> to vector<128x128xf32>
    %max3A_573 = arith.maximumf %max3A_571, %slice3A_572 : vector<128x128xf32>
    %slice3A_574 = vector.extract_strided_slice %add3A_452 {offsets = [0, 7808], sizes = [128, 128], strides = [1, 1]} : vector<128x10240xf32> to vector<128x128xf32>
    %max3A_575 = arith.maximumf %max3A_573, %slice3A_574 : vector<128x128xf32>
    %slice3A_576 = vector.extract_strided_slice %add3A_452 {offsets = [0, 7936], sizes = [128, 128], strides = [1, 1]} : vector<128x10240xf32> to vector<128x128xf32>
    %max3A_577 = arith.maximumf %max3A_575, %slice3A_576 : vector<128x128xf32>
    %slice3A_578 = vector.extract_strided_slice %add3A_452 {offsets = [0, 8064], sizes = [128, 128], strides = [1, 1]} : vector<128x10240xf32> to vector<128x128xf32>
    %max3A_579 = arith.maximumf %max3A_577, %slice3A_578 : vector<128x128xf32>
    %slice3A_580 = vector.extract_strided_slice %add3A_452 {offsets = [0, 8192], sizes = [128, 128], strides = [1, 1]} : vector<128x10240xf32> to vector<128x128xf32>
    %max3A_581 = arith.maximumf %max3A_579, %slice3A_580 : vector<128x128xf32>
    %slice3A_582 = vector.extract_strided_slice %add3A_452 {offsets = [0, 8320], sizes = [128, 128], strides = [1, 1]} : vector<128x10240xf32> to vector<128x128xf32>
    %max3A_583 = arith.maximumf %max3A_581, %slice3A_582 : vector<128x128xf32>
    %slice3A_584 = vector.extract_strided_slice %add3A_452 {offsets = [0, 8448], sizes = [128, 128], strides = [1, 1]} : vector<128x10240xf32> to vector<128x128xf32>
    %max3A_585 = arith.maximumf %max3A_583, %slice3A_584 : vector<128x128xf32>
    %slice3A_586 = vector.extract_strided_slice %add3A_452 {offsets = [0, 8576], sizes = [128, 128], strides = [1, 1]} : vector<128x10240xf32> to vector<128x128xf32>
    %max3A_587 = arith.maximumf %max3A_585, %slice3A_586 : vector<128x128xf32>
    %slice3A_588 = vector.extract_strided_slice %add3A_452 {offsets = [0, 8704], sizes = [128, 128], strides = [1, 1]} : vector<128x10240xf32> to vector<128x128xf32>
    %max3A_589 = arith.maximumf %max3A_587, %slice3A_588 : vector<128x128xf32>
    %slice3A_590 = vector.extract_strided_slice %add3A_452 {offsets = [0, 8832], sizes = [128, 128], strides = [1, 1]} : vector<128x10240xf32> to vector<128x128xf32>
    %max3A_591 = arith.maximumf %max3A_589, %slice3A_590 : vector<128x128xf32>
    %slice3A_592 = vector.extract_strided_slice %add3A_452 {offsets = [0, 8960], sizes = [128, 128], strides = [1, 1]} : vector<128x10240xf32> to vector<128x128xf32>
    %max3A_593 = arith.maximumf %max3A_591, %slice3A_592 : vector<128x128xf32>
    %slice3A_594 = vector.extract_strided_slice %add3A_452 {offsets = [0, 9088], sizes = [128, 128], strides = [1, 1]} : vector<128x10240xf32> to vector<128x128xf32>
    %max3A_595 = arith.maximumf %max3A_593, %slice3A_594 : vector<128x128xf32>
    %slice3A_596 = vector.extract_strided_slice %add3A_452 {offsets = [0, 9216], sizes = [128, 128], strides = [1, 1]} : vector<128x10240xf32> to vector<128x128xf32>
    %max3A_597 = arith.maximumf %max3A_595, %slice3A_596 : vector<128x128xf32>
    %slice3A_598 = vector.extract_strided_slice %add3A_452 {offsets = [0, 9344], sizes = [128, 128], strides = [1, 1]} : vector<128x10240xf32> to vector<128x128xf32>
    %max3A_599 = arith.maximumf %max3A_597, %slice3A_598 : vector<128x128xf32>
    %slice3A_600 = vector.extract_strided_slice %add3A_452 {offsets = [0, 9472], sizes = [128, 128], strides = [1, 1]} : vector<128x10240xf32> to vector<128x128xf32>
    %max3A_601 = arith.maximumf %max3A_599, %slice3A_600 : vector<128x128xf32>
    %slice3A_602 = vector.extract_strided_slice %add3A_452 {offsets = [0, 9600], sizes = [128, 128], strides = [1, 1]} : vector<128x10240xf32> to vector<128x128xf32>
    %max3A_603 = arith.maximumf %max3A_601, %slice3A_602 : vector<128x128xf32>
    %slice3A_604 = vector.extract_strided_slice %add3A_452 {offsets = [0, 9728], sizes = [128, 128], strides = [1, 1]} : vector<128x10240xf32> to vector<128x128xf32>
    %max3A_605 = arith.maximumf %max3A_603, %slice3A_604 : vector<128x128xf32>
    %slice3A_606 = vector.extract_strided_slice %add3A_452 {offsets = [0, 9856], sizes = [128, 128], strides = [1, 1]} : vector<128x10240xf32> to vector<128x128xf32>
    %max3A_607 = arith.maximumf %max3A_605, %slice3A_606 : vector<128x128xf32>
    %slice3A_608 = vector.extract_strided_slice %add3A_452 {offsets = [0, 9984], sizes = [128, 128], strides = [1, 1]} : vector<128x10240xf32> to vector<128x128xf32>
    %max3A_609 = arith.maximumf %max3A_607, %slice3A_608 : vector<128x128xf32>
    %slice3A_610 = vector.extract_strided_slice %add3A_452 {offsets = [0, 10112], sizes = [128, 128], strides = [1, 1]} : vector<128x10240xf32> to vector<128x128xf32>
    %max3A_611 = arith.maximumf %max3A_609, %slice3A_610 : vector<128x128xf32>
    %swap3A_612 = arith.constant 0 : index
    %swap3A_613 = arith.constant 0 : index
    %swap3A_614 = vector.load %arg13[%swap3A_612, %swap3A_613] : memref<128x128xf32, #tpu.memory_space<vmem>>, vector<128x128xf32>
    tpu.vector_store %arg13[%swap3A_612, %swap3A_613], %max3A_611 {strides = array<i32>} : memref<128x128xf32, #tpu.memory_space<vmem>>, vector<128x128xf32>,
    return
  }
  func.func @transform_0(%arg0: i32, %arg1: memref<64xi32, #tpu.memory_space<smem>>, %arg2: memref<64xi32, #tpu.memory_space<smem>>) -> (i32, i32) {
    %c0_i32 = arith.constant 0 : i32
    %c0_i32_0 = arith.constant 0 : i32
    %c0_i32_1 = arith.constant 0 : i32
    return %c0_i32, %c0_i32_0 : i32, i32
  }
  func.func @transform_1(%arg0: i32, %arg1: memref<64xi32, #tpu.memory_space<smem>>, %arg2: memref<64xi32, #tpu.memory_space<smem>>) -> (i32, i32) {
    %c0_i32 = arith.constant 0 : i32
    %c0_i32_0 = arith.constant 0 : i32
    return %c0_i32, %arg0 : i32, i32
  }
  func.func @transform_2(%arg0: i32, %arg1: memref<64xi32, #tpu.memory_space<smem>>, %arg2: memref<64xi32, #tpu.memory_space<smem>>) -> (i32, i32, i32) {
    %c0_i32 = arith.constant 0 : i32
    %c0_i32_0 = arith.constant 0 : i32
    %c0_i32_1 = arith.constant 0 : i32
    return %arg0, %c0_i32, %c0_i32_0 : i32, i32, i32
  }
  func.func @transform_3(%arg0: i32, %arg1: memref<64xi32, #tpu.memory_space<smem>>, %arg2: memref<64xi32, #tpu.memory_space<smem>>) -> (i32, i32) {
    %c0_i32 = arith.constant 0 : i32
    %c0_i32_0 = arith.constant 0 : i32
    %c0_i32_1 = arith.constant 0 : i32
    return %c0_i32, %c0_i32_0 : i32, i32
  }
  func.func @transform_4(%arg0: i32, %arg1: memref<64xi32, #tpu.memory_space<smem>>, %arg2: memref<64xi32, #tpu.memory_space<smem>>) -> (i32, i32) {
    %c0_i32 = arith.constant 0 : i32
    %c0_i32_0 = arith.constant 0 : i32
    %c0_i32_1 = arith.constant 0 : i32
    return %c0_i32, %c0_i32_0 : i32, i32
  }
  func.func @transform_5(%arg0: i32, %arg1: memref<64xi32, #tpu.memory_space<smem>>, %arg2: memref<64xi32, #tpu.memory_space<smem>>) -> (i32, i32) {
    %c0_i32 = arith.constant 0 : i32
    %c0_i32_0 = arith.constant 0 : i32
    %c0_i32_1 = arith.constant 0 : i32
    return %c0_i32, %c0_i32_0 : i32, i32
  }
  func.func @transform_6(%arg0: i32, %arg1: memref<64xi32, #tpu.memory_space<smem>>, %arg2: memref<64xi32, #tpu.memory_space<smem>>) -> (i32, i32) {
    %c0_i32 = arith.constant 0 : i32
    %c0_i32_0 = arith.constant 0 : i32
    %c0_i32_1 = arith.constant 0 : i32
    return %c0_i32, %c0_i32_0 : i32, i32
  }
  func.func @transform_7(%arg0: i32, %arg1: memref<64xi32, #tpu.memory_space<smem>>, %arg2: memref<64xi32, #tpu.memory_space<smem>>) -> (i32, i32) {
    %c0_i32 = arith.constant 0 : i32
    %c0_i32_0 = arith.constant 0 : i32
    %c0_i32_1 = arith.constant 0 : i32
    return %c0_i32, %c0_i32_0 : i32, i32
  }
  func.func @transform_8(%arg0: i32, %arg1: memref<64xi32, #tpu.memory_space<smem>>, %arg2: memref<64xi32, #tpu.memory_space<smem>>) -> (i32, i32) {
    %c0_i32 = arith.constant 0 : i32
    %c0_i32_0 = arith.constant 0 : i32
    %c0_i32_1 = arith.constant 0 : i32
    return %c0_i32, %c0_i32_0 : i32, i32
  }
  func.func @transform_9(%arg0: i32, %arg1: memref<64xi32, #tpu.memory_space<smem>>, %arg2: memref<64xi32, #tpu.memory_space<smem>>) -> (i32, i32) {
    %c0_i32 = arith.constant 0 : i32
    %c0_i32_0 = arith.constant 0 : i32
    %c0_i32_1 = arith.constant 0 : i32
    return %c0_i32, %c0_i32_0 : i32, i32
  }
  func.func @transform_10(%arg0: i32, %arg1: memref<64xi32, #tpu.memory_space<smem>>, %arg2: memref<64xi32, #tpu.memory_space<smem>>) -> (i32, i32) {
    %c0_i32 = arith.constant 0 : i32
    %c0_i32_0 = arith.constant 0 : i32
    return %c0_i32, %arg0 : i32, i32
  }
}

module attributes {stable_mosaic.version = 14 : i64} {
  func.func @_sa_body(%arg0: i32, %arg1: memref<64xi32, #tpu.memory_space<smem>>, %arg2: memref<64xi32, #tpu.memory_space<smem>>, %arg3: memref<136x8192xf32, #tpu.memory_space<vmem>>, %arg4: memref<8x128xf32, #tpu.memory_space<vmem>>, %arg5: memref<1x1x10240xi32, #tpu.memory_space<vmem>>, %arg6: memref<128x136xf32, #tpu.memory_space<vmem>>, %arg7: memref<128x8xf32, #tpu.memory_space<vmem>>, %arg8: memref<128x1xf32, #tpu.memory_space<vmem>>, %arg9: memref<128x128xf32, #tpu.memory_space<vmem>>, %arg10: memref<128x1xf32, #tpu.memory_space<vmem>>, %arg11: memref<256x128xf32, #tpu.memory_space<vmem>>, %arg12: memref<256x1xf32, #tpu.memory_space<vmem>>, %arg13: memref<256x128xf32, #tpu.memory_space<vmem>>, %arg14: memref<128x10240xf32, #tpu.memory_space<vmem>>) attributes {dimension_semantics = [#tpu.dimension_semantics<arbitrary>], iteration_bounds = array<i64: 64>, scalar_prefetch = 2 : i64, scratch_operands = 1 : i64, tpu.core_type = #tpu.core_type<tc>, window_params = [{pipeline_mode = #tpu.pipeline_mode<synchronous>, transform_indices = @transform_0, window_bounds = array<i64: 136, 8192>}, {transform_indices = @transform_1, window_bounds = array<i64: 8, 128>}, {transform_indices = @transform_2, window_bounds = array<i64: 1, 1, 10240>}, {pipeline_mode = #tpu.pipeline_mode<synchronous>, transform_indices = @transform_3, window_bounds = array<i64: 128, 136>}, {pipeline_mode = #tpu.pipeline_mode<synchronous>, transform_indices = @transform_4, window_bounds = array<i64: 128, 8>}, {pipeline_mode = #tpu.pipeline_mode<synchronous>, transform_indices = @transform_5, window_bounds = array<i64: 128, 1>}, {pipeline_mode = #tpu.pipeline_mode<synchronous>, transform_indices = @transform_6, window_bounds = array<i64: 128, 128>}, {pipeline_mode = #tpu.pipeline_mode<synchronous>, transform_indices = @transform_7, window_bounds = array<i64: 128, 1>}, {pipeline_mode = #tpu.pipeline_mode<synchronous>, transform_indices = @transform_8, window_bounds = array<i64: 256, 128>}, {pipeline_mode = #tpu.pipeline_mode<synchronous>, transform_indices = @transform_9, window_bounds = array<i64: 256, 1>}, {transform_indices = @transform_10, window_bounds = array<i64: 256, 128>}]} {
    %get3A = arith.index_cast %arg0 : i32 to index
    %get3A_0 = memref.load %arg1[%get3A] : memref<64xi32, #tpu.memory_space<smem>>
    %get3A_1 = arith.index_cast %arg0 : i32 to index
    %get3A_2 = memref.load %arg2[%get3A_1] : memref<64xi32, #tpu.memory_space<smem>>
    %get3A_3 = arith.constant 0 : index
    %get3A_4 = arith.constant 0 : index
    %get3A_5 = arith.constant 0 : index
    %get3A_6 = vector.load %arg5[%get3A_3, %get3A_4, %get3A_5] : memref<1x1x10240xi32, #tpu.memory_space<vmem>>, vector<1x1x10240xi32>
    %get3A_7 = vector.shape_cast %get3A_6 : vector<1x1x10240xi32> to vector<1x10240xi32>
    %broadcast_in_dim3A = arith.constant 0.000000e+00 : f32
    %broadcast_in_dim3A_8 = vector.broadcast %broadcast_in_dim3A : f32 to vector<128x10240xf32>
    %swap3A = arith.constant 0 : index
    %swap3A_9 = arith.constant 0 : index
    %swap3A_10 = vector.load %arg14[%swap3A, %swap3A_9] : memref<128x10240xf32, #tpu.memory_space<vmem>>, vector<128x10240xf32>
    tpu.vector_store %arg14[%swap3A, %swap3A_9], %broadcast_in_dim3A_8 {strides = array<i32>} : memref<128x10240xf32, #tpu.memory_space<vmem>>, vector<128x10240xf32>,
    %while3A = arith.constant 0 : i32
    %while3A_11 = arith.subi %get3A_2, %get3A_0 : i32
    %while3A_12 = arith.addi %get3A_0, %while3A_11 : i32
    %while3A_13 = arith.constant 1 : i32
    %while3A_14 = arith.divsi %while3A_11, %while3A_13 : i32
    %while3A_15 = arith.muli %while3A_14, %while3A_13 : i32
    %while3A_16 = arith.addi %get3A_0, %while3A_15 : i32
    %while3A_17 = arith.constant 1 : i32
    scf.for %while3A_615 = %get3A_0 to %while3A_16 step %while3A_17  : i32 {
      %mul3A = arith.constant 256 : i32
      %mul3A_616 = arith.muli %while3A_615, %mul3A : i32
      %get3A_617 = arith.constant 0 : index
      %get3A_618 = arith.index_cast %mul3A_616 : i32 to index
      %get3A_619 = vector.load %arg3[%get3A_617, %get3A_618] : memref<136x8192xf32, #tpu.memory_space<vmem>>, vector<136x256xf32>
      %get3A_620 = arith.constant 0 : index
      %get3A_621 = arith.constant 0 : index
      %get3A_622 = vector.load %arg6[%get3A_620, %get3A_621] : memref<128x136xf32, #tpu.memory_space<vmem>>, vector<128x136xf32>
      %dot_general3A_623 = arith.constant dense<0.000000e+00> : vector<128x256xf32>
      %dot_general3A_624 = tpu.matmul %get3A_622, %get3A_619, %dot_general3A_623 {dimension_numbers = #tpu.dot_dimension_numbers<[1], [0], [0], [1], [0, 0, 1, 1], [], []>, transpose_lhs_hint = false} : vector<128x136xf32>, vector<136x256xf32>, vector<128x256xf32> -> vector<128x256xf32>
      %mul3A_625 = arith.constant 256 : i32
      %mul3A_626 = arith.muli %while3A_615, %mul3A_625 : i32
      %iota3A = tpu.iota {dimensions = array<i32: 0>} : vector<256x1xi32>
      %add3A_627 = vector.broadcast %mul3A_626 : i32 to vector<256x1xi32>
      %add3A_628 = arith.addi %add3A_627, %iota3A : vector<256x1xi32>
      %eq3A = vector.broadcast %get3A_7 : vector<1x10240xi32> to vector<256x10240xi32>
      %eq3A_629 = vector.broadcast %add3A_628 : vector<256x1xi32> to vector<256x10240xi32>
      %eq3A_630 = arith.cmpi eq, %eq3A, %eq3A_629 : vector<256x10240xi32>
      %jit3A = arith.constant 1.000000e+00 : f32
      %jit3A_631 = arith.constant 0.000000e+00 : f32
      %broadcast_in_dim3A_632 = vector.broadcast %jit3A : f32 to vector<256x10240xf32>
      %broadcast_in_dim3A_633 = vector.broadcast %jit3A_631 : f32 to vector<256x10240xf32>
      %select_n3A = arith.select %eq3A_630, %broadcast_in_dim3A_632, %broadcast_in_dim3A_633 : vector<256x10240xi1>, vector<256x10240xf32>
      %get3A_634 = arith.constant 0 : index
      %get3A_635 = arith.constant 0 : index
      %get3A_636 = vector.load %arg14[%get3A_634, %get3A_635] : memref<128x10240xf32, #tpu.memory_space<vmem>>, vector<128x10240xf32>
      %dot_general3A_637 = arith.constant dense<0.000000e+00> : vector<128x10240xf32>
      %dot_general3A_638 = tpu.matmul %dot_general3A_624, %select_n3A, %dot_general3A_637 {dimension_numbers = #tpu.dot_dimension_numbers<[1], [0], [0], [1], [0, 0, 1, 1], [], []>, transpose_lhs_hint = false} : vector<128x256xf32>, vector<256x10240xf32>, vector<128x10240xf32> -> vector<128x10240xf32>
      %add3A_639 = arith.addf %get3A_636, %dot_general3A_638 : vector<128x10240xf32>
      %swap3A_640 = arith.constant 0 : index
      %swap3A_641 = arith.constant 0 : index
      %swap3A_642 = vector.load %arg14[%swap3A_640, %swap3A_641] : memref<128x10240xf32, #tpu.memory_space<vmem>>, vector<128x10240xf32>
      tpu.vector_store %arg14[%swap3A_640, %swap3A_641], %add3A_639 {strides = array<i32>} : memref<128x10240xf32, #tpu.memory_space<vmem>>, vector<128x10240xf32>,
    }
    %while3A_18 = arith.constant 1 : i32
    scf.for %while3A_615 = %while3A_16 to %while3A_12 step %while3A_18  : i32 {
      %mul3A = arith.constant 256 : i32
      %mul3A_616 = arith.muli %while3A_615, %mul3A : i32
      %get3A_617 = arith.constant 0 : index
      %get3A_618 = arith.index_cast %mul3A_616 : i32 to index
      %get3A_619 = vector.load %arg3[%get3A_617, %get3A_618] : memref<136x8192xf32, #tpu.memory_space<vmem>>, vector<136x256xf32>
      %get3A_620 = arith.constant 0 : index
      %get3A_621 = arith.constant 0 : index
      %get3A_622 = vector.load %arg6[%get3A_620, %get3A_621] : memref<128x136xf32, #tpu.memory_space<vmem>>, vector<128x136xf32>
      %dot_general3A_623 = arith.constant dense<0.000000e+00> : vector<128x256xf32>
      %dot_general3A_624 = tpu.matmul %get3A_622, %get3A_619, %dot_general3A_623 {dimension_numbers = #tpu.dot_dimension_numbers<[1], [0], [0], [1], [0, 0, 1, 1], [], []>, transpose_lhs_hint = false} : vector<128x136xf32>, vector<136x256xf32>, vector<128x256xf32> -> vector<128x256xf32>
      %mul3A_625 = arith.constant 256 : i32
      %mul3A_626 = arith.muli %while3A_615, %mul3A_625 : i32
      %iota3A = tpu.iota {dimensions = array<i32: 0>} : vector<256x1xi32>
      %add3A_627 = vector.broadcast %mul3A_626 : i32 to vector<256x1xi32>
      %add3A_628 = arith.addi %add3A_627, %iota3A : vector<256x1xi32>
      %eq3A = vector.broadcast %get3A_7 : vector<1x10240xi32> to vector<256x10240xi32>
      %eq3A_629 = vector.broadcast %add3A_628 : vector<256x1xi32> to vector<256x10240xi32>
      %eq3A_630 = arith.cmpi eq, %eq3A, %eq3A_629 : vector<256x10240xi32>
      %jit3A = arith.constant 1.000000e+00 : f32
      %jit3A_631 = arith.constant 0.000000e+00 : f32
      %broadcast_in_dim3A_632 = vector.broadcast %jit3A : f32 to vector<256x10240xf32>
      %broadcast_in_dim3A_633 = vector.broadcast %jit3A_631 : f32 to vector<256x10240xf32>
      %select_n3A = arith.select %eq3A_630, %broadcast_in_dim3A_632, %broadcast_in_dim3A_633 : vector<256x10240xi1>, vector<256x10240xf32>
      %get3A_634 = arith.constant 0 : index
      %get3A_635 = arith.constant 0 : index
      %get3A_636 = vector.load %arg14[%get3A_634, %get3A_635] : memref<128x10240xf32, #tpu.memory_space<vmem>>, vector<128x10240xf32>
      %dot_general3A_637 = arith.constant dense<0.000000e+00> : vector<128x10240xf32>
      %dot_general3A_638 = tpu.matmul %dot_general3A_624, %select_n3A, %dot_general3A_637 {dimension_numbers = #tpu.dot_dimension_numbers<[1], [0], [0], [1], [0, 0, 1, 1], [], []>, transpose_lhs_hint = false} : vector<128x256xf32>, vector<256x10240xf32>, vector<128x10240xf32> -> vector<128x10240xf32>
      %add3A_639 = arith.addf %get3A_636, %dot_general3A_638 : vector<128x10240xf32>
      %swap3A_640 = arith.constant 0 : index
      %swap3A_641 = arith.constant 0 : index
      %swap3A_642 = vector.load %arg14[%swap3A_640, %swap3A_641] : memref<128x10240xf32, #tpu.memory_space<vmem>>, vector<128x10240xf32>
      tpu.vector_store %arg14[%swap3A_640, %swap3A_641], %add3A_639 {strides = array<i32>} : memref<128x10240xf32, #tpu.memory_space<vmem>>, vector<128x10240xf32>,
    }
    %get3A_19 = arith.constant 0 : index
    %get3A_20 = arith.constant 0 : index
    %get3A_21 = vector.load %arg7[%get3A_19, %get3A_20] : memref<128x8xf32, #tpu.memory_space<vmem>>, vector<128x8xf32>
    %get3A_22 = arith.constant 0 : index
    %get3A_23 = arith.constant 0 : index
    %get3A_24 = vector.load %arg4[%get3A_22, %get3A_23] : memref<8x128xf32, #tpu.memory_space<vmem>>, vector<8x128xf32>
    %dot_general3A = arith.constant dense<0.000000e+00> : vector<128x128xf32>
    %dot_general3A_25 = tpu.matmul %get3A_21, %get3A_24, %dot_general3A {dimension_numbers = #tpu.dot_dimension_numbers<[1], [0], [0], [1], [0, 0, 1, 1], [], []>, transpose_lhs_hint = false} : vector<128x8xf32>, vector<8x128xf32>, vector<128x128xf32> -> vector<128x128xf32>
    %get3A_26 = arith.constant 0 : index
    %get3A_27 = arith.constant 0 : index
    %get3A_28 = vector.load %arg8[%get3A_26, %get3A_27] : memref<128x1xf32, #tpu.memory_space<vmem>>, vector<128x1xf32>
    %sub3A = vector.broadcast %get3A_28 : vector<128x1xf32> to vector<128x128xf32>
    %sub3A_29 = arith.subf %dot_general3A_25, %sub3A : vector<128x128xf32>
    %get3A_30 = arith.constant 0 : index
    %get3A_31 = arith.constant 0 : index
    %get3A_32 = vector.load %arg14[%get3A_30, %get3A_31] : memref<128x10240xf32, #tpu.memory_space<vmem>>, vector<128x10240xf32>
    %slice3A = vector.extract_strided_slice %get3A_32 {offsets = [0, 0], sizes = [128, 128], strides = [1, 1]} : vector<128x10240xf32> to vector<128x128xf32>
    %sub3A_33 = arith.subf %slice3A, %sub3A_29 : vector<128x128xf32>
    %max3A = arith.constant 0.000000e+00 : f32
    %max3A_34 = vector.broadcast %max3A : f32 to vector<128x128xf32>
    %max3A_35 = arith.maximumf %sub3A_33, %max3A_34 : vector<128x128xf32>
    %slice3A_36 = vector.extract_strided_slice %get3A_32 {offsets = [0, 128], sizes = [128, 128], strides = [1, 1]} : vector<128x10240xf32> to vector<128x128xf32>
    %sub3A_37 = arith.subf %slice3A_36, %sub3A_29 : vector<128x128xf32>
    %max3A_38 = arith.constant 0.000000e+00 : f32
    %max3A_39 = vector.broadcast %max3A_38 : f32 to vector<128x128xf32>
    %max3A_40 = arith.maximumf %sub3A_37, %max3A_39 : vector<128x128xf32>
    %slice3A_41 = vector.extract_strided_slice %get3A_32 {offsets = [0, 256], sizes = [128, 128], strides = [1, 1]} : vector<128x10240xf32> to vector<128x128xf32>
    %sub3A_42 = arith.subf %slice3A_41, %sub3A_29 : vector<128x128xf32>
    %max3A_43 = arith.constant 0.000000e+00 : f32
    %max3A_44 = vector.broadcast %max3A_43 : f32 to vector<128x128xf32>
    %max3A_45 = arith.maximumf %sub3A_42, %max3A_44 : vector<128x128xf32>
    %slice3A_46 = vector.extract_strided_slice %get3A_32 {offsets = [0, 384], sizes = [128, 128], strides = [1, 1]} : vector<128x10240xf32> to vector<128x128xf32>
    %sub3A_47 = arith.subf %slice3A_46, %sub3A_29 : vector<128x128xf32>
    %max3A_48 = arith.constant 0.000000e+00 : f32
    %max3A_49 = vector.broadcast %max3A_48 : f32 to vector<128x128xf32>
    %max3A_50 = arith.maximumf %sub3A_47, %max3A_49 : vector<128x128xf32>
    %slice3A_51 = vector.extract_strided_slice %get3A_32 {offsets = [0, 512], sizes = [128, 128], strides = [1, 1]} : vector<128x10240xf32> to vector<128x128xf32>
    %sub3A_52 = arith.subf %slice3A_51, %sub3A_29 : vector<128x128xf32>
    %max3A_53 = arith.constant 0.000000e+00 : f32
    %max3A_54 = vector.broadcast %max3A_53 : f32 to vector<128x128xf32>
    %max3A_55 = arith.maximumf %sub3A_52, %max3A_54 : vector<128x128xf32>
    %slice3A_56 = vector.extract_strided_slice %get3A_32 {offsets = [0, 640], sizes = [128, 128], strides = [1, 1]} : vector<128x10240xf32> to vector<128x128xf32>
    %sub3A_57 = arith.subf %slice3A_56, %sub3A_29 : vector<128x128xf32>
    %max3A_58 = arith.constant 0.000000e+00 : f32
    %max3A_59 = vector.broadcast %max3A_58 : f32 to vector<128x128xf32>
    %max3A_60 = arith.maximumf %sub3A_57, %max3A_59 : vector<128x128xf32>
    %slice3A_61 = vector.extract_strided_slice %get3A_32 {offsets = [0, 768], sizes = [128, 128], strides = [1, 1]} : vector<128x10240xf32> to vector<128x128xf32>
    %sub3A_62 = arith.subf %slice3A_61, %sub3A_29 : vector<128x128xf32>
    %max3A_63 = arith.constant 0.000000e+00 : f32
    %max3A_64 = vector.broadcast %max3A_63 : f32 to vector<128x128xf32>
    %max3A_65 = arith.maximumf %sub3A_62, %max3A_64 : vector<128x128xf32>
    %slice3A_66 = vector.extract_strided_slice %get3A_32 {offsets = [0, 896], sizes = [128, 128], strides = [1, 1]} : vector<128x10240xf32> to vector<128x128xf32>
    %sub3A_67 = arith.subf %slice3A_66, %sub3A_29 : vector<128x128xf32>
    %max3A_68 = arith.constant 0.000000e+00 : f32
    %max3A_69 = vector.broadcast %max3A_68 : f32 to vector<128x128xf32>
    %max3A_70 = arith.maximumf %sub3A_67, %max3A_69 : vector<128x128xf32>
    %slice3A_71 = vector.extract_strided_slice %get3A_32 {offsets = [0, 1024], sizes = [128, 128], strides = [1, 1]} : vector<128x10240xf32> to vector<128x128xf32>
    %sub3A_72 = arith.subf %slice3A_71, %sub3A_29 : vector<128x128xf32>
    %max3A_73 = arith.constant 0.000000e+00 : f32
    %max3A_74 = vector.broadcast %max3A_73 : f32 to vector<128x128xf32>
    %max3A_75 = arith.maximumf %sub3A_72, %max3A_74 : vector<128x128xf32>
    %slice3A_76 = vector.extract_strided_slice %get3A_32 {offsets = [0, 1152], sizes = [128, 128], strides = [1, 1]} : vector<128x10240xf32> to vector<128x128xf32>
    %sub3A_77 = arith.subf %slice3A_76, %sub3A_29 : vector<128x128xf32>
    %max3A_78 = arith.constant 0.000000e+00 : f32
    %max3A_79 = vector.broadcast %max3A_78 : f32 to vector<128x128xf32>
    %max3A_80 = arith.maximumf %sub3A_77, %max3A_79 : vector<128x128xf32>
    %slice3A_81 = vector.extract_strided_slice %get3A_32 {offsets = [0, 1280], sizes = [128, 128], strides = [1, 1]} : vector<128x10240xf32> to vector<128x128xf32>
    %sub3A_82 = arith.subf %slice3A_81, %sub3A_29 : vector<128x128xf32>
    %max3A_83 = arith.constant 0.000000e+00 : f32
    %max3A_84 = vector.broadcast %max3A_83 : f32 to vector<128x128xf32>
    %max3A_85 = arith.maximumf %sub3A_82, %max3A_84 : vector<128x128xf32>
    %slice3A_86 = vector.extract_strided_slice %get3A_32 {offsets = [0, 1408], sizes = [128, 128], strides = [1, 1]} : vector<128x10240xf32> to vector<128x128xf32>
    %sub3A_87 = arith.subf %slice3A_86, %sub3A_29 : vector<128x128xf32>
    %max3A_88 = arith.constant 0.000000e+00 : f32
    %max3A_89 = vector.broadcast %max3A_88 : f32 to vector<128x128xf32>
    %max3A_90 = arith.maximumf %sub3A_87, %max3A_89 : vector<128x128xf32>
    %slice3A_91 = vector.extract_strided_slice %get3A_32 {offsets = [0, 1536], sizes = [128, 128], strides = [1, 1]} : vector<128x10240xf32> to vector<128x128xf32>
    %sub3A_92 = arith.subf %slice3A_91, %sub3A_29 : vector<128x128xf32>
    %max3A_93 = arith.constant 0.000000e+00 : f32
    %max3A_94 = vector.broadcast %max3A_93 : f32 to vector<128x128xf32>
    %max3A_95 = arith.maximumf %sub3A_92, %max3A_94 : vector<128x128xf32>
    %slice3A_96 = vector.extract_strided_slice %get3A_32 {offsets = [0, 1664], sizes = [128, 128], strides = [1, 1]} : vector<128x10240xf32> to vector<128x128xf32>
    %sub3A_97 = arith.subf %slice3A_96, %sub3A_29 : vector<128x128xf32>
    %max3A_98 = arith.constant 0.000000e+00 : f32
    %max3A_99 = vector.broadcast %max3A_98 : f32 to vector<128x128xf32>
    %max3A_100 = arith.maximumf %sub3A_97, %max3A_99 : vector<128x128xf32>
    %slice3A_101 = vector.extract_strided_slice %get3A_32 {offsets = [0, 1792], sizes = [128, 128], strides = [1, 1]} : vector<128x10240xf32> to vector<128x128xf32>
    %sub3A_102 = arith.subf %slice3A_101, %sub3A_29 : vector<128x128xf32>
    %max3A_103 = arith.constant 0.000000e+00 : f32
    %max3A_104 = vector.broadcast %max3A_103 : f32 to vector<128x128xf32>
    %max3A_105 = arith.maximumf %sub3A_102, %max3A_104 : vector<128x128xf32>
    %slice3A_106 = vector.extract_strided_slice %get3A_32 {offsets = [0, 1920], sizes = [128, 128], strides = [1, 1]} : vector<128x10240xf32> to vector<128x128xf32>
    %sub3A_107 = arith.subf %slice3A_106, %sub3A_29 : vector<128x128xf32>
    %max3A_108 = arith.constant 0.000000e+00 : f32
    %max3A_109 = vector.broadcast %max3A_108 : f32 to vector<128x128xf32>
    %max3A_110 = arith.maximumf %sub3A_107, %max3A_109 : vector<128x128xf32>
    %slice3A_111 = vector.extract_strided_slice %get3A_32 {offsets = [0, 2048], sizes = [128, 128], strides = [1, 1]} : vector<128x10240xf32> to vector<128x128xf32>
    %sub3A_112 = arith.subf %slice3A_111, %sub3A_29 : vector<128x128xf32>
    %max3A_113 = arith.constant 0.000000e+00 : f32
    %max3A_114 = vector.broadcast %max3A_113 : f32 to vector<128x128xf32>
    %max3A_115 = arith.maximumf %sub3A_112, %max3A_114 : vector<128x128xf32>
    %slice3A_116 = vector.extract_strided_slice %get3A_32 {offsets = [0, 2176], sizes = [128, 128], strides = [1, 1]} : vector<128x10240xf32> to vector<128x128xf32>
    %sub3A_117 = arith.subf %slice3A_116, %sub3A_29 : vector<128x128xf32>
    %max3A_118 = arith.constant 0.000000e+00 : f32
    %max3A_119 = vector.broadcast %max3A_118 : f32 to vector<128x128xf32>
    %max3A_120 = arith.maximumf %sub3A_117, %max3A_119 : vector<128x128xf32>
    %slice3A_121 = vector.extract_strided_slice %get3A_32 {offsets = [0, 2304], sizes = [128, 128], strides = [1, 1]} : vector<128x10240xf32> to vector<128x128xf32>
    %sub3A_122 = arith.subf %slice3A_121, %sub3A_29 : vector<128x128xf32>
    %max3A_123 = arith.constant 0.000000e+00 : f32
    %max3A_124 = vector.broadcast %max3A_123 : f32 to vector<128x128xf32>
    %max3A_125 = arith.maximumf %sub3A_122, %max3A_124 : vector<128x128xf32>
    %slice3A_126 = vector.extract_strided_slice %get3A_32 {offsets = [0, 2432], sizes = [128, 128], strides = [1, 1]} : vector<128x10240xf32> to vector<128x128xf32>
    %sub3A_127 = arith.subf %slice3A_126, %sub3A_29 : vector<128x128xf32>
    %max3A_128 = arith.constant 0.000000e+00 : f32
    %max3A_129 = vector.broadcast %max3A_128 : f32 to vector<128x128xf32>
    %max3A_130 = arith.maximumf %sub3A_127, %max3A_129 : vector<128x128xf32>
    %slice3A_131 = vector.extract_strided_slice %get3A_32 {offsets = [0, 2560], sizes = [128, 128], strides = [1, 1]} : vector<128x10240xf32> to vector<128x128xf32>
    %sub3A_132 = arith.subf %slice3A_131, %sub3A_29 : vector<128x128xf32>
    %max3A_133 = arith.constant 0.000000e+00 : f32
    %max3A_134 = vector.broadcast %max3A_133 : f32 to vector<128x128xf32>
    %max3A_135 = arith.maximumf %sub3A_132, %max3A_134 : vector<128x128xf32>
    %slice3A_136 = vector.extract_strided_slice %get3A_32 {offsets = [0, 2688], sizes = [128, 128], strides = [1, 1]} : vector<128x10240xf32> to vector<128x128xf32>
    %sub3A_137 = arith.subf %slice3A_136, %sub3A_29 : vector<128x128xf32>
    %max3A_138 = arith.constant 0.000000e+00 : f32
    %max3A_139 = vector.broadcast %max3A_138 : f32 to vector<128x128xf32>
    %max3A_140 = arith.maximumf %sub3A_137, %max3A_139 : vector<128x128xf32>
    %slice3A_141 = vector.extract_strided_slice %get3A_32 {offsets = [0, 2816], sizes = [128, 128], strides = [1, 1]} : vector<128x10240xf32> to vector<128x128xf32>
    %sub3A_142 = arith.subf %slice3A_141, %sub3A_29 : vector<128x128xf32>
    %max3A_143 = arith.constant 0.000000e+00 : f32
    %max3A_144 = vector.broadcast %max3A_143 : f32 to vector<128x128xf32>
    %max3A_145 = arith.maximumf %sub3A_142, %max3A_144 : vector<128x128xf32>
    %slice3A_146 = vector.extract_strided_slice %get3A_32 {offsets = [0, 2944], sizes = [128, 128], strides = [1, 1]} : vector<128x10240xf32> to vector<128x128xf32>
    %sub3A_147 = arith.subf %slice3A_146, %sub3A_29 : vector<128x128xf32>
    %max3A_148 = arith.constant 0.000000e+00 : f32
    %max3A_149 = vector.broadcast %max3A_148 : f32 to vector<128x128xf32>
    %max3A_150 = arith.maximumf %sub3A_147, %max3A_149 : vector<128x128xf32>
    %slice3A_151 = vector.extract_strided_slice %get3A_32 {offsets = [0, 3072], sizes = [128, 128], strides = [1, 1]} : vector<128x10240xf32> to vector<128x128xf32>
    %sub3A_152 = arith.subf %slice3A_151, %sub3A_29 : vector<128x128xf32>
    %max3A_153 = arith.constant 0.000000e+00 : f32
    %max3A_154 = vector.broadcast %max3A_153 : f32 to vector<128x128xf32>
    %max3A_155 = arith.maximumf %sub3A_152, %max3A_154 : vector<128x128xf32>
    %slice3A_156 = vector.extract_strided_slice %get3A_32 {offsets = [0, 3200], sizes = [128, 128], strides = [1, 1]} : vector<128x10240xf32> to vector<128x128xf32>
    %sub3A_157 = arith.subf %slice3A_156, %sub3A_29 : vector<128x128xf32>
    %max3A_158 = arith.constant 0.000000e+00 : f32
    %max3A_159 = vector.broadcast %max3A_158 : f32 to vector<128x128xf32>
    %max3A_160 = arith.maximumf %sub3A_157, %max3A_159 : vector<128x128xf32>
    %slice3A_161 = vector.extract_strided_slice %get3A_32 {offsets = [0, 3328], sizes = [128, 128], strides = [1, 1]} : vector<128x10240xf32> to vector<128x128xf32>
    %sub3A_162 = arith.subf %slice3A_161, %sub3A_29 : vector<128x128xf32>
    %max3A_163 = arith.constant 0.000000e+00 : f32
    %max3A_164 = vector.broadcast %max3A_163 : f32 to vector<128x128xf32>
    %max3A_165 = arith.maximumf %sub3A_162, %max3A_164 : vector<128x128xf32>
    %slice3A_166 = vector.extract_strided_slice %get3A_32 {offsets = [0, 3456], sizes = [128, 128], strides = [1, 1]} : vector<128x10240xf32> to vector<128x128xf32>
    %sub3A_167 = arith.subf %slice3A_166, %sub3A_29 : vector<128x128xf32>
    %max3A_168 = arith.constant 0.000000e+00 : f32
    %max3A_169 = vector.broadcast %max3A_168 : f32 to vector<128x128xf32>
    %max3A_170 = arith.maximumf %sub3A_167, %max3A_169 : vector<128x128xf32>
    %slice3A_171 = vector.extract_strided_slice %get3A_32 {offsets = [0, 3584], sizes = [128, 128], strides = [1, 1]} : vector<128x10240xf32> to vector<128x128xf32>
    %sub3A_172 = arith.subf %slice3A_171, %sub3A_29 : vector<128x128xf32>
    %max3A_173 = arith.constant 0.000000e+00 : f32
    %max3A_174 = vector.broadcast %max3A_173 : f32 to vector<128x128xf32>
    %max3A_175 = arith.maximumf %sub3A_172, %max3A_174 : vector<128x128xf32>
    %slice3A_176 = vector.extract_strided_slice %get3A_32 {offsets = [0, 3712], sizes = [128, 128], strides = [1, 1]} : vector<128x10240xf32> to vector<128x128xf32>
    %sub3A_177 = arith.subf %slice3A_176, %sub3A_29 : vector<128x128xf32>
    %max3A_178 = arith.constant 0.000000e+00 : f32
    %max3A_179 = vector.broadcast %max3A_178 : f32 to vector<128x128xf32>
    %max3A_180 = arith.maximumf %sub3A_177, %max3A_179 : vector<128x128xf32>
    %slice3A_181 = vector.extract_strided_slice %get3A_32 {offsets = [0, 3840], sizes = [128, 128], strides = [1, 1]} : vector<128x10240xf32> to vector<128x128xf32>
    %sub3A_182 = arith.subf %slice3A_181, %sub3A_29 : vector<128x128xf32>
    %max3A_183 = arith.constant 0.000000e+00 : f32
    %max3A_184 = vector.broadcast %max3A_183 : f32 to vector<128x128xf32>
    %max3A_185 = arith.maximumf %sub3A_182, %max3A_184 : vector<128x128xf32>
    %slice3A_186 = vector.extract_strided_slice %get3A_32 {offsets = [0, 3968], sizes = [128, 128], strides = [1, 1]} : vector<128x10240xf32> to vector<128x128xf32>
    %sub3A_187 = arith.subf %slice3A_186, %sub3A_29 : vector<128x128xf32>
    %max3A_188 = arith.constant 0.000000e+00 : f32
    %max3A_189 = vector.broadcast %max3A_188 : f32 to vector<128x128xf32>
    %max3A_190 = arith.maximumf %sub3A_187, %max3A_189 : vector<128x128xf32>
    %slice3A_191 = vector.extract_strided_slice %get3A_32 {offsets = [0, 4096], sizes = [128, 128], strides = [1, 1]} : vector<128x10240xf32> to vector<128x128xf32>
    %sub3A_192 = arith.subf %slice3A_191, %sub3A_29 : vector<128x128xf32>
    %max3A_193 = arith.constant 0.000000e+00 : f32
    %max3A_194 = vector.broadcast %max3A_193 : f32 to vector<128x128xf32>
    %max3A_195 = arith.maximumf %sub3A_192, %max3A_194 : vector<128x128xf32>
    %slice3A_196 = vector.extract_strided_slice %get3A_32 {offsets = [0, 4224], sizes = [128, 128], strides = [1, 1]} : vector<128x10240xf32> to vector<128x128xf32>
    %sub3A_197 = arith.subf %slice3A_196, %sub3A_29 : vector<128x128xf32>
    %max3A_198 = arith.constant 0.000000e+00 : f32
    %max3A_199 = vector.broadcast %max3A_198 : f32 to vector<128x128xf32>
    %max3A_200 = arith.maximumf %sub3A_197, %max3A_199 : vector<128x128xf32>
    %slice3A_201 = vector.extract_strided_slice %get3A_32 {offsets = [0, 4352], sizes = [128, 128], strides = [1, 1]} : vector<128x10240xf32> to vector<128x128xf32>
    %sub3A_202 = arith.subf %slice3A_201, %sub3A_29 : vector<128x128xf32>
    %max3A_203 = arith.constant 0.000000e+00 : f32
    %max3A_204 = vector.broadcast %max3A_203 : f32 to vector<128x128xf32>
    %max3A_205 = arith.maximumf %sub3A_202, %max3A_204 : vector<128x128xf32>
    %slice3A_206 = vector.extract_strided_slice %get3A_32 {offsets = [0, 4480], sizes = [128, 128], strides = [1, 1]} : vector<128x10240xf32> to vector<128x128xf32>
    %sub3A_207 = arith.subf %slice3A_206, %sub3A_29 : vector<128x128xf32>
    %max3A_208 = arith.constant 0.000000e+00 : f32
    %max3A_209 = vector.broadcast %max3A_208 : f32 to vector<128x128xf32>
    %max3A_210 = arith.maximumf %sub3A_207, %max3A_209 : vector<128x128xf32>
    %slice3A_211 = vector.extract_strided_slice %get3A_32 {offsets = [0, 4608], sizes = [128, 128], strides = [1, 1]} : vector<128x10240xf32> to vector<128x128xf32>
    %sub3A_212 = arith.subf %slice3A_211, %sub3A_29 : vector<128x128xf32>
    %max3A_213 = arith.constant 0.000000e+00 : f32
    %max3A_214 = vector.broadcast %max3A_213 : f32 to vector<128x128xf32>
    %max3A_215 = arith.maximumf %sub3A_212, %max3A_214 : vector<128x128xf32>
    %slice3A_216 = vector.extract_strided_slice %get3A_32 {offsets = [0, 4736], sizes = [128, 128], strides = [1, 1]} : vector<128x10240xf32> to vector<128x128xf32>
    %sub3A_217 = arith.subf %slice3A_216, %sub3A_29 : vector<128x128xf32>
    %max3A_218 = arith.constant 0.000000e+00 : f32
    %max3A_219 = vector.broadcast %max3A_218 : f32 to vector<128x128xf32>
    %max3A_220 = arith.maximumf %sub3A_217, %max3A_219 : vector<128x128xf32>
    %slice3A_221 = vector.extract_strided_slice %get3A_32 {offsets = [0, 4864], sizes = [128, 128], strides = [1, 1]} : vector<128x10240xf32> to vector<128x128xf32>
    %sub3A_222 = arith.subf %slice3A_221, %sub3A_29 : vector<128x128xf32>
    %max3A_223 = arith.constant 0.000000e+00 : f32
    %max3A_224 = vector.broadcast %max3A_223 : f32 to vector<128x128xf32>
    %max3A_225 = arith.maximumf %sub3A_222, %max3A_224 : vector<128x128xf32>
    %slice3A_226 = vector.extract_strided_slice %get3A_32 {offsets = [0, 4992], sizes = [128, 128], strides = [1, 1]} : vector<128x10240xf32> to vector<128x128xf32>
    %sub3A_227 = arith.subf %slice3A_226, %sub3A_29 : vector<128x128xf32>
    %max3A_228 = arith.constant 0.000000e+00 : f32
    %max3A_229 = vector.broadcast %max3A_228 : f32 to vector<128x128xf32>
    %max3A_230 = arith.maximumf %sub3A_227, %max3A_229 : vector<128x128xf32>
    %slice3A_231 = vector.extract_strided_slice %get3A_32 {offsets = [0, 5120], sizes = [128, 128], strides = [1, 1]} : vector<128x10240xf32> to vector<128x128xf32>
    %sub3A_232 = arith.subf %slice3A_231, %sub3A_29 : vector<128x128xf32>
    %max3A_233 = arith.constant 0.000000e+00 : f32
    %max3A_234 = vector.broadcast %max3A_233 : f32 to vector<128x128xf32>
    %max3A_235 = arith.maximumf %sub3A_232, %max3A_234 : vector<128x128xf32>
    %slice3A_236 = vector.extract_strided_slice %get3A_32 {offsets = [0, 5248], sizes = [128, 128], strides = [1, 1]} : vector<128x10240xf32> to vector<128x128xf32>
    %sub3A_237 = arith.subf %slice3A_236, %sub3A_29 : vector<128x128xf32>
    %max3A_238 = arith.constant 0.000000e+00 : f32
    %max3A_239 = vector.broadcast %max3A_238 : f32 to vector<128x128xf32>
    %max3A_240 = arith.maximumf %sub3A_237, %max3A_239 : vector<128x128xf32>
    %slice3A_241 = vector.extract_strided_slice %get3A_32 {offsets = [0, 5376], sizes = [128, 128], strides = [1, 1]} : vector<128x10240xf32> to vector<128x128xf32>
    %sub3A_242 = arith.subf %slice3A_241, %sub3A_29 : vector<128x128xf32>
    %max3A_243 = arith.constant 0.000000e+00 : f32
    %max3A_244 = vector.broadcast %max3A_243 : f32 to vector<128x128xf32>
    %max3A_245 = arith.maximumf %sub3A_242, %max3A_244 : vector<128x128xf32>
    %slice3A_246 = vector.extract_strided_slice %get3A_32 {offsets = [0, 5504], sizes = [128, 128], strides = [1, 1]} : vector<128x10240xf32> to vector<128x128xf32>
    %sub3A_247 = arith.subf %slice3A_246, %sub3A_29 : vector<128x128xf32>
    %max3A_248 = arith.constant 0.000000e+00 : f32
    %max3A_249 = vector.broadcast %max3A_248 : f32 to vector<128x128xf32>
    %max3A_250 = arith.maximumf %sub3A_247, %max3A_249 : vector<128x128xf32>
    %slice3A_251 = vector.extract_strided_slice %get3A_32 {offsets = [0, 5632], sizes = [128, 128], strides = [1, 1]} : vector<128x10240xf32> to vector<128x128xf32>
    %sub3A_252 = arith.subf %slice3A_251, %sub3A_29 : vector<128x128xf32>
    %max3A_253 = arith.constant 0.000000e+00 : f32
    %max3A_254 = vector.broadcast %max3A_253 : f32 to vector<128x128xf32>
    %max3A_255 = arith.maximumf %sub3A_252, %max3A_254 : vector<128x128xf32>
    %slice3A_256 = vector.extract_strided_slice %get3A_32 {offsets = [0, 5760], sizes = [128, 128], strides = [1, 1]} : vector<128x10240xf32> to vector<128x128xf32>
    %sub3A_257 = arith.subf %slice3A_256, %sub3A_29 : vector<128x128xf32>
    %max3A_258 = arith.constant 0.000000e+00 : f32
    %max3A_259 = vector.broadcast %max3A_258 : f32 to vector<128x128xf32>
    %max3A_260 = arith.maximumf %sub3A_257, %max3A_259 : vector<128x128xf32>
    %slice3A_261 = vector.extract_strided_slice %get3A_32 {offsets = [0, 5888], sizes = [128, 128], strides = [1, 1]} : vector<128x10240xf32> to vector<128x128xf32>
    %sub3A_262 = arith.subf %slice3A_261, %sub3A_29 : vector<128x128xf32>
    %max3A_263 = arith.constant 0.000000e+00 : f32
    %max3A_264 = vector.broadcast %max3A_263 : f32 to vector<128x128xf32>
    %max3A_265 = arith.maximumf %sub3A_262, %max3A_264 : vector<128x128xf32>
    %slice3A_266 = vector.extract_strided_slice %get3A_32 {offsets = [0, 6016], sizes = [128, 128], strides = [1, 1]} : vector<128x10240xf32> to vector<128x128xf32>
    %sub3A_267 = arith.subf %slice3A_266, %sub3A_29 : vector<128x128xf32>
    %max3A_268 = arith.constant 0.000000e+00 : f32
    %max3A_269 = vector.broadcast %max3A_268 : f32 to vector<128x128xf32>
    %max3A_270 = arith.maximumf %sub3A_267, %max3A_269 : vector<128x128xf32>
    %slice3A_271 = vector.extract_strided_slice %get3A_32 {offsets = [0, 6144], sizes = [128, 128], strides = [1, 1]} : vector<128x10240xf32> to vector<128x128xf32>
    %sub3A_272 = arith.subf %slice3A_271, %sub3A_29 : vector<128x128xf32>
    %max3A_273 = arith.constant 0.000000e+00 : f32
    %max3A_274 = vector.broadcast %max3A_273 : f32 to vector<128x128xf32>
    %max3A_275 = arith.maximumf %sub3A_272, %max3A_274 : vector<128x128xf32>
    %slice3A_276 = vector.extract_strided_slice %get3A_32 {offsets = [0, 6272], sizes = [128, 128], strides = [1, 1]} : vector<128x10240xf32> to vector<128x128xf32>
    %sub3A_277 = arith.subf %slice3A_276, %sub3A_29 : vector<128x128xf32>
    %max3A_278 = arith.constant 0.000000e+00 : f32
    %max3A_279 = vector.broadcast %max3A_278 : f32 to vector<128x128xf32>
    %max3A_280 = arith.maximumf %sub3A_277, %max3A_279 : vector<128x128xf32>
    %slice3A_281 = vector.extract_strided_slice %get3A_32 {offsets = [0, 6400], sizes = [128, 128], strides = [1, 1]} : vector<128x10240xf32> to vector<128x128xf32>
    %sub3A_282 = arith.subf %slice3A_281, %sub3A_29 : vector<128x128xf32>
    %max3A_283 = arith.constant 0.000000e+00 : f32
    %max3A_284 = vector.broadcast %max3A_283 : f32 to vector<128x128xf32>
    %max3A_285 = arith.maximumf %sub3A_282, %max3A_284 : vector<128x128xf32>
    %slice3A_286 = vector.extract_strided_slice %get3A_32 {offsets = [0, 6528], sizes = [128, 128], strides = [1, 1]} : vector<128x10240xf32> to vector<128x128xf32>
    %sub3A_287 = arith.subf %slice3A_286, %sub3A_29 : vector<128x128xf32>
    %max3A_288 = arith.constant 0.000000e+00 : f32
    %max3A_289 = vector.broadcast %max3A_288 : f32 to vector<128x128xf32>
    %max3A_290 = arith.maximumf %sub3A_287, %max3A_289 : vector<128x128xf32>
    %slice3A_291 = vector.extract_strided_slice %get3A_32 {offsets = [0, 6656], sizes = [128, 128], strides = [1, 1]} : vector<128x10240xf32> to vector<128x128xf32>
    %sub3A_292 = arith.subf %slice3A_291, %sub3A_29 : vector<128x128xf32>
    %max3A_293 = arith.constant 0.000000e+00 : f32
    %max3A_294 = vector.broadcast %max3A_293 : f32 to vector<128x128xf32>
    %max3A_295 = arith.maximumf %sub3A_292, %max3A_294 : vector<128x128xf32>
    %slice3A_296 = vector.extract_strided_slice %get3A_32 {offsets = [0, 6784], sizes = [128, 128], strides = [1, 1]} : vector<128x10240xf32> to vector<128x128xf32>
    %sub3A_297 = arith.subf %slice3A_296, %sub3A_29 : vector<128x128xf32>
    %max3A_298 = arith.constant 0.000000e+00 : f32
    %max3A_299 = vector.broadcast %max3A_298 : f32 to vector<128x128xf32>
    %max3A_300 = arith.maximumf %sub3A_297, %max3A_299 : vector<128x128xf32>
    %slice3A_301 = vector.extract_strided_slice %get3A_32 {offsets = [0, 6912], sizes = [128, 128], strides = [1, 1]} : vector<128x10240xf32> to vector<128x128xf32>
    %sub3A_302 = arith.subf %slice3A_301, %sub3A_29 : vector<128x128xf32>
    %max3A_303 = arith.constant 0.000000e+00 : f32
    %max3A_304 = vector.broadcast %max3A_303 : f32 to vector<128x128xf32>
    %max3A_305 = arith.maximumf %sub3A_302, %max3A_304 : vector<128x128xf32>
    %slice3A_306 = vector.extract_strided_slice %get3A_32 {offsets = [0, 7040], sizes = [128, 128], strides = [1, 1]} : vector<128x10240xf32> to vector<128x128xf32>
    %sub3A_307 = arith.subf %slice3A_306, %sub3A_29 : vector<128x128xf32>
    %max3A_308 = arith.constant 0.000000e+00 : f32
    %max3A_309 = vector.broadcast %max3A_308 : f32 to vector<128x128xf32>
    %max3A_310 = arith.maximumf %sub3A_307, %max3A_309 : vector<128x128xf32>
    %slice3A_311 = vector.extract_strided_slice %get3A_32 {offsets = [0, 7168], sizes = [128, 128], strides = [1, 1]} : vector<128x10240xf32> to vector<128x128xf32>
    %sub3A_312 = arith.subf %slice3A_311, %sub3A_29 : vector<128x128xf32>
    %max3A_313 = arith.constant 0.000000e+00 : f32
    %max3A_314 = vector.broadcast %max3A_313 : f32 to vector<128x128xf32>
    %max3A_315 = arith.maximumf %sub3A_312, %max3A_314 : vector<128x128xf32>
    %slice3A_316 = vector.extract_strided_slice %get3A_32 {offsets = [0, 7296], sizes = [128, 128], strides = [1, 1]} : vector<128x10240xf32> to vector<128x128xf32>
    %sub3A_317 = arith.subf %slice3A_316, %sub3A_29 : vector<128x128xf32>
    %max3A_318 = arith.constant 0.000000e+00 : f32
    %max3A_319 = vector.broadcast %max3A_318 : f32 to vector<128x128xf32>
    %max3A_320 = arith.maximumf %sub3A_317, %max3A_319 : vector<128x128xf32>
    %slice3A_321 = vector.extract_strided_slice %get3A_32 {offsets = [0, 7424], sizes = [128, 128], strides = [1, 1]} : vector<128x10240xf32> to vector<128x128xf32>
    %sub3A_322 = arith.subf %slice3A_321, %sub3A_29 : vector<128x128xf32>
    %max3A_323 = arith.constant 0.000000e+00 : f32
    %max3A_324 = vector.broadcast %max3A_323 : f32 to vector<128x128xf32>
    %max3A_325 = arith.maximumf %sub3A_322, %max3A_324 : vector<128x128xf32>
    %slice3A_326 = vector.extract_strided_slice %get3A_32 {offsets = [0, 7552], sizes = [128, 128], strides = [1, 1]} : vector<128x10240xf32> to vector<128x128xf32>
    %sub3A_327 = arith.subf %slice3A_326, %sub3A_29 : vector<128x128xf32>
    %max3A_328 = arith.constant 0.000000e+00 : f32
    %max3A_329 = vector.broadcast %max3A_328 : f32 to vector<128x128xf32>
    %max3A_330 = arith.maximumf %sub3A_327, %max3A_329 : vector<128x128xf32>
    %slice3A_331 = vector.extract_strided_slice %get3A_32 {offsets = [0, 7680], sizes = [128, 128], strides = [1, 1]} : vector<128x10240xf32> to vector<128x128xf32>
    %sub3A_332 = arith.subf %slice3A_331, %sub3A_29 : vector<128x128xf32>
    %max3A_333 = arith.constant 0.000000e+00 : f32
    %max3A_334 = vector.broadcast %max3A_333 : f32 to vector<128x128xf32>
    %max3A_335 = arith.maximumf %sub3A_332, %max3A_334 : vector<128x128xf32>
    %slice3A_336 = vector.extract_strided_slice %get3A_32 {offsets = [0, 7808], sizes = [128, 128], strides = [1, 1]} : vector<128x10240xf32> to vector<128x128xf32>
    %sub3A_337 = arith.subf %slice3A_336, %sub3A_29 : vector<128x128xf32>
    %max3A_338 = arith.constant 0.000000e+00 : f32
    %max3A_339 = vector.broadcast %max3A_338 : f32 to vector<128x128xf32>
    %max3A_340 = arith.maximumf %sub3A_337, %max3A_339 : vector<128x128xf32>
    %slice3A_341 = vector.extract_strided_slice %get3A_32 {offsets = [0, 7936], sizes = [128, 128], strides = [1, 1]} : vector<128x10240xf32> to vector<128x128xf32>
    %sub3A_342 = arith.subf %slice3A_341, %sub3A_29 : vector<128x128xf32>
    %max3A_343 = arith.constant 0.000000e+00 : f32
    %max3A_344 = vector.broadcast %max3A_343 : f32 to vector<128x128xf32>
    %max3A_345 = arith.maximumf %sub3A_342, %max3A_344 : vector<128x128xf32>
    %slice3A_346 = vector.extract_strided_slice %get3A_32 {offsets = [0, 8064], sizes = [128, 128], strides = [1, 1]} : vector<128x10240xf32> to vector<128x128xf32>
    %sub3A_347 = arith.subf %slice3A_346, %sub3A_29 : vector<128x128xf32>
    %max3A_348 = arith.constant 0.000000e+00 : f32
    %max3A_349 = vector.broadcast %max3A_348 : f32 to vector<128x128xf32>
    %max3A_350 = arith.maximumf %sub3A_347, %max3A_349 : vector<128x128xf32>
    %slice3A_351 = vector.extract_strided_slice %get3A_32 {offsets = [0, 8192], sizes = [128, 128], strides = [1, 1]} : vector<128x10240xf32> to vector<128x128xf32>
    %sub3A_352 = arith.subf %slice3A_351, %sub3A_29 : vector<128x128xf32>
    %max3A_353 = arith.constant 0.000000e+00 : f32
    %max3A_354 = vector.broadcast %max3A_353 : f32 to vector<128x128xf32>
    %max3A_355 = arith.maximumf %sub3A_352, %max3A_354 : vector<128x128xf32>
    %slice3A_356 = vector.extract_strided_slice %get3A_32 {offsets = [0, 8320], sizes = [128, 128], strides = [1, 1]} : vector<128x10240xf32> to vector<128x128xf32>
    %sub3A_357 = arith.subf %slice3A_356, %sub3A_29 : vector<128x128xf32>
    %max3A_358 = arith.constant 0.000000e+00 : f32
    %max3A_359 = vector.broadcast %max3A_358 : f32 to vector<128x128xf32>
    %max3A_360 = arith.maximumf %sub3A_357, %max3A_359 : vector<128x128xf32>
    %slice3A_361 = vector.extract_strided_slice %get3A_32 {offsets = [0, 8448], sizes = [128, 128], strides = [1, 1]} : vector<128x10240xf32> to vector<128x128xf32>
    %sub3A_362 = arith.subf %slice3A_361, %sub3A_29 : vector<128x128xf32>
    %max3A_363 = arith.constant 0.000000e+00 : f32
    %max3A_364 = vector.broadcast %max3A_363 : f32 to vector<128x128xf32>
    %max3A_365 = arith.maximumf %sub3A_362, %max3A_364 : vector<128x128xf32>
    %slice3A_366 = vector.extract_strided_slice %get3A_32 {offsets = [0, 8576], sizes = [128, 128], strides = [1, 1]} : vector<128x10240xf32> to vector<128x128xf32>
    %sub3A_367 = arith.subf %slice3A_366, %sub3A_29 : vector<128x128xf32>
    %max3A_368 = arith.constant 0.000000e+00 : f32
    %max3A_369 = vector.broadcast %max3A_368 : f32 to vector<128x128xf32>
    %max3A_370 = arith.maximumf %sub3A_367, %max3A_369 : vector<128x128xf32>
    %slice3A_371 = vector.extract_strided_slice %get3A_32 {offsets = [0, 8704], sizes = [128, 128], strides = [1, 1]} : vector<128x10240xf32> to vector<128x128xf32>
    %sub3A_372 = arith.subf %slice3A_371, %sub3A_29 : vector<128x128xf32>
    %max3A_373 = arith.constant 0.000000e+00 : f32
    %max3A_374 = vector.broadcast %max3A_373 : f32 to vector<128x128xf32>
    %max3A_375 = arith.maximumf %sub3A_372, %max3A_374 : vector<128x128xf32>
    %slice3A_376 = vector.extract_strided_slice %get3A_32 {offsets = [0, 8832], sizes = [128, 128], strides = [1, 1]} : vector<128x10240xf32> to vector<128x128xf32>
    %sub3A_377 = arith.subf %slice3A_376, %sub3A_29 : vector<128x128xf32>
    %max3A_378 = arith.constant 0.000000e+00 : f32
    %max3A_379 = vector.broadcast %max3A_378 : f32 to vector<128x128xf32>
    %max3A_380 = arith.maximumf %sub3A_377, %max3A_379 : vector<128x128xf32>
    %slice3A_381 = vector.extract_strided_slice %get3A_32 {offsets = [0, 8960], sizes = [128, 128], strides = [1, 1]} : vector<128x10240xf32> to vector<128x128xf32>
    %sub3A_382 = arith.subf %slice3A_381, %sub3A_29 : vector<128x128xf32>
    %max3A_383 = arith.constant 0.000000e+00 : f32
    %max3A_384 = vector.broadcast %max3A_383 : f32 to vector<128x128xf32>
    %max3A_385 = arith.maximumf %sub3A_382, %max3A_384 : vector<128x128xf32>
    %slice3A_386 = vector.extract_strided_slice %get3A_32 {offsets = [0, 9088], sizes = [128, 128], strides = [1, 1]} : vector<128x10240xf32> to vector<128x128xf32>
    %sub3A_387 = arith.subf %slice3A_386, %sub3A_29 : vector<128x128xf32>
    %max3A_388 = arith.constant 0.000000e+00 : f32
    %max3A_389 = vector.broadcast %max3A_388 : f32 to vector<128x128xf32>
    %max3A_390 = arith.maximumf %sub3A_387, %max3A_389 : vector<128x128xf32>
    %slice3A_391 = vector.extract_strided_slice %get3A_32 {offsets = [0, 9216], sizes = [128, 128], strides = [1, 1]} : vector<128x10240xf32> to vector<128x128xf32>
    %sub3A_392 = arith.subf %slice3A_391, %sub3A_29 : vector<128x128xf32>
    %max3A_393 = arith.constant 0.000000e+00 : f32
    %max3A_394 = vector.broadcast %max3A_393 : f32 to vector<128x128xf32>
    %max3A_395 = arith.maximumf %sub3A_392, %max3A_394 : vector<128x128xf32>
    %slice3A_396 = vector.extract_strided_slice %get3A_32 {offsets = [0, 9344], sizes = [128, 128], strides = [1, 1]} : vector<128x10240xf32> to vector<128x128xf32>
    %sub3A_397 = arith.subf %slice3A_396, %sub3A_29 : vector<128x128xf32>
    %max3A_398 = arith.constant 0.000000e+00 : f32
    %max3A_399 = vector.broadcast %max3A_398 : f32 to vector<128x128xf32>
    %max3A_400 = arith.maximumf %sub3A_397, %max3A_399 : vector<128x128xf32>
    %slice3A_401 = vector.extract_strided_slice %get3A_32 {offsets = [0, 9472], sizes = [128, 128], strides = [1, 1]} : vector<128x10240xf32> to vector<128x128xf32>
    %sub3A_402 = arith.subf %slice3A_401, %sub3A_29 : vector<128x128xf32>
    %max3A_403 = arith.constant 0.000000e+00 : f32
    %max3A_404 = vector.broadcast %max3A_403 : f32 to vector<128x128xf32>
    %max3A_405 = arith.maximumf %sub3A_402, %max3A_404 : vector<128x128xf32>
    %slice3A_406 = vector.extract_strided_slice %get3A_32 {offsets = [0, 9600], sizes = [128, 128], strides = [1, 1]} : vector<128x10240xf32> to vector<128x128xf32>
    %sub3A_407 = arith.subf %slice3A_406, %sub3A_29 : vector<128x128xf32>
    %max3A_408 = arith.constant 0.000000e+00 : f32
    %max3A_409 = vector.broadcast %max3A_408 : f32 to vector<128x128xf32>
    %max3A_410 = arith.maximumf %sub3A_407, %max3A_409 : vector<128x128xf32>
    %slice3A_411 = vector.extract_strided_slice %get3A_32 {offsets = [0, 9728], sizes = [128, 128], strides = [1, 1]} : vector<128x10240xf32> to vector<128x128xf32>
    %sub3A_412 = arith.subf %slice3A_411, %sub3A_29 : vector<128x128xf32>
    %max3A_413 = arith.constant 0.000000e+00 : f32
    %max3A_414 = vector.broadcast %max3A_413 : f32 to vector<128x128xf32>
    %max3A_415 = arith.maximumf %sub3A_412, %max3A_414 : vector<128x128xf32>
    %slice3A_416 = vector.extract_strided_slice %get3A_32 {offsets = [0, 9856], sizes = [128, 128], strides = [1, 1]} : vector<128x10240xf32> to vector<128x128xf32>
    %sub3A_417 = arith.subf %slice3A_416, %sub3A_29 : vector<128x128xf32>
    %max3A_418 = arith.constant 0.000000e+00 : f32
    %max3A_419 = vector.broadcast %max3A_418 : f32 to vector<128x128xf32>
    %max3A_420 = arith.maximumf %sub3A_417, %max3A_419 : vector<128x128xf32>
    %slice3A_421 = vector.extract_strided_slice %get3A_32 {offsets = [0, 9984], sizes = [128, 128], strides = [1, 1]} : vector<128x10240xf32> to vector<128x128xf32>
    %sub3A_422 = arith.subf %slice3A_421, %sub3A_29 : vector<128x128xf32>
    %max3A_423 = arith.constant 0.000000e+00 : f32
    %max3A_424 = vector.broadcast %max3A_423 : f32 to vector<128x128xf32>
    %max3A_425 = arith.maximumf %sub3A_422, %max3A_424 : vector<128x128xf32>
    %slice3A_426 = vector.extract_strided_slice %get3A_32 {offsets = [0, 10112], sizes = [128, 128], strides = [1, 1]} : vector<128x10240xf32> to vector<128x128xf32>
    %sub3A_427 = arith.subf %slice3A_426, %sub3A_29 : vector<128x128xf32>
    %max3A_428 = arith.constant 0.000000e+00 : f32
    %max3A_429 = vector.broadcast %max3A_428 : f32 to vector<128x128xf32>
    %max3A_430 = arith.maximumf %sub3A_427, %max3A_429 : vector<128x128xf32>
    %concatenate3A = tpu.concatenate %max3A_35, %max3A_40, %max3A_45, %max3A_50, %max3A_55, %max3A_60, %max3A_65, %max3A_70, %max3A_75, %max3A_80, %max3A_85, %max3A_90, %max3A_95, %max3A_100, %max3A_105, %max3A_110, %max3A_115, %max3A_120, %max3A_125, %max3A_130, %max3A_135, %max3A_140, %max3A_145, %max3A_150, %max3A_155, %max3A_160, %max3A_165, %max3A_170, %max3A_175, %max3A_180, %max3A_185, %max3A_190, %max3A_195, %max3A_200, %max3A_205, %max3A_210, %max3A_215, %max3A_220, %max3A_225, %max3A_230, %max3A_235, %max3A_240, %max3A_245, %max3A_250, %max3A_255, %max3A_260, %max3A_265, %max3A_270, %max3A_275, %max3A_280, %max3A_285, %max3A_290, %max3A_295, %max3A_300, %max3A_305, %max3A_310, %max3A_315, %max3A_320, %max3A_325, %max3A_330, %max3A_335, %max3A_340, %max3A_345, %max3A_350, %max3A_355, %max3A_360, %max3A_365, %max3A_370, %max3A_375, %max3A_380, %max3A_385, %max3A_390, %max3A_395, %max3A_400, %max3A_405, %max3A_410, %max3A_415, %max3A_420, %max3A_425, %max3A_430 in 1 : vector<128x128xf32>, vector<128x128xf32>, vector<128x128xf32>, vector<128x128xf32>, vector<128x128xf32>, vector<128x128xf32>, vector<128x128xf32>, vector<128x128xf32>, vector<128x128xf32>, vector<128x128xf32>, vector<128x128xf32>, vector<128x128xf32>, vector<128x128xf32>, vector<128x128xf32>, vector<128x128xf32>, vector<128x128xf32>, vector<128x128xf32>, vector<128x128xf32>, vector<128x128xf32>, vector<128x128xf32>, vector<128x128xf32>, vector<128x128xf32>, vector<128x128xf32>, vector<128x128xf32>, vector<128x128xf32>, vector<128x128xf32>, vector<128x128xf32>, vector<128x128xf32>, vector<128x128xf32>, vector<128x128xf32>, vector<128x128xf32>, vector<128x128xf32>, vector<128x128xf32>, vector<128x128xf32>, vector<128x128xf32>, vector<128x128xf32>, vector<128x128xf32>, vector<128x128xf32>, vector<128x128xf32>, vector<128x128xf32>, vector<128x128xf32>, vector<128x128xf32>, vector<128x128xf32>, vector<128x128xf32>, vector<128x128xf32>, vector<128x128xf32>, vector<128x128xf32>, vector<128x128xf32>, vector<128x128xf32>, vector<128x128xf32>, vector<128x128xf32>, vector<128x128xf32>, vector<128x128xf32>, vector<128x128xf32>, vector<128x128xf32>, vector<128x128xf32>, vector<128x128xf32>, vector<128x128xf32>, vector<128x128xf32>, vector<128x128xf32>, vector<128x128xf32>, vector<128x128xf32>, vector<128x128xf32>, vector<128x128xf32>, vector<128x128xf32>, vector<128x128xf32>, vector<128x128xf32>, vector<128x128xf32>, vector<128x128xf32>, vector<128x128xf32>, vector<128x128xf32>, vector<128x128xf32>, vector<128x128xf32>, vector<128x128xf32>, vector<128x128xf32>, vector<128x128xf32>, vector<128x128xf32>, vector<128x128xf32>, vector<128x128xf32>, vector<128x128xf32> -> vector<128x10240xf32>
    %get3A_431 = arith.constant 0 : index
    %get3A_432 = arith.constant 0 : index
    %get3A_433 = vector.load %arg9[%get3A_431, %get3A_432] : memref<128x128xf32, #tpu.memory_space<vmem>>, vector<128x128xf32>
    %dot_general3A_434 = arith.constant dense<0.000000e+00> : vector<128x10240xf32>
    %dot_general3A_435 = tpu.matmul %get3A_433, %concatenate3A, %dot_general3A_434 {dimension_numbers = #tpu.dot_dimension_numbers<[1], [0], [0], [1], [0, 0, 1, 1], [], []>, transpose_lhs_hint = false} : vector<128x128xf32>, vector<128x10240xf32>, vector<128x10240xf32> -> vector<128x10240xf32>
    %get3A_436 = arith.constant 0 : index
    %get3A_437 = arith.constant 0 : index
    %get3A_438 = vector.load %arg10[%get3A_436, %get3A_437] : memref<128x1xf32, #tpu.memory_space<vmem>>, vector<128x1xf32>
    %add3A = vector.broadcast %get3A_438 : vector<128x1xf32> to vector<128x10240xf32>
    %add3A_439 = arith.addf %dot_general3A_435, %add3A : vector<128x10240xf32>
    %max3A_440 = arith.constant 0.000000e+00 : f32
    %max3A_441 = vector.broadcast %max3A_440 : f32 to vector<128x10240xf32>
    %max3A_442 = arith.maximumf %add3A_439, %max3A_441 : vector<128x10240xf32>
    %get3A_443 = arith.constant 0 : index
    %get3A_444 = arith.constant 0 : index
    %get3A_445 = vector.load %arg11[%get3A_443, %get3A_444] : memref<256x128xf32, #tpu.memory_space<vmem>>, vector<256x128xf32>
    %dot_general3A_446 = arith.constant dense<0.000000e+00> : vector<256x10240xf32>
    %dot_general3A_447 = tpu.matmul %get3A_445, %max3A_442, %dot_general3A_446 {dimension_numbers = #tpu.dot_dimension_numbers<[1], [0], [0], [1], [0, 0, 1, 1], [], []>, transpose_lhs_hint = false} : vector<256x128xf32>, vector<128x10240xf32>, vector<256x10240xf32> -> vector<256x10240xf32>
    %get3A_448 = arith.constant 0 : index
    %get3A_449 = arith.constant 0 : index
    %get3A_450 = vector.load %arg12[%get3A_448, %get3A_449] : memref<256x1xf32, #tpu.memory_space<vmem>>, vector<256x1xf32>
    %add3A_451 = vector.broadcast %get3A_450 : vector<256x1xf32> to vector<256x10240xf32>
    %add3A_452 = arith.addf %dot_general3A_447, %add3A_451 : vector<256x10240xf32>
    %slice3A_453 = vector.extract_strided_slice %add3A_452 {offsets = [0, 0], sizes = [256, 128], strides = [1, 1]} : vector<256x10240xf32> to vector<256x128xf32>
    %slice3A_454 = vector.extract_strided_slice %add3A_452 {offsets = [0, 128], sizes = [256, 128], strides = [1, 1]} : vector<256x10240xf32> to vector<256x128xf32>
    %max3A_455 = arith.maximumf %slice3A_453, %slice3A_454 : vector<256x128xf32>
    %slice3A_456 = vector.extract_strided_slice %add3A_452 {offsets = [0, 256], sizes = [256, 128], strides = [1, 1]} : vector<256x10240xf32> to vector<256x128xf32>
    %max3A_457 = arith.maximumf %max3A_455, %slice3A_456 : vector<256x128xf32>
    %slice3A_458 = vector.extract_strided_slice %add3A_452 {offsets = [0, 384], sizes = [256, 128], strides = [1, 1]} : vector<256x10240xf32> to vector<256x128xf32>
    %max3A_459 = arith.maximumf %max3A_457, %slice3A_458 : vector<256x128xf32>
    %slice3A_460 = vector.extract_strided_slice %add3A_452 {offsets = [0, 512], sizes = [256, 128], strides = [1, 1]} : vector<256x10240xf32> to vector<256x128xf32>
    %max3A_461 = arith.maximumf %max3A_459, %slice3A_460 : vector<256x128xf32>
    %slice3A_462 = vector.extract_strided_slice %add3A_452 {offsets = [0, 640], sizes = [256, 128], strides = [1, 1]} : vector<256x10240xf32> to vector<256x128xf32>
    %max3A_463 = arith.maximumf %max3A_461, %slice3A_462 : vector<256x128xf32>
    %slice3A_464 = vector.extract_strided_slice %add3A_452 {offsets = [0, 768], sizes = [256, 128], strides = [1, 1]} : vector<256x10240xf32> to vector<256x128xf32>
    %max3A_465 = arith.maximumf %max3A_463, %slice3A_464 : vector<256x128xf32>
    %slice3A_466 = vector.extract_strided_slice %add3A_452 {offsets = [0, 896], sizes = [256, 128], strides = [1, 1]} : vector<256x10240xf32> to vector<256x128xf32>
    %max3A_467 = arith.maximumf %max3A_465, %slice3A_466 : vector<256x128xf32>
    %slice3A_468 = vector.extract_strided_slice %add3A_452 {offsets = [0, 1024], sizes = [256, 128], strides = [1, 1]} : vector<256x10240xf32> to vector<256x128xf32>
    %max3A_469 = arith.maximumf %max3A_467, %slice3A_468 : vector<256x128xf32>
    %slice3A_470 = vector.extract_strided_slice %add3A_452 {offsets = [0, 1152], sizes = [256, 128], strides = [1, 1]} : vector<256x10240xf32> to vector<256x128xf32>
    %max3A_471 = arith.maximumf %max3A_469, %slice3A_470 : vector<256x128xf32>
    %slice3A_472 = vector.extract_strided_slice %add3A_452 {offsets = [0, 1280], sizes = [256, 128], strides = [1, 1]} : vector<256x10240xf32> to vector<256x128xf32>
    %max3A_473 = arith.maximumf %max3A_471, %slice3A_472 : vector<256x128xf32>
    %slice3A_474 = vector.extract_strided_slice %add3A_452 {offsets = [0, 1408], sizes = [256, 128], strides = [1, 1]} : vector<256x10240xf32> to vector<256x128xf32>
    %max3A_475 = arith.maximumf %max3A_473, %slice3A_474 : vector<256x128xf32>
    %slice3A_476 = vector.extract_strided_slice %add3A_452 {offsets = [0, 1536], sizes = [256, 128], strides = [1, 1]} : vector<256x10240xf32> to vector<256x128xf32>
    %max3A_477 = arith.maximumf %max3A_475, %slice3A_476 : vector<256x128xf32>
    %slice3A_478 = vector.extract_strided_slice %add3A_452 {offsets = [0, 1664], sizes = [256, 128], strides = [1, 1]} : vector<256x10240xf32> to vector<256x128xf32>
    %max3A_479 = arith.maximumf %max3A_477, %slice3A_478 : vector<256x128xf32>
    %slice3A_480 = vector.extract_strided_slice %add3A_452 {offsets = [0, 1792], sizes = [256, 128], strides = [1, 1]} : vector<256x10240xf32> to vector<256x128xf32>
    %max3A_481 = arith.maximumf %max3A_479, %slice3A_480 : vector<256x128xf32>
    %slice3A_482 = vector.extract_strided_slice %add3A_452 {offsets = [0, 1920], sizes = [256, 128], strides = [1, 1]} : vector<256x10240xf32> to vector<256x128xf32>
    %max3A_483 = arith.maximumf %max3A_481, %slice3A_482 : vector<256x128xf32>
    %slice3A_484 = vector.extract_strided_slice %add3A_452 {offsets = [0, 2048], sizes = [256, 128], strides = [1, 1]} : vector<256x10240xf32> to vector<256x128xf32>
    %max3A_485 = arith.maximumf %max3A_483, %slice3A_484 : vector<256x128xf32>
    %slice3A_486 = vector.extract_strided_slice %add3A_452 {offsets = [0, 2176], sizes = [256, 128], strides = [1, 1]} : vector<256x10240xf32> to vector<256x128xf32>
    %max3A_487 = arith.maximumf %max3A_485, %slice3A_486 : vector<256x128xf32>
    %slice3A_488 = vector.extract_strided_slice %add3A_452 {offsets = [0, 2304], sizes = [256, 128], strides = [1, 1]} : vector<256x10240xf32> to vector<256x128xf32>
    %max3A_489 = arith.maximumf %max3A_487, %slice3A_488 : vector<256x128xf32>
    %slice3A_490 = vector.extract_strided_slice %add3A_452 {offsets = [0, 2432], sizes = [256, 128], strides = [1, 1]} : vector<256x10240xf32> to vector<256x128xf32>
    %max3A_491 = arith.maximumf %max3A_489, %slice3A_490 : vector<256x128xf32>
    %slice3A_492 = vector.extract_strided_slice %add3A_452 {offsets = [0, 2560], sizes = [256, 128], strides = [1, 1]} : vector<256x10240xf32> to vector<256x128xf32>
    %max3A_493 = arith.maximumf %max3A_491, %slice3A_492 : vector<256x128xf32>
    %slice3A_494 = vector.extract_strided_slice %add3A_452 {offsets = [0, 2688], sizes = [256, 128], strides = [1, 1]} : vector<256x10240xf32> to vector<256x128xf32>
    %max3A_495 = arith.maximumf %max3A_493, %slice3A_494 : vector<256x128xf32>
    %slice3A_496 = vector.extract_strided_slice %add3A_452 {offsets = [0, 2816], sizes = [256, 128], strides = [1, 1]} : vector<256x10240xf32> to vector<256x128xf32>
    %max3A_497 = arith.maximumf %max3A_495, %slice3A_496 : vector<256x128xf32>
    %slice3A_498 = vector.extract_strided_slice %add3A_452 {offsets = [0, 2944], sizes = [256, 128], strides = [1, 1]} : vector<256x10240xf32> to vector<256x128xf32>
    %max3A_499 = arith.maximumf %max3A_497, %slice3A_498 : vector<256x128xf32>
    %slice3A_500 = vector.extract_strided_slice %add3A_452 {offsets = [0, 3072], sizes = [256, 128], strides = [1, 1]} : vector<256x10240xf32> to vector<256x128xf32>
    %max3A_501 = arith.maximumf %max3A_499, %slice3A_500 : vector<256x128xf32>
    %slice3A_502 = vector.extract_strided_slice %add3A_452 {offsets = [0, 3200], sizes = [256, 128], strides = [1, 1]} : vector<256x10240xf32> to vector<256x128xf32>
    %max3A_503 = arith.maximumf %max3A_501, %slice3A_502 : vector<256x128xf32>
    %slice3A_504 = vector.extract_strided_slice %add3A_452 {offsets = [0, 3328], sizes = [256, 128], strides = [1, 1]} : vector<256x10240xf32> to vector<256x128xf32>
    %max3A_505 = arith.maximumf %max3A_503, %slice3A_504 : vector<256x128xf32>
    %slice3A_506 = vector.extract_strided_slice %add3A_452 {offsets = [0, 3456], sizes = [256, 128], strides = [1, 1]} : vector<256x10240xf32> to vector<256x128xf32>
    %max3A_507 = arith.maximumf %max3A_505, %slice3A_506 : vector<256x128xf32>
    %slice3A_508 = vector.extract_strided_slice %add3A_452 {offsets = [0, 3584], sizes = [256, 128], strides = [1, 1]} : vector<256x10240xf32> to vector<256x128xf32>
    %max3A_509 = arith.maximumf %max3A_507, %slice3A_508 : vector<256x128xf32>
    %slice3A_510 = vector.extract_strided_slice %add3A_452 {offsets = [0, 3712], sizes = [256, 128], strides = [1, 1]} : vector<256x10240xf32> to vector<256x128xf32>
    %max3A_511 = arith.maximumf %max3A_509, %slice3A_510 : vector<256x128xf32>
    %slice3A_512 = vector.extract_strided_slice %add3A_452 {offsets = [0, 3840], sizes = [256, 128], strides = [1, 1]} : vector<256x10240xf32> to vector<256x128xf32>
    %max3A_513 = arith.maximumf %max3A_511, %slice3A_512 : vector<256x128xf32>
    %slice3A_514 = vector.extract_strided_slice %add3A_452 {offsets = [0, 3968], sizes = [256, 128], strides = [1, 1]} : vector<256x10240xf32> to vector<256x128xf32>
    %max3A_515 = arith.maximumf %max3A_513, %slice3A_514 : vector<256x128xf32>
    %slice3A_516 = vector.extract_strided_slice %add3A_452 {offsets = [0, 4096], sizes = [256, 128], strides = [1, 1]} : vector<256x10240xf32> to vector<256x128xf32>
    %max3A_517 = arith.maximumf %max3A_515, %slice3A_516 : vector<256x128xf32>
    %slice3A_518 = vector.extract_strided_slice %add3A_452 {offsets = [0, 4224], sizes = [256, 128], strides = [1, 1]} : vector<256x10240xf32> to vector<256x128xf32>
    %max3A_519 = arith.maximumf %max3A_517, %slice3A_518 : vector<256x128xf32>
    %slice3A_520 = vector.extract_strided_slice %add3A_452 {offsets = [0, 4352], sizes = [256, 128], strides = [1, 1]} : vector<256x10240xf32> to vector<256x128xf32>
    %max3A_521 = arith.maximumf %max3A_519, %slice3A_520 : vector<256x128xf32>
    %slice3A_522 = vector.extract_strided_slice %add3A_452 {offsets = [0, 4480], sizes = [256, 128], strides = [1, 1]} : vector<256x10240xf32> to vector<256x128xf32>
    %max3A_523 = arith.maximumf %max3A_521, %slice3A_522 : vector<256x128xf32>
    %slice3A_524 = vector.extract_strided_slice %add3A_452 {offsets = [0, 4608], sizes = [256, 128], strides = [1, 1]} : vector<256x10240xf32> to vector<256x128xf32>
    %max3A_525 = arith.maximumf %max3A_523, %slice3A_524 : vector<256x128xf32>
    %slice3A_526 = vector.extract_strided_slice %add3A_452 {offsets = [0, 4736], sizes = [256, 128], strides = [1, 1]} : vector<256x10240xf32> to vector<256x128xf32>
    %max3A_527 = arith.maximumf %max3A_525, %slice3A_526 : vector<256x128xf32>
    %slice3A_528 = vector.extract_strided_slice %add3A_452 {offsets = [0, 4864], sizes = [256, 128], strides = [1, 1]} : vector<256x10240xf32> to vector<256x128xf32>
    %max3A_529 = arith.maximumf %max3A_527, %slice3A_528 : vector<256x128xf32>
    %slice3A_530 = vector.extract_strided_slice %add3A_452 {offsets = [0, 4992], sizes = [256, 128], strides = [1, 1]} : vector<256x10240xf32> to vector<256x128xf32>
    %max3A_531 = arith.maximumf %max3A_529, %slice3A_530 : vector<256x128xf32>
    %slice3A_532 = vector.extract_strided_slice %add3A_452 {offsets = [0, 5120], sizes = [256, 128], strides = [1, 1]} : vector<256x10240xf32> to vector<256x128xf32>
    %max3A_533 = arith.maximumf %max3A_531, %slice3A_532 : vector<256x128xf32>
    %slice3A_534 = vector.extract_strided_slice %add3A_452 {offsets = [0, 5248], sizes = [256, 128], strides = [1, 1]} : vector<256x10240xf32> to vector<256x128xf32>
    %max3A_535 = arith.maximumf %max3A_533, %slice3A_534 : vector<256x128xf32>
    %slice3A_536 = vector.extract_strided_slice %add3A_452 {offsets = [0, 5376], sizes = [256, 128], strides = [1, 1]} : vector<256x10240xf32> to vector<256x128xf32>
    %max3A_537 = arith.maximumf %max3A_535, %slice3A_536 : vector<256x128xf32>
    %slice3A_538 = vector.extract_strided_slice %add3A_452 {offsets = [0, 5504], sizes = [256, 128], strides = [1, 1]} : vector<256x10240xf32> to vector<256x128xf32>
    %max3A_539 = arith.maximumf %max3A_537, %slice3A_538 : vector<256x128xf32>
    %slice3A_540 = vector.extract_strided_slice %add3A_452 {offsets = [0, 5632], sizes = [256, 128], strides = [1, 1]} : vector<256x10240xf32> to vector<256x128xf32>
    %max3A_541 = arith.maximumf %max3A_539, %slice3A_540 : vector<256x128xf32>
    %slice3A_542 = vector.extract_strided_slice %add3A_452 {offsets = [0, 5760], sizes = [256, 128], strides = [1, 1]} : vector<256x10240xf32> to vector<256x128xf32>
    %max3A_543 = arith.maximumf %max3A_541, %slice3A_542 : vector<256x128xf32>
    %slice3A_544 = vector.extract_strided_slice %add3A_452 {offsets = [0, 5888], sizes = [256, 128], strides = [1, 1]} : vector<256x10240xf32> to vector<256x128xf32>
    %max3A_545 = arith.maximumf %max3A_543, %slice3A_544 : vector<256x128xf32>
    %slice3A_546 = vector.extract_strided_slice %add3A_452 {offsets = [0, 6016], sizes = [256, 128], strides = [1, 1]} : vector<256x10240xf32> to vector<256x128xf32>
    %max3A_547 = arith.maximumf %max3A_545, %slice3A_546 : vector<256x128xf32>
    %slice3A_548 = vector.extract_strided_slice %add3A_452 {offsets = [0, 6144], sizes = [256, 128], strides = [1, 1]} : vector<256x10240xf32> to vector<256x128xf32>
    %max3A_549 = arith.maximumf %max3A_547, %slice3A_548 : vector<256x128xf32>
    %slice3A_550 = vector.extract_strided_slice %add3A_452 {offsets = [0, 6272], sizes = [256, 128], strides = [1, 1]} : vector<256x10240xf32> to vector<256x128xf32>
    %max3A_551 = arith.maximumf %max3A_549, %slice3A_550 : vector<256x128xf32>
    %slice3A_552 = vector.extract_strided_slice %add3A_452 {offsets = [0, 6400], sizes = [256, 128], strides = [1, 1]} : vector<256x10240xf32> to vector<256x128xf32>
    %max3A_553 = arith.maximumf %max3A_551, %slice3A_552 : vector<256x128xf32>
    %slice3A_554 = vector.extract_strided_slice %add3A_452 {offsets = [0, 6528], sizes = [256, 128], strides = [1, 1]} : vector<256x10240xf32> to vector<256x128xf32>
    %max3A_555 = arith.maximumf %max3A_553, %slice3A_554 : vector<256x128xf32>
    %slice3A_556 = vector.extract_strided_slice %add3A_452 {offsets = [0, 6656], sizes = [256, 128], strides = [1, 1]} : vector<256x10240xf32> to vector<256x128xf32>
    %max3A_557 = arith.maximumf %max3A_555, %slice3A_556 : vector<256x128xf32>
    %slice3A_558 = vector.extract_strided_slice %add3A_452 {offsets = [0, 6784], sizes = [256, 128], strides = [1, 1]} : vector<256x10240xf32> to vector<256x128xf32>
    %max3A_559 = arith.maximumf %max3A_557, %slice3A_558 : vector<256x128xf32>
    %slice3A_560 = vector.extract_strided_slice %add3A_452 {offsets = [0, 6912], sizes = [256, 128], strides = [1, 1]} : vector<256x10240xf32> to vector<256x128xf32>
    %max3A_561 = arith.maximumf %max3A_559, %slice3A_560 : vector<256x128xf32>
    %slice3A_562 = vector.extract_strided_slice %add3A_452 {offsets = [0, 7040], sizes = [256, 128], strides = [1, 1]} : vector<256x10240xf32> to vector<256x128xf32>
    %max3A_563 = arith.maximumf %max3A_561, %slice3A_562 : vector<256x128xf32>
    %slice3A_564 = vector.extract_strided_slice %add3A_452 {offsets = [0, 7168], sizes = [256, 128], strides = [1, 1]} : vector<256x10240xf32> to vector<256x128xf32>
    %max3A_565 = arith.maximumf %max3A_563, %slice3A_564 : vector<256x128xf32>
    %slice3A_566 = vector.extract_strided_slice %add3A_452 {offsets = [0, 7296], sizes = [256, 128], strides = [1, 1]} : vector<256x10240xf32> to vector<256x128xf32>
    %max3A_567 = arith.maximumf %max3A_565, %slice3A_566 : vector<256x128xf32>
    %slice3A_568 = vector.extract_strided_slice %add3A_452 {offsets = [0, 7424], sizes = [256, 128], strides = [1, 1]} : vector<256x10240xf32> to vector<256x128xf32>
    %max3A_569 = arith.maximumf %max3A_567, %slice3A_568 : vector<256x128xf32>
    %slice3A_570 = vector.extract_strided_slice %add3A_452 {offsets = [0, 7552], sizes = [256, 128], strides = [1, 1]} : vector<256x10240xf32> to vector<256x128xf32>
    %max3A_571 = arith.maximumf %max3A_569, %slice3A_570 : vector<256x128xf32>
    %slice3A_572 = vector.extract_strided_slice %add3A_452 {offsets = [0, 7680], sizes = [256, 128], strides = [1, 1]} : vector<256x10240xf32> to vector<256x128xf32>
    %max3A_573 = arith.maximumf %max3A_571, %slice3A_572 : vector<256x128xf32>
    %slice3A_574 = vector.extract_strided_slice %add3A_452 {offsets = [0, 7808], sizes = [256, 128], strides = [1, 1]} : vector<256x10240xf32> to vector<256x128xf32>
    %max3A_575 = arith.maximumf %max3A_573, %slice3A_574 : vector<256x128xf32>
    %slice3A_576 = vector.extract_strided_slice %add3A_452 {offsets = [0, 7936], sizes = [256, 128], strides = [1, 1]} : vector<256x10240xf32> to vector<256x128xf32>
    %max3A_577 = arith.maximumf %max3A_575, %slice3A_576 : vector<256x128xf32>
    %slice3A_578 = vector.extract_strided_slice %add3A_452 {offsets = [0, 8064], sizes = [256, 128], strides = [1, 1]} : vector<256x10240xf32> to vector<256x128xf32>
    %max3A_579 = arith.maximumf %max3A_577, %slice3A_578 : vector<256x128xf32>
    %slice3A_580 = vector.extract_strided_slice %add3A_452 {offsets = [0, 8192], sizes = [256, 128], strides = [1, 1]} : vector<256x10240xf32> to vector<256x128xf32>
    %max3A_581 = arith.maximumf %max3A_579, %slice3A_580 : vector<256x128xf32>
    %slice3A_582 = vector.extract_strided_slice %add3A_452 {offsets = [0, 8320], sizes = [256, 128], strides = [1, 1]} : vector<256x10240xf32> to vector<256x128xf32>
    %max3A_583 = arith.maximumf %max3A_581, %slice3A_582 : vector<256x128xf32>
    %slice3A_584 = vector.extract_strided_slice %add3A_452 {offsets = [0, 8448], sizes = [256, 128], strides = [1, 1]} : vector<256x10240xf32> to vector<256x128xf32>
    %max3A_585 = arith.maximumf %max3A_583, %slice3A_584 : vector<256x128xf32>
    %slice3A_586 = vector.extract_strided_slice %add3A_452 {offsets = [0, 8576], sizes = [256, 128], strides = [1, 1]} : vector<256x10240xf32> to vector<256x128xf32>
    %max3A_587 = arith.maximumf %max3A_585, %slice3A_586 : vector<256x128xf32>
    %slice3A_588 = vector.extract_strided_slice %add3A_452 {offsets = [0, 8704], sizes = [256, 128], strides = [1, 1]} : vector<256x10240xf32> to vector<256x128xf32>
    %max3A_589 = arith.maximumf %max3A_587, %slice3A_588 : vector<256x128xf32>
    %slice3A_590 = vector.extract_strided_slice %add3A_452 {offsets = [0, 8832], sizes = [256, 128], strides = [1, 1]} : vector<256x10240xf32> to vector<256x128xf32>
    %max3A_591 = arith.maximumf %max3A_589, %slice3A_590 : vector<256x128xf32>
    %slice3A_592 = vector.extract_strided_slice %add3A_452 {offsets = [0, 8960], sizes = [256, 128], strides = [1, 1]} : vector<256x10240xf32> to vector<256x128xf32>
    %max3A_593 = arith.maximumf %max3A_591, %slice3A_592 : vector<256x128xf32>
    %slice3A_594 = vector.extract_strided_slice %add3A_452 {offsets = [0, 9088], sizes = [256, 128], strides = [1, 1]} : vector<256x10240xf32> to vector<256x128xf32>
    %max3A_595 = arith.maximumf %max3A_593, %slice3A_594 : vector<256x128xf32>
    %slice3A_596 = vector.extract_strided_slice %add3A_452 {offsets = [0, 9216], sizes = [256, 128], strides = [1, 1]} : vector<256x10240xf32> to vector<256x128xf32>
    %max3A_597 = arith.maximumf %max3A_595, %slice3A_596 : vector<256x128xf32>
    %slice3A_598 = vector.extract_strided_slice %add3A_452 {offsets = [0, 9344], sizes = [256, 128], strides = [1, 1]} : vector<256x10240xf32> to vector<256x128xf32>
    %max3A_599 = arith.maximumf %max3A_597, %slice3A_598 : vector<256x128xf32>
    %slice3A_600 = vector.extract_strided_slice %add3A_452 {offsets = [0, 9472], sizes = [256, 128], strides = [1, 1]} : vector<256x10240xf32> to vector<256x128xf32>
    %max3A_601 = arith.maximumf %max3A_599, %slice3A_600 : vector<256x128xf32>
    %slice3A_602 = vector.extract_strided_slice %add3A_452 {offsets = [0, 9600], sizes = [256, 128], strides = [1, 1]} : vector<256x10240xf32> to vector<256x128xf32>
    %max3A_603 = arith.maximumf %max3A_601, %slice3A_602 : vector<256x128xf32>
    %slice3A_604 = vector.extract_strided_slice %add3A_452 {offsets = [0, 9728], sizes = [256, 128], strides = [1, 1]} : vector<256x10240xf32> to vector<256x128xf32>
    %max3A_605 = arith.maximumf %max3A_603, %slice3A_604 : vector<256x128xf32>
    %slice3A_606 = vector.extract_strided_slice %add3A_452 {offsets = [0, 9856], sizes = [256, 128], strides = [1, 1]} : vector<256x10240xf32> to vector<256x128xf32>
    %max3A_607 = arith.maximumf %max3A_605, %slice3A_606 : vector<256x128xf32>
    %slice3A_608 = vector.extract_strided_slice %add3A_452 {offsets = [0, 9984], sizes = [256, 128], strides = [1, 1]} : vector<256x10240xf32> to vector<256x128xf32>
    %max3A_609 = arith.maximumf %max3A_607, %slice3A_608 : vector<256x128xf32>
    %slice3A_610 = vector.extract_strided_slice %add3A_452 {offsets = [0, 10112], sizes = [256, 128], strides = [1, 1]} : vector<256x10240xf32> to vector<256x128xf32>
    %max3A_611 = arith.maximumf %max3A_609, %slice3A_610 : vector<256x128xf32>
    %swap3A_612 = arith.constant 0 : index
    %swap3A_613 = arith.constant 0 : index
    %swap3A_614 = vector.load %arg13[%swap3A_612, %swap3A_613] : memref<256x128xf32, #tpu.memory_space<vmem>>, vector<256x128xf32>
    tpu.vector_store %arg13[%swap3A_612, %swap3A_613], %max3A_611 {strides = array<i32>} : memref<256x128xf32, #tpu.memory_space<vmem>>, vector<256x128xf32>,
    return
  }
  func.func @transform_0(%arg0: i32, %arg1: memref<64xi32, #tpu.memory_space<smem>>, %arg2: memref<64xi32, #tpu.memory_space<smem>>) -> (i32, i32) {
    %c0_i32 = arith.constant 0 : i32
    %c0_i32_0 = arith.constant 0 : i32
    %c0_i32_1 = arith.constant 0 : i32
    return %c0_i32, %c0_i32_0 : i32, i32
  }
  func.func @transform_1(%arg0: i32, %arg1: memref<64xi32, #tpu.memory_space<smem>>, %arg2: memref<64xi32, #tpu.memory_space<smem>>) -> (i32, i32) {
    %c0_i32 = arith.constant 0 : i32
    %c0_i32_0 = arith.constant 0 : i32
    return %c0_i32, %arg0 : i32, i32
  }
  func.func @transform_2(%arg0: i32, %arg1: memref<64xi32, #tpu.memory_space<smem>>, %arg2: memref<64xi32, #tpu.memory_space<smem>>) -> (i32, i32, i32) {
    %c0_i32 = arith.constant 0 : i32
    %c0_i32_0 = arith.constant 0 : i32
    %c0_i32_1 = arith.constant 0 : i32
    return %arg0, %c0_i32, %c0_i32_0 : i32, i32, i32
  }
  func.func @transform_3(%arg0: i32, %arg1: memref<64xi32, #tpu.memory_space<smem>>, %arg2: memref<64xi32, #tpu.memory_space<smem>>) -> (i32, i32) {
    %c0_i32 = arith.constant 0 : i32
    %c0_i32_0 = arith.constant 0 : i32
    %c0_i32_1 = arith.constant 0 : i32
    return %c0_i32, %c0_i32_0 : i32, i32
  }
  func.func @transform_4(%arg0: i32, %arg1: memref<64xi32, #tpu.memory_space<smem>>, %arg2: memref<64xi32, #tpu.memory_space<smem>>) -> (i32, i32) {
    %c0_i32 = arith.constant 0 : i32
    %c0_i32_0 = arith.constant 0 : i32
    %c0_i32_1 = arith.constant 0 : i32
    return %c0_i32, %c0_i32_0 : i32, i32
  }
  func.func @transform_5(%arg0: i32, %arg1: memref<64xi32, #tpu.memory_space<smem>>, %arg2: memref<64xi32, #tpu.memory_space<smem>>) -> (i32, i32) {
    %c0_i32 = arith.constant 0 : i32
    %c0_i32_0 = arith.constant 0 : i32
    %c0_i32_1 = arith.constant 0 : i32
    return %c0_i32, %c0_i32_0 : i32, i32
  }
  func.func @transform_6(%arg0: i32, %arg1: memref<64xi32, #tpu.memory_space<smem>>, %arg2: memref<64xi32, #tpu.memory_space<smem>>) -> (i32, i32) {
    %c0_i32 = arith.constant 0 : i32
    %c0_i32_0 = arith.constant 0 : i32
    %c0_i32_1 = arith.constant 0 : i32
    return %c0_i32, %c0_i32_0 : i32, i32
  }
  func.func @transform_7(%arg0: i32, %arg1: memref<64xi32, #tpu.memory_space<smem>>, %arg2: memref<64xi32, #tpu.memory_space<smem>>) -> (i32, i32) {
    %c0_i32 = arith.constant 0 : i32
    %c0_i32_0 = arith.constant 0 : i32
    %c0_i32_1 = arith.constant 0 : i32
    return %c0_i32, %c0_i32_0 : i32, i32
  }
  func.func @transform_8(%arg0: i32, %arg1: memref<64xi32, #tpu.memory_space<smem>>, %arg2: memref<64xi32, #tpu.memory_space<smem>>) -> (i32, i32) {
    %c0_i32 = arith.constant 0 : i32
    %c0_i32_0 = arith.constant 0 : i32
    %c0_i32_1 = arith.constant 0 : i32
    return %c0_i32, %c0_i32_0 : i32, i32
  }
  func.func @transform_9(%arg0: i32, %arg1: memref<64xi32, #tpu.memory_space<smem>>, %arg2: memref<64xi32, #tpu.memory_space<smem>>) -> (i32, i32) {
    %c0_i32 = arith.constant 0 : i32
    %c0_i32_0 = arith.constant 0 : i32
    %c0_i32_1 = arith.constant 0 : i32
    return %c0_i32, %c0_i32_0 : i32, i32
  }
  func.func @transform_10(%arg0: i32, %arg1: memref<64xi32, #tpu.memory_space<smem>>, %arg2: memref<64xi32, #tpu.memory_space<smem>>) -> (i32, i32) {
    %c0_i32 = arith.constant 0 : i32
    %c0_i32_0 = arith.constant 0 : i32
    return %c0_i32, %arg0 : i32, i32
  }
}

module attributes {stable_mosaic.version = 14 : i64} {
  func.func @_tail_body(%arg0: i32, %arg1: memref<264x512xf32, #tpu.memory_space<vmem>>, %arg2: memref<1x1x512xi32, #tpu.memory_space<vmem>>, %arg3: memref<256x264xf32, #tpu.memory_space<vmem>>, %arg4: memref<256x1xf32, #tpu.memory_space<vmem>>, %arg5: memref<512x256xf32, #tpu.memory_space<vmem>>, %arg6: memref<512x1xf32, #tpu.memory_space<vmem>>, %arg7: memref<1024x512xf32, #tpu.memory_space<vmem>>, %arg8: memref<1024x1xf32, #tpu.memory_space<vmem>>, %arg9: memref<512x1024xf32, #tpu.memory_space<vmem>>, %arg10: memref<512x1xf32, #tpu.memory_space<vmem>>, %arg11: memref<256x512xf32, #tpu.memory_space<vmem>>, %arg12: memref<256x1xf32, #tpu.memory_space<vmem>>, %arg13: memref<16x256xf32, #tpu.memory_space<vmem>>, %arg14: memref<16x1xf32, #tpu.memory_space<vmem>>, %arg15: memref<16x8xf32, #tpu.memory_space<vmem>>, %arg16: memref<1024x8xf32, #tpu.memory_space<vmem>>) attributes {dimension_semantics = [#tpu.dimension_semantics<arbitrary>], iteration_bounds = array<i64: 16>, scalar_prefetch = 0 : i64, scratch_operands = 1 : i64, tpu.core_type = #tpu.core_type<tc>, window_params = [{transform_indices = @transform_0, window_bounds = array<i64: 264, 512>}, {transform_indices = @transform_1, window_bounds = array<i64: 1, 1, 512>}, {pipeline_mode = #tpu.pipeline_mode<synchronous>, transform_indices = @transform_2, window_bounds = array<i64: 256, 264>}, {pipeline_mode = #tpu.pipeline_mode<synchronous>, transform_indices = @transform_3, window_bounds = array<i64: 256, 1>}, {pipeline_mode = #tpu.pipeline_mode<synchronous>, transform_indices = @transform_4, window_bounds = array<i64: 512, 256>}, {pipeline_mode = #tpu.pipeline_mode<synchronous>, transform_indices = @transform_5, window_bounds = array<i64: 512, 1>}, {pipeline_mode = #tpu.pipeline_mode<synchronous>, transform_indices = @transform_6, window_bounds = array<i64: 1024, 512>}, {pipeline_mode = #tpu.pipeline_mode<synchronous>, transform_indices = @transform_7, window_bounds = array<i64: 1024, 1>}, {pipeline_mode = #tpu.pipeline_mode<synchronous>, transform_indices = @transform_8, window_bounds = array<i64: 512, 1024>}, {pipeline_mode = #tpu.pipeline_mode<synchronous>, transform_indices = @transform_9, window_bounds = array<i64: 512, 1>}, {pipeline_mode = #tpu.pipeline_mode<synchronous>, transform_indices = @transform_10, window_bounds = array<i64: 256, 512>}, {pipeline_mode = #tpu.pipeline_mode<synchronous>, transform_indices = @transform_11, window_bounds = array<i64: 256, 1>}, {pipeline_mode = #tpu.pipeline_mode<synchronous>, transform_indices = @transform_12, window_bounds = array<i64: 16, 256>}, {pipeline_mode = #tpu.pipeline_mode<synchronous>, transform_indices = @transform_13, window_bounds = array<i64: 16, 1>}, {pipeline_mode = #tpu.pipeline_mode<synchronous>, transform_indices = @transform_14, window_bounds = array<i64: 16, 8>}]} {
    %eq3A = arith.constant 0 : i32
    %eq3A_0 = arith.cmpi eq, %arg0, %eq3A : i32
    %convert_element_type3A = arith.extui %eq3A_0 : i1 to i32
    %cond3A = arith.constant 0 : i32
    %cond3A_1 = arith.cmpi ne, %convert_element_type3A, %cond3A : i32
    scf.if %cond3A_1 {
      %broadcast_in_dim3A_186 = arith.constant 0xFF800000 : f32
      %broadcast_in_dim3A_187 = vector.broadcast %broadcast_in_dim3A_186 : f32 to vector<1024x8xf32>
      %swap3A_188 = arith.constant 0 : index
      %swap3A_189 = arith.constant 0 : index
      %swap3A_190 = vector.load %arg16[%swap3A_188, %swap3A_189] : memref<1024x8xf32, #tpu.memory_space<vmem>>, vector<1024x8xf32>
      tpu.vector_store %arg16[%swap3A_188, %swap3A_189], %broadcast_in_dim3A_187 {strides = array<i32>} : memref<1024x8xf32, #tpu.memory_space<vmem>>, vector<1024x8xf32>,
    } else {
    }
    %get3A = arith.constant 0 : index
    %get3A_2 = arith.constant 0 : index
    %get3A_3 = vector.load %arg3[%get3A, %get3A_2] : memref<256x264xf32, #tpu.memory_space<vmem>>, vector<256x264xf32>
    %get3A_4 = arith.constant 0 : index
    %get3A_5 = arith.constant 0 : index
    %get3A_6 = vector.load %arg1[%get3A_4, %get3A_5] : memref<264x512xf32, #tpu.memory_space<vmem>>, vector<264x512xf32>
    %dot_general3A = arith.constant dense<0.000000e+00> : vector<256x512xf32>
    %dot_general3A_7 = tpu.matmul %get3A_3, %get3A_6, %dot_general3A {dimension_numbers = #tpu.dot_dimension_numbers<[1], [0], [0], [1], [0, 0, 1, 1], [], []>, transpose_lhs_hint = false} : vector<256x264xf32>, vector<264x512xf32>, vector<256x512xf32> -> vector<256x512xf32>
    %get3A_8 = arith.constant 0 : index
    %get3A_9 = arith.constant 0 : index
    %get3A_10 = vector.load %arg4[%get3A_8, %get3A_9] : memref<256x1xf32, #tpu.memory_space<vmem>>, vector<256x1xf32>
    %add3A = vector.broadcast %get3A_10 : vector<256x1xf32> to vector<256x512xf32>
    %add3A_11 = arith.addf %dot_general3A_7, %add3A : vector<256x512xf32>
    %max3A = arith.constant 0.000000e+00 : f32
    %max3A_12 = vector.broadcast %max3A : f32 to vector<256x512xf32>
    %max3A_13 = arith.maximumf %add3A_11, %max3A_12 : vector<256x512xf32>
    %get3A_14 = arith.constant 0 : index
    %get3A_15 = arith.constant 0 : index
    %get3A_16 = vector.load %arg5[%get3A_14, %get3A_15] : memref<512x256xf32, #tpu.memory_space<vmem>>, vector<512x256xf32>
    %dot_general3A_17 = arith.constant dense<0.000000e+00> : vector<512x512xf32>
    %dot_general3A_18 = tpu.matmul %get3A_16, %max3A_13, %dot_general3A_17 {dimension_numbers = #tpu.dot_dimension_numbers<[1], [0], [0], [1], [0, 0, 1, 1], [], []>, transpose_lhs_hint = false} : vector<512x256xf32>, vector<256x512xf32>, vector<512x512xf32> -> vector<512x512xf32>
    %get3A_19 = arith.constant 0 : index
    %get3A_20 = arith.constant 0 : index
    %get3A_21 = vector.load %arg6[%get3A_19, %get3A_20] : memref<512x1xf32, #tpu.memory_space<vmem>>, vector<512x1xf32>
    %add3A_22 = vector.broadcast %get3A_21 : vector<512x1xf32> to vector<512x512xf32>
    %add3A_23 = arith.addf %dot_general3A_18, %add3A_22 : vector<512x512xf32>
    %max3A_24 = arith.constant 0.000000e+00 : f32
    %max3A_25 = vector.broadcast %max3A_24 : f32 to vector<512x512xf32>
    %max3A_26 = arith.maximumf %add3A_23, %max3A_25 : vector<512x512xf32>
    %get3A_27 = arith.constant 0 : index
    %get3A_28 = arith.constant 0 : index
    %get3A_29 = vector.load %arg7[%get3A_27, %get3A_28] : memref<1024x512xf32, #tpu.memory_space<vmem>>, vector<1024x512xf32>
    %dot_general3A_30 = arith.constant dense<0.000000e+00> : vector<1024x512xf32>
    %dot_general3A_31 = tpu.matmul %get3A_29, %max3A_26, %dot_general3A_30 {dimension_numbers = #tpu.dot_dimension_numbers<[1], [0], [0], [1], [0, 0, 1, 1], [], []>, transpose_lhs_hint = false} : vector<1024x512xf32>, vector<512x512xf32>, vector<1024x512xf32> -> vector<1024x512xf32>
    %get3A_32 = arith.constant 0 : index
    %get3A_33 = arith.constant 0 : index
    %get3A_34 = vector.load %arg8[%get3A_32, %get3A_33] : memref<1024x1xf32, #tpu.memory_space<vmem>>, vector<1024x1xf32>
    %add3A_35 = vector.broadcast %get3A_34 : vector<1024x1xf32> to vector<1024x512xf32>
    %add3A_36 = arith.addf %dot_general3A_31, %add3A_35 : vector<1024x512xf32>
    %get3A_37 = arith.constant 0 : index
    %get3A_38 = arith.constant 0 : index
    %get3A_39 = arith.constant 0 : index
    %get3A_40 = vector.load %arg2[%get3A_37, %get3A_38, %get3A_39] : memref<1x1x512xi32, #tpu.memory_space<vmem>>, vector<1x1x512xi32>
    %get3A_41 = vector.shape_cast %get3A_40 : vector<1x1x512xi32> to vector<1x512xi32>
    %eq3A_42 = arith.constant 0 : i32
    %eq3A_43 = vector.broadcast %eq3A_42 : i32 to vector<1x512xi32>
    %eq3A_44 = arith.cmpi eq, %get3A_41, %eq3A_43 : vector<1x512xi32>
    %jit3A = arith.constant 0xFF800000 : f32
    %broadcast_in_dim3A = vector.shape_cast %eq3A_44 : vector<1x512xi1> to vector<1x512xi1>
    %broadcast_in_dim3A_45 = vector.broadcast %broadcast_in_dim3A : vector<1x512xi1> to vector<1024x512xi1>
    %broadcast_in_dim3A_46 = vector.broadcast %jit3A : f32 to vector<1024x512xf32>
    %select_n3A = arith.select %broadcast_in_dim3A_45, %add3A_36, %broadcast_in_dim3A_46 : vector<1024x512xi1>, vector<1024x512xf32>
    %reduce_max3A = arith.constant dense<0xFF800000> : vector<1024xf32>
    %reduce_max3A_47 = vector.multi_reduction <maximumf>, %select_n3A, %reduce_max3A [1] : vector<1024x512xf32> to vector<1024xf32>
    %broadcast_in_dim3A_48 = vector.shape_cast %reduce_max3A_47 : vector<1024xf32> to vector<1024x1xf32>
    %get3A_49 = arith.constant 0 : index
    %get3A_50 = arith.constant 0 : index
    %get3A_51 = vector.load %arg16[%get3A_49, %get3A_50] : memref<1024x8xf32, #tpu.memory_space<vmem>>, vector<1024x1xf32>
    %max3A_52 = arith.maximumf %get3A_51, %broadcast_in_dim3A_48 : vector<1024x1xf32>
    %swap3A = arith.constant 0 : index
    %swap3A_53 = arith.constant 0 : index
    %swap3A_54 = vector.load %arg16[%swap3A, %swap3A_53] : memref<1024x8xf32, #tpu.memory_space<vmem>>, vector<1024x1xf32>
    tpu.vector_store %arg16[%swap3A, %swap3A_53], %max3A_52 {strides = array<i32>} : memref<1024x8xf32, #tpu.memory_space<vmem>>, vector<1024x1xf32>,
    %eq3A_55 = arith.constant 1 : i32
    %eq3A_56 = vector.broadcast %eq3A_55 : i32 to vector<1x512xi32>
    %eq3A_57 = arith.cmpi eq, %get3A_41, %eq3A_56 : vector<1x512xi32>
    %jit3A_58 = arith.constant 0xFF800000 : f32
    %broadcast_in_dim3A_59 = vector.shape_cast %eq3A_57 : vector<1x512xi1> to vector<1x512xi1>
    %broadcast_in_dim3A_60 = vector.broadcast %broadcast_in_dim3A_59 : vector<1x512xi1> to vector<1024x512xi1>
    %broadcast_in_dim3A_61 = vector.broadcast %jit3A_58 : f32 to vector<1024x512xf32>
    %select_n3A_62 = arith.select %broadcast_in_dim3A_60, %add3A_36, %broadcast_in_dim3A_61 : vector<1024x512xi1>, vector<1024x512xf32>
    %reduce_max3A_63 = arith.constant dense<0xFF800000> : vector<1024xf32>
    %reduce_max3A_64 = vector.multi_reduction <maximumf>, %select_n3A_62, %reduce_max3A_63 [1] : vector<1024x512xf32> to vector<1024xf32>
    %broadcast_in_dim3A_65 = vector.shape_cast %reduce_max3A_64 : vector<1024xf32> to vector<1024x1xf32>
    %get3A_66 = arith.constant 0 : index
    %get3A_67 = arith.constant 1 : index
    %get3A_68 = vector.load %arg16[%get3A_66, %get3A_67] : memref<1024x8xf32, #tpu.memory_space<vmem>>, vector<1024x1xf32>
    %max3A_69 = arith.maximumf %get3A_68, %broadcast_in_dim3A_65 : vector<1024x1xf32>
    %swap3A_70 = arith.constant 0 : index
    %swap3A_71 = arith.constant 1 : index
    %swap3A_72 = vector.load %arg16[%swap3A_70, %swap3A_71] : memref<1024x8xf32, #tpu.memory_space<vmem>>, vector<1024x1xf32>
    tpu.vector_store %arg16[%swap3A_70, %swap3A_71], %max3A_69 {strides = array<i32>} : memref<1024x8xf32, #tpu.memory_space<vmem>>, vector<1024x1xf32>,
    %eq3A_73 = arith.constant 2 : i32
    %eq3A_74 = vector.broadcast %eq3A_73 : i32 to vector<1x512xi32>
    %eq3A_75 = arith.cmpi eq, %get3A_41, %eq3A_74 : vector<1x512xi32>
    %jit3A_76 = arith.constant 0xFF800000 : f32
    %broadcast_in_dim3A_77 = vector.shape_cast %eq3A_75 : vector<1x512xi1> to vector<1x512xi1>
    %broadcast_in_dim3A_78 = vector.broadcast %broadcast_in_dim3A_77 : vector<1x512xi1> to vector<1024x512xi1>
    %broadcast_in_dim3A_79 = vector.broadcast %jit3A_76 : f32 to vector<1024x512xf32>
    %select_n3A_80 = arith.select %broadcast_in_dim3A_78, %add3A_36, %broadcast_in_dim3A_79 : vector<1024x512xi1>, vector<1024x512xf32>
    %reduce_max3A_81 = arith.constant dense<0xFF800000> : vector<1024xf32>
    %reduce_max3A_82 = vector.multi_reduction <maximumf>, %select_n3A_80, %reduce_max3A_81 [1] : vector<1024x512xf32> to vector<1024xf32>
    %broadcast_in_dim3A_83 = vector.shape_cast %reduce_max3A_82 : vector<1024xf32> to vector<1024x1xf32>
    %get3A_84 = arith.constant 0 : index
    %get3A_85 = arith.constant 2 : index
    %get3A_86 = vector.load %arg16[%get3A_84, %get3A_85] : memref<1024x8xf32, #tpu.memory_space<vmem>>, vector<1024x1xf32>
    %max3A_87 = arith.maximumf %get3A_86, %broadcast_in_dim3A_83 : vector<1024x1xf32>
    %swap3A_88 = arith.constant 0 : index
    %swap3A_89 = arith.constant 2 : index
    %swap3A_90 = vector.load %arg16[%swap3A_88, %swap3A_89] : memref<1024x8xf32, #tpu.memory_space<vmem>>, vector<1024x1xf32>
    tpu.vector_store %arg16[%swap3A_88, %swap3A_89], %max3A_87 {strides = array<i32>} : memref<1024x8xf32, #tpu.memory_space<vmem>>, vector<1024x1xf32>,
    %eq3A_91 = arith.constant 3 : i32
    %eq3A_92 = vector.broadcast %eq3A_91 : i32 to vector<1x512xi32>
    %eq3A_93 = arith.cmpi eq, %get3A_41, %eq3A_92 : vector<1x512xi32>
    %jit3A_94 = arith.constant 0xFF800000 : f32
    %broadcast_in_dim3A_95 = vector.shape_cast %eq3A_93 : vector<1x512xi1> to vector<1x512xi1>
    %broadcast_in_dim3A_96 = vector.broadcast %broadcast_in_dim3A_95 : vector<1x512xi1> to vector<1024x512xi1>
    %broadcast_in_dim3A_97 = vector.broadcast %jit3A_94 : f32 to vector<1024x512xf32>
    %select_n3A_98 = arith.select %broadcast_in_dim3A_96, %add3A_36, %broadcast_in_dim3A_97 : vector<1024x512xi1>, vector<1024x512xf32>
    %reduce_max3A_99 = arith.constant dense<0xFF800000> : vector<1024xf32>
    %reduce_max3A_100 = vector.multi_reduction <maximumf>, %select_n3A_98, %reduce_max3A_99 [1] : vector<1024x512xf32> to vector<1024xf32>
    %broadcast_in_dim3A_101 = vector.shape_cast %reduce_max3A_100 : vector<1024xf32> to vector<1024x1xf32>
    %get3A_102 = arith.constant 0 : index
    %get3A_103 = arith.constant 3 : index
    %get3A_104 = vector.load %arg16[%get3A_102, %get3A_103] : memref<1024x8xf32, #tpu.memory_space<vmem>>, vector<1024x1xf32>
    %max3A_105 = arith.maximumf %get3A_104, %broadcast_in_dim3A_101 : vector<1024x1xf32>
    %swap3A_106 = arith.constant 0 : index
    %swap3A_107 = arith.constant 3 : index
    %swap3A_108 = vector.load %arg16[%swap3A_106, %swap3A_107] : memref<1024x8xf32, #tpu.memory_space<vmem>>, vector<1024x1xf32>
    tpu.vector_store %arg16[%swap3A_106, %swap3A_107], %max3A_105 {strides = array<i32>} : memref<1024x8xf32, #tpu.memory_space<vmem>>, vector<1024x1xf32>,
    %eq3A_109 = arith.constant 4 : i32
    %eq3A_110 = vector.broadcast %eq3A_109 : i32 to vector<1x512xi32>
    %eq3A_111 = arith.cmpi eq, %get3A_41, %eq3A_110 : vector<1x512xi32>
    %jit3A_112 = arith.constant 0xFF800000 : f32
    %broadcast_in_dim3A_113 = vector.shape_cast %eq3A_111 : vector<1x512xi1> to vector<1x512xi1>
    %broadcast_in_dim3A_114 = vector.broadcast %broadcast_in_dim3A_113 : vector<1x512xi1> to vector<1024x512xi1>
    %broadcast_in_dim3A_115 = vector.broadcast %jit3A_112 : f32 to vector<1024x512xf32>
    %select_n3A_116 = arith.select %broadcast_in_dim3A_114, %add3A_36, %broadcast_in_dim3A_115 : vector<1024x512xi1>, vector<1024x512xf32>
    %reduce_max3A_117 = arith.constant dense<0xFF800000> : vector<1024xf32>
    %reduce_max3A_118 = vector.multi_reduction <maximumf>, %select_n3A_116, %reduce_max3A_117 [1] : vector<1024x512xf32> to vector<1024xf32>
    %broadcast_in_dim3A_119 = vector.shape_cast %reduce_max3A_118 : vector<1024xf32> to vector<1024x1xf32>
    %get3A_120 = arith.constant 0 : index
    %get3A_121 = arith.constant 4 : index
    %get3A_122 = vector.load %arg16[%get3A_120, %get3A_121] : memref<1024x8xf32, #tpu.memory_space<vmem>>, vector<1024x1xf32>
    %max3A_123 = arith.maximumf %get3A_122, %broadcast_in_dim3A_119 : vector<1024x1xf32>
    %swap3A_124 = arith.constant 0 : index
    %swap3A_125 = arith.constant 4 : index
    %swap3A_126 = vector.load %arg16[%swap3A_124, %swap3A_125] : memref<1024x8xf32, #tpu.memory_space<vmem>>, vector<1024x1xf32>
    tpu.vector_store %arg16[%swap3A_124, %swap3A_125], %max3A_123 {strides = array<i32>} : memref<1024x8xf32, #tpu.memory_space<vmem>>, vector<1024x1xf32>,
    %eq3A_127 = arith.constant 5 : i32
    %eq3A_128 = vector.broadcast %eq3A_127 : i32 to vector<1x512xi32>
    %eq3A_129 = arith.cmpi eq, %get3A_41, %eq3A_128 : vector<1x512xi32>
    %jit3A_130 = arith.constant 0xFF800000 : f32
    %broadcast_in_dim3A_131 = vector.shape_cast %eq3A_129 : vector<1x512xi1> to vector<1x512xi1>
    %broadcast_in_dim3A_132 = vector.broadcast %broadcast_in_dim3A_131 : vector<1x512xi1> to vector<1024x512xi1>
    %broadcast_in_dim3A_133 = vector.broadcast %jit3A_130 : f32 to vector<1024x512xf32>
    %select_n3A_134 = arith.select %broadcast_in_dim3A_132, %add3A_36, %broadcast_in_dim3A_133 : vector<1024x512xi1>, vector<1024x512xf32>
    %reduce_max3A_135 = arith.constant dense<0xFF800000> : vector<1024xf32>
    %reduce_max3A_136 = vector.multi_reduction <maximumf>, %select_n3A_134, %reduce_max3A_135 [1] : vector<1024x512xf32> to vector<1024xf32>
    %broadcast_in_dim3A_137 = vector.shape_cast %reduce_max3A_136 : vector<1024xf32> to vector<1024x1xf32>
    %get3A_138 = arith.constant 0 : index
    %get3A_139 = arith.constant 5 : index
    %get3A_140 = vector.load %arg16[%get3A_138, %get3A_139] : memref<1024x8xf32, #tpu.memory_space<vmem>>, vector<1024x1xf32>
    %max3A_141 = arith.maximumf %get3A_140, %broadcast_in_dim3A_137 : vector<1024x1xf32>
    %swap3A_142 = arith.constant 0 : index
    %swap3A_143 = arith.constant 5 : index
    %swap3A_144 = vector.load %arg16[%swap3A_142, %swap3A_143] : memref<1024x8xf32, #tpu.memory_space<vmem>>, vector<1024x1xf32>
    tpu.vector_store %arg16[%swap3A_142, %swap3A_143], %max3A_141 {strides = array<i32>} : memref<1024x8xf32, #tpu.memory_space<vmem>>, vector<1024x1xf32>,
    %eq3A_145 = arith.constant 6 : i32
    %eq3A_146 = vector.broadcast %eq3A_145 : i32 to vector<1x512xi32>
    %eq3A_147 = arith.cmpi eq, %get3A_41, %eq3A_146 : vector<1x512xi32>
    %jit3A_148 = arith.constant 0xFF800000 : f32
    %broadcast_in_dim3A_149 = vector.shape_cast %eq3A_147 : vector<1x512xi1> to vector<1x512xi1>
    %broadcast_in_dim3A_150 = vector.broadcast %broadcast_in_dim3A_149 : vector<1x512xi1> to vector<1024x512xi1>
    %broadcast_in_dim3A_151 = vector.broadcast %jit3A_148 : f32 to vector<1024x512xf32>
    %select_n3A_152 = arith.select %broadcast_in_dim3A_150, %add3A_36, %broadcast_in_dim3A_151 : vector<1024x512xi1>, vector<1024x512xf32>
    %reduce_max3A_153 = arith.constant dense<0xFF800000> : vector<1024xf32>
    %reduce_max3A_154 = vector.multi_reduction <maximumf>, %select_n3A_152, %reduce_max3A_153 [1] : vector<1024x512xf32> to vector<1024xf32>
    %broadcast_in_dim3A_155 = vector.shape_cast %reduce_max3A_154 : vector<1024xf32> to vector<1024x1xf32>
    %get3A_156 = arith.constant 0 : index
    %get3A_157 = arith.constant 6 : index
    %get3A_158 = vector.load %arg16[%get3A_156, %get3A_157] : memref<1024x8xf32, #tpu.memory_space<vmem>>, vector<1024x1xf32>
    %max3A_159 = arith.maximumf %get3A_158, %broadcast_in_dim3A_155 : vector<1024x1xf32>
    %swap3A_160 = arith.constant 0 : index
    %swap3A_161 = arith.constant 6 : index
    %swap3A_162 = vector.load %arg16[%swap3A_160, %swap3A_161] : memref<1024x8xf32, #tpu.memory_space<vmem>>, vector<1024x1xf32>
    tpu.vector_store %arg16[%swap3A_160, %swap3A_161], %max3A_159 {strides = array<i32>} : memref<1024x8xf32, #tpu.memory_space<vmem>>, vector<1024x1xf32>,
    %eq3A_163 = arith.constant 7 : i32
    %eq3A_164 = vector.broadcast %eq3A_163 : i32 to vector<1x512xi32>
    %eq3A_165 = arith.cmpi eq, %get3A_41, %eq3A_164 : vector<1x512xi32>
    %jit3A_166 = arith.constant 0xFF800000 : f32
    %broadcast_in_dim3A_167 = vector.shape_cast %eq3A_165 : vector<1x512xi1> to vector<1x512xi1>
    %broadcast_in_dim3A_168 = vector.broadcast %broadcast_in_dim3A_167 : vector<1x512xi1> to vector<1024x512xi1>
    %broadcast_in_dim3A_169 = vector.broadcast %jit3A_166 : f32 to vector<1024x512xf32>
    %select_n3A_170 = arith.select %broadcast_in_dim3A_168, %add3A_36, %broadcast_in_dim3A_169 : vector<1024x512xi1>, vector<1024x512xf32>
    %reduce_max3A_171 = arith.constant dense<0xFF800000> : vector<1024xf32>
    %reduce_max3A_172 = vector.multi_reduction <maximumf>, %select_n3A_170, %reduce_max3A_171 [1] : vector<1024x512xf32> to vector<1024xf32>
    %broadcast_in_dim3A_173 = vector.shape_cast %reduce_max3A_172 : vector<1024xf32> to vector<1024x1xf32>
    %get3A_174 = arith.constant 0 : index
    %get3A_175 = arith.constant 7 : index
    %get3A_176 = vector.load %arg16[%get3A_174, %get3A_175] : memref<1024x8xf32, #tpu.memory_space<vmem>>, vector<1024x1xf32>
    %max3A_177 = arith.maximumf %get3A_176, %broadcast_in_dim3A_173 : vector<1024x1xf32>
    %swap3A_178 = arith.constant 0 : index
    %swap3A_179 = arith.constant 7 : index
    %swap3A_180 = vector.load %arg16[%swap3A_178, %swap3A_179] : memref<1024x8xf32, #tpu.memory_space<vmem>>, vector<1024x1xf32>
    tpu.vector_store %arg16[%swap3A_178, %swap3A_179], %max3A_177 {strides = array<i32>} : memref<1024x8xf32, #tpu.memory_space<vmem>>, vector<1024x1xf32>,
    %eq3A_181 = arith.constant 15 : i32
    %eq3A_182 = arith.cmpi eq, %arg0, %eq3A_181 : i32
    %convert_element_type3A_183 = arith.extui %eq3A_182 : i1 to i32
    %cond3A_184 = arith.constant 0 : i32
    %cond3A_185 = arith.cmpi ne, %convert_element_type3A_183, %cond3A_184 : i32
    scf.if %cond3A_185 {
      %get3A_186 = arith.constant 0 : index
      %get3A_187 = arith.constant 0 : index
      %get3A_188 = vector.load %arg16[%get3A_186, %get3A_187] : memref<1024x8xf32, #tpu.memory_space<vmem>>, vector<1024x8xf32>
      %get3A_189 = arith.constant 0 : index
      %get3A_190 = arith.constant 0 : index
      %get3A_191 = vector.load %arg9[%get3A_189, %get3A_190] : memref<512x1024xf32, #tpu.memory_space<vmem>>, vector<512x1024xf32>
      %dot_general3A_192 = arith.constant dense<0.000000e+00> : vector<512x8xf32>
      %dot_general3A_193 = tpu.matmul %get3A_191, %get3A_188, %dot_general3A_192 {dimension_numbers = #tpu.dot_dimension_numbers<[1], [0], [0], [1], [0, 0, 1, 1], [], []>, transpose_lhs_hint = false} : vector<512x1024xf32>, vector<1024x8xf32>, vector<512x8xf32> -> vector<512x8xf32>
      %get3A_194 = arith.constant 0 : index
      %get3A_195 = arith.constant 0 : index
      %get3A_196 = vector.load %arg10[%get3A_194, %get3A_195] : memref<512x1xf32, #tpu.memory_space<vmem>>, vector<512x1xf32>
      %add3A_197 = vector.broadcast %get3A_196 : vector<512x1xf32> to vector<512x8xf32>
      %add3A_198 = arith.addf %dot_general3A_193, %add3A_197 : vector<512x8xf32>
      %max3A_199 = arith.constant 0.000000e+00 : f32
      %max3A_200 = vector.broadcast %max3A_199 : f32 to vector<512x8xf32>
      %max3A_201 = arith.maximumf %add3A_198, %max3A_200 : vector<512x8xf32>
      %get3A_202 = arith.constant 0 : index
      %get3A_203 = arith.constant 0 : index
      %get3A_204 = vector.load %arg11[%get3A_202, %get3A_203] : memref<256x512xf32, #tpu.memory_space<vmem>>, vector<256x512xf32>
      %dot_general3A_205 = arith.constant dense<0.000000e+00> : vector<256x8xf32>
      %dot_general3A_206 = tpu.matmul %get3A_204, %max3A_201, %dot_general3A_205 {dimension_numbers = #tpu.dot_dimension_numbers<[1], [0], [0], [1], [0, 0, 1, 1], [], []>, transpose_lhs_hint = false} : vector<256x512xf32>, vector<512x8xf32>, vector<256x8xf32> -> vector<256x8xf32>
      %get3A_207 = arith.constant 0 : index
      %get3A_208 = arith.constant 0 : index
      %get3A_209 = vector.load %arg12[%get3A_207, %get3A_208] : memref<256x1xf32, #tpu.memory_space<vmem>>, vector<256x1xf32>
      %add3A_210 = vector.broadcast %get3A_209 : vector<256x1xf32> to vector<256x8xf32>
      %add3A_211 = arith.addf %dot_general3A_206, %add3A_210 : vector<256x8xf32>
      %max3A_212 = arith.constant 0.000000e+00 : f32
      %max3A_213 = vector.broadcast %max3A_212 : f32 to vector<256x8xf32>
      %max3A_214 = arith.maximumf %add3A_211, %max3A_213 : vector<256x8xf32>
      %get3A_215 = arith.constant 0 : index
      %get3A_216 = arith.constant 0 : index
      %get3A_217 = vector.load %arg13[%get3A_215, %get3A_216] : memref<16x256xf32, #tpu.memory_space<vmem>>, vector<16x256xf32>
      %dot_general3A_218 = arith.constant dense<0.000000e+00> : vector<16x8xf32>
      %dot_general3A_219 = tpu.matmul %get3A_217, %max3A_214, %dot_general3A_218 {dimension_numbers = #tpu.dot_dimension_numbers<[1], [0], [0], [1], [0, 0, 1, 1], [], []>, transpose_lhs_hint = false} : vector<16x256xf32>, vector<256x8xf32>, vector<16x8xf32> -> vector<16x8xf32>
      %get3A_220 = arith.constant 0 : index
      %get3A_221 = arith.constant 0 : index
      %get3A_222 = vector.load %arg14[%get3A_220, %get3A_221] : memref<16x1xf32, #tpu.memory_space<vmem>>, vector<16x1xf32>
      %add3A_223 = vector.broadcast %get3A_222 : vector<16x1xf32> to vector<16x8xf32>
      %add3A_224 = arith.addf %dot_general3A_219, %add3A_223 : vector<16x8xf32>
      %swap3A_225 = arith.constant 0 : index
      %swap3A_226 = arith.constant 0 : index
      %swap3A_227 = vector.load %arg15[%swap3A_225, %swap3A_226] : memref<16x8xf32, #tpu.memory_space<vmem>>, vector<16x8xf32>
      tpu.vector_store %arg15[%swap3A_225, %swap3A_226], %add3A_224 {strides = array<i32>} : memref<16x8xf32, #tpu.memory_space<vmem>>, vector<16x8xf32>,
    } else {
    }
    return
  }
  func.func @transform_0(%arg0: i32) -> (i32, i32) {
    %c0_i32 = arith.constant 0 : i32
    %c0_i32_0 = arith.constant 0 : i32
    return %c0_i32, %arg0 : i32, i32
  }
  func.func @transform_1(%arg0: i32) -> (i32, i32, i32) {
    %c0_i32 = arith.constant 0 : i32
    %c0_i32_0 = arith.constant 0 : i32
    %c0_i32_1 = arith.constant 0 : i32
    return %arg0, %c0_i32, %c0_i32_0 : i32, i32, i32
  }
  func.func @transform_2(%arg0: i32) -> (i32, i32) {
    %c0_i32 = arith.constant 0 : i32
    %c0_i32_0 = arith.constant 0 : i32
    %c0_i32_1 = arith.constant 0 : i32
    return %c0_i32, %c0_i32_0 : i32, i32
  }
  func.func @transform_3(%arg0: i32) -> (i32, i32) {
    %c0_i32 = arith.constant 0 : i32
    %c0_i32_0 = arith.constant 0 : i32
    %c0_i32_1 = arith.constant 0 : i32
    return %c0_i32, %c0_i32_0 : i32, i32
  }
  func.func @transform_4(%arg0: i32) -> (i32, i32) {
    %c0_i32 = arith.constant 0 : i32
    %c0_i32_0 = arith.constant 0 : i32
    %c0_i32_1 = arith.constant 0 : i32
    return %c0_i32, %c0_i32_0 : i32, i32
  }
  func.func @transform_5(%arg0: i32) -> (i32, i32) {
    %c0_i32 = arith.constant 0 : i32
    %c0_i32_0 = arith.constant 0 : i32
    %c0_i32_1 = arith.constant 0 : i32
    return %c0_i32, %c0_i32_0 : i32, i32
  }
  func.func @transform_6(%arg0: i32) -> (i32, i32) {
    %c0_i32 = arith.constant 0 : i32
    %c0_i32_0 = arith.constant 0 : i32
    %c0_i32_1 = arith.constant 0 : i32
    return %c0_i32, %c0_i32_0 : i32, i32
  }
  func.func @transform_7(%arg0: i32) -> (i32, i32) {
    %c0_i32 = arith.constant 0 : i32
    %c0_i32_0 = arith.constant 0 : i32
    %c0_i32_1 = arith.constant 0 : i32
    return %c0_i32, %c0_i32_0 : i32, i32
  }
  func.func @transform_8(%arg0: i32) -> (i32, i32) {
    %c0_i32 = arith.constant 0 : i32
    %c0_i32_0 = arith.constant 0 : i32
    %c0_i32_1 = arith.constant 0 : i32
    return %c0_i32, %c0_i32_0 : i32, i32
  }
  func.func @transform_9(%arg0: i32) -> (i32, i32) {
    %c0_i32 = arith.constant 0 : i32
    %c0_i32_0 = arith.constant 0 : i32
    %c0_i32_1 = arith.constant 0 : i32
    return %c0_i32, %c0_i32_0 : i32, i32
  }
  func.func @transform_10(%arg0: i32) -> (i32, i32) {
    %c0_i32 = arith.constant 0 : i32
    %c0_i32_0 = arith.constant 0 : i32
    %c0_i32_1 = arith.constant 0 : i32
    return %c0_i32, %c0_i32_0 : i32, i32
  }
  func.func @transform_11(%arg0: i32) -> (i32, i32) {
    %c0_i32 = arith.constant 0 : i32
    %c0_i32_0 = arith.constant 0 : i32
    %c0_i32_1 = arith.constant 0 : i32
    return %c0_i32, %c0_i32_0 : i32, i32
  }
  func.func @transform_12(%arg0: i32) -> (i32, i32) {
    %c0_i32 = arith.constant 0 : i32
    %c0_i32_0 = arith.constant 0 : i32
    %c0_i32_1 = arith.constant 0 : i32
    return %c0_i32, %c0_i32_0 : i32, i32
  }
  func.func @transform_13(%arg0: i32) -> (i32, i32) {
    %c0_i32 = arith.constant 0 : i32
    %c0_i32_0 = arith.constant 0 : i32
    %c0_i32_1 = arith.constant 0 : i32
    return %c0_i32, %c0_i32_0 : i32, i32
  }
  func.func @transform_14(%arg0: i32) -> (i32, i32) {
    %c0_i32 = arith.constant 0 : i32
    %c0_i32_0 = arith.constant 0 : i32
    %c0_i32_1 = arith.constant 0 : i32
    return %c0_i32, %c0_i32_0 : i32, i32
  }
}

</mosaic_0001>

<sc_bundles>
// kernel: kernel.6.cloned.1.call-start
scs
__scs_entry_jumppad:
0x0: {  	(pc) =	sbr.rel $0x88, $3  }
0x1: {  	(tag) =	ssettag $0x0;
	lr =	simm.s32 $0x1  }
0x2: {  	[smem:$0x3F6E] =	sst lr;
	_ =	strace $0xD0000000  }
0x3: {  	_ = 	snop  }
0x4: {  	_ = 	snop  }
0x5: {  	_ = 	snop  }
0x6: {  	_ = 	snop  }
0x7: {  	_ = 	snop  }
__scs_overlays_trampoline_lowered:
0x8: {  	[smem:$0x3F7D] =	sst s0  }
0x9: {  	[smem:$0x3F7E] =	sst s1  }
0xa: {  	[smem:$0x3F7F] =	sst s2  }
0xb: {  	[smem:$0x3F80] =	sst s3  }
0xc: {  	[smem:$0x3F81] =	sst s4  }
0xd: {  	[smem:$0x3F82] =	sst s5  }
0xe: {  	[smem:$0x3F83] =	sst s6  }
0xf: {  	[smem:$0x3F84] =	sst s7  }
0x10: {  	[smem:$0x3F85] =	sst s8  }
0x11: {  	[smem:$0x3F86] =	sst s9;
	s0 =	simm.s32 @!p0 $0x0  }
0x12: {  	s1 =	sld [smem:$0x3F6C];
	s0 =	simm.s32 @p0 $0x1  }
0x13: {  	[smem:$0x3F87] =	sst s0;
	s0 =	simm.s32 @!p1 $0x0  }
0x14: {  	s2 =	sld [smem:$0x3F6B];
	s0 =	simm.s32 @p1 $0x1  }
0x15: {  	[smem:$0x3F88] =	sst s0;
	s0 =	simm.s32 @!p2 $0x0  }
0x16: {  	s3 =	sld [smem:$0x3FDB];
	s0 =	simm.s32 @p2 $0x1  }
0x17: {  	s4 =	simm.s32 $0x1BF5;
	[smem:$0x3F8A] =	sst s0  }
0x18: {  	s0 =	sld [smem:$0x3F6D];
	_ =	swait.ge [sflag:s4], $0x0  }
0x19: {  	s7 =	sld [smem:$0x3F6E]  }
0x1a: {  	s8 =	sadd.s32 $0xFFFFE003, lr  }
0x1b: {  	s9 =	sadd.s32 $0xFFFFFEF7, lr;
	s5 =	simm.s32 $0xFFFFFFFF;
	p2 =	slt.u32 s8, $0xFFFFF086  }
0x1c: {  	p1 =	slt.u32 s9, $0xF7A;
	s5 =	simm.s32 @!p2 $0x0  }
0x1d: {  	s5 =	simm.s32 @p1 $0x1;
	p0 =	seq.s32 s7, s2  }
0x1e: {  	s7 =	smul.u32 @!p0 $0xF7A, s2;
	p2 =	seq.s32 @!p0 s5, $0x0  }
0x1f: {  	s9 =	smul.u32 $0xF7A, s1;
	s8 =	simm.s32 @!p0 $0x1BF5;
	p2 =	por !p2, p0  }
0x20: {  	[sflag:s8] =	ssyncset.s32 @!p0 $0xFFFFF086;
	s6 =	sadd.s32 @!p0 s3, s7;
	s7 =	simm.s32 @!p0 $0x108  }
0x21: {  	s3 =	sadd.s32 s3, s9;
	s6 =	sadd.s32 @!p0 $0x88, s6;
	s7 =	simm.s32 @p2 $0x1082  }
0x22: {  	[simem:s7], [sflag:s8] =	dma.local @!p0 [hbm:s6], $0xF7A  }
0x23: {  	s9 =	sor.u32 $0xD0000000, s2;
	s6 =	simm.s32 $0x108;
	_ =	swait.ge @!p0 [sflag:s8], $0x0  }
0x24: {  	s3 =	sadd.s32 $0x88, s3;
	s6 =	simm.s32 @!p1 $0x1082;
	[sflag:s4] =	ssyncset.s32 $0xFFFFF086  }
0x25: {  	[simem:s6], [sflag:s4] =	dma.local [hbm:s3], $0xF7A  }
0x26: {  	[smem:$0x3F6E] =	sst s1;
	(tag) =	ssettag s2;
	_ =	strace s9  }
0x27: {  	s1 =	sld [smem:$0x3F7E]  }
0x28: {  	s2 =	sld [smem:$0x3F7F]  }
0x29: {  	s4 =	sld [smem:$0x3F81]  }
0x2a: {  	p0 =	seq.s32 s5, $0x0;
	s5 =	sld [smem:$0x3F82]  }
0x2b: {  	s6 =	sld [smem:$0x3F83]  }
0x2c: {  	s7 =	sld [smem:$0x3F84]  }
0x2d: {  	s3 =	simm.s32 $0x108;
	s8 =	sld [smem:$0x3F85]  }
0x2e: {  	s3 =	simm.s32 @!p0 $0x1082;
	s9 =	sld [smem:$0x3F86]  }
0x2f: {  	lr =	sadd.s32 s0, s3;
	s0 =	sld [smem:$0x3F7D]  }
0x30: {  	s3 =	sld [smem:$0x3F80]  }
0x31: {  	[smem:$0x3F89] =	sst s10  }
0x32: {  	s10 =	sld [smem:$0x3F87];
	_ =	sdelay $0x3  }
0x33: {  	p0 =	seq.s32 s10, $0x1;
	s10 =	sld [smem:$0x3F89];
	_ =	sdelay $0x3  }
0x34: {  	[smem:$0x3F89] =	sst s10  }
0x35: {  	s10 =	sld [smem:$0x3F88];
	_ =	sdelay $0x3  }
0x36: {  	p1 =	seq.s32 s10, $0x1;
	s10 =	sld [smem:$0x3F89];
	_ =	sdelay $0x3  }
0x37: {  	[smem:$0x3F89] =	sst s10  }
0x38: {  	s10 =	sld [smem:$0x3F8A]  }
0x39: {  	_ = 	snop;
	(pc) =	sbr.ind lr, $3  }
0x3a: {  	_ = 	snop  }
0x3b: {  	_ = 	snop  }
0x3c: {  	p2 =	seq.s32 s10, $0x1;
	s10 =	sld [smem:$0x3F89]  }
0x3d: {  	_ =	shalt  }
0x3e: {  	_ =	shalt  }
0x3f: {  	_ =	shalt  }
0x40: {  	_ =	shalt  }
0x41: {  	_ =	shalt  }
0x42: {  	_ =	shalt  }
0x43: {  	_ =	shalt  }
0x44: {  	_ =	shalt  }
0x45: {  	_ =	shalt  }
0x46: {  	_ =	shalt  }
0x47: {  	_ =	shalt  }
0x48: {  	_ =	shalt  }
0x49: {  	_ =	shalt  }
0x4a: {  	_ =	shalt  }
0x4b: {  	_ =	shalt  }
0x4c: {  	_ =	shalt  }
0x4d: {  	_ =	shalt  }
0x4e: {  	_ =	shalt  }
0x4f: {  	_ =	shalt  }
0x50: {  	_ =	shalt  }
0x51: {  	_ =	shalt  }
0x52: {  	_ =	shalt  }
0x53: {  	_ =	shalt  }
0x54: {  	_ =	shalt  }
0x55: {  	_ =	shalt  }
0x56: {  	_ =	shalt  }
0x57: {  	_ =	shalt  }
0x58: {  	_ =	shalt  }
0x59: {  	_ =	shalt  }
0x5a: {  	_ =	shalt  }
0x5b: {  	_ =	shalt  }
0x5c: {  	_ =	shalt  }
0x5d: {  	_ =	shalt  }
0x5e: {  	_ =	shalt  }
0x5f: {  	_ =	shalt  }
0x60: {  	_ =	shalt  }
0x61: {  	_ =	shalt  }
0x62: {  	_ =	shalt  }
0x63: {  	_ =	shalt  }
0x64: {  	_ =	shalt  }
0x65: {  	_ =	shalt  }
0x66: {  	_ =	shalt  }
0x67: {  	_ =	shalt  }
0x68: {  	_ =	shalt  }
0x69: {  	_ =	shalt  }
0x6a: {  	_ =	shalt  }
0x6b: {  	_ =	shalt  }
0x6c: {  	_ =	shalt  }
0x6d: {  	_ =	shalt  }
0x6e: {  	_ =	shalt  }
0x6f: {  	_ =	shalt  }
0x70: {  	_ =	shalt  }
0x71: {  	_ =	shalt  }
0x72: {  	_ =	shalt  }
0x73: {  	_ =	shalt  }
0x74: {  	_ =	shalt  }
0x75: {  	_ =	shalt  }
0x76: {  	_ =	shalt  }
0x77: {  	_ =	shalt  }
0x78: {  	_ =	shalt  }
0x79: {  	_ =	shalt  }
0x7a: {  	_ =	shalt  }
0x7b: {  	_ =	shalt  }
0x7c: {  	_ =	shalt  }
0x7d: {  	_ =	shalt  }
0x7e: {  	_ =	shalt  }
0x7f: {  	_ =	shalt  }
0x80: {  	_ =	shalt  }
0x81: {  	_ =	shalt  }
0x82: {  	_ =	shalt  }
0x83: {  	_ =	shalt  }
0x84: {  	_ =	shalt  }
0x85: {  	_ =	shalt  }
0x86: {  	_ =	shalt  }
0x87: {  	_ =	shalt  }
.Lfunc_end0:
.L_simem_size_0:
called_computation_lowered:
.L_overlay_start_0:
0x88: {  	s2 =	sld [smem:$0x3FD9]  }
0x89: {  	s3 =	sld [smem:$0x3FFE];
	_ =	sdelay $0x1  }
0x8a: {  	s1 =	srdreg.scid  }
0x8b: {  	s0 =	sand.u32 $0x1, s1  }
0x8c: {  	s17 =	sshll.u32 s0, $0xA;
	s2 =	sadd.s32 s3, s2  }
0x8d: {  	s2 =	sadd.s32 s2, s17  }
0x8e: {  	[smem:$0x3F95] =	sst s2  }
0x8f: {  	_ = 	snop  }
0x90: {  	s2 =	sld [smem:$0x3FC7];
	(tm) =	ssettm $0x1  }
0x91: {  	s18 =	sld [smem:$0x3FFB];
	_ =	sdelay $0x3  }
0x92: {  	_ =	strace s18  }
0x93: {  	s3 =	sld [smem:$0x3FFC];
	_ =	sdelay $0x3  }
0x94: {  	_ =	strace s3  }
0x95: {  	s3 =	sld [smem:$0x3FFD];
	_ =	sdelay $0x3  }
0x96: {  	_ =	strace s3  }
0x97: {  	_ =	strace $0x8FFFFFFF  }
0x98: {  	s19 =	sld [smem:$0x3FDB];
	_ =	sdelay $0x1  }
0x99: {  	s4 =	simm.s32 $_scs_section_size  }
0x9a: {  	s5 =	simm.s32 $_size__tile_overlayer_lowered;
	s6 =	simm.s32 $_tile_overlayer_lowered  }
0x9b: {  	s22 =	simm.s32 $0x1BFF;
	s21 =	sshll.u32 s6, $0x1;
	s3 =	sadd.s32 s4, s19  }
0x9c: {  	s7 =	simm.s32 $0x0;
	s20 =	sshll.u32 s5, $0x1;
	s5 =	sadd.s32 s21, s3  }
0x9d: {  	[timem:s7], [sflag:s22] =	dma.local [hbm:s5], s20  }
0x9e: {  	_ =	swait.ge [sflag:s22], s20  }
0x9f: {  	s4 =	ssub.s32 $0x0, s20;
	[sflag:s22] =	ssyncset.done $0x0  }
0xa0: {  	[sflag:s22] =	ssyncadd.s32 s4;
	_ =	sdelay $0x1  }
0xa1: {  	s23 =	simm.s32 $0x1B8B  }
0xa2: {  	_ =	swait.ge [sflag:s23], $0x1  }
0xa3: {  	[sflag:s23] =	ssyncset.done $0x0  }
0xa4: {  	s25 =	simm.s32 $0x1B8E;
	s24 =	sld [smem:$0x3FFE];
	[sflag:s23] =	ssyncadd.s32 $0xFFFFFFFF  }
0xa5: {  	s26 =	simm.s32 $execute0_lowered;
	[smem:$0x3FD2] =	sst s25  }
0xa6: {  	s5 =	sshll.u32 s26, $0x1;
	_ =	strace $0x80000046;
	[dreg:$0x1] =	wrdreg $0xFFFFFFFF  }
0xa7: {  	s28 =	simm.s32 $_size_execute0_lowered;
	s3 =	sadd.s32 s3, s5;
	[dreg:$0x0] =	wrdreg $0x0  }
0xa8: {  	s5 =	sshll.u32 s28, $0x1;
	[dreg:$0x2] =	wrdreg s3  }
0xa9: {  	[dreg:$0x3] =	wrdreg s5  }
0xaa: {  	[dreg:$0x4] =	wrdreg $0xC0  }
0xab: {  	_ =	task [dreg:s7], $0x5FFFF  }
0xac: {  	[dreg:$0x1] =	wrdreg $0xFFFFFFFF  }
0xad: {  	[dreg:$0x0] =	wrdreg $0x60  }
0xae: {  	[dreg:$0x2] =	wrdreg s24  }
0xaf: {  	[dreg:$0x3] =	wrdreg s2  }
0xb0: {  	[dreg:$0x4] =	wrdreg $0x9  }
0xb1: {  	_ =	task.clear_ibuf [dreg:s7], $0x5FFFF;
	_ =	strace $0x90000046  }
0xb2: {  	s29 =	simm.s32 $0x9;
	_ =	strace $0x80000048  }
0xb3: {  	_ =	swait.ge [sflag:s29], $0x1  }
0xb4: {  	[sflag:s29] =	ssyncadd.s32 $0xFFFFFFFF  }
0xb5: {  	_ =	strace $0x90000048  }
0xb6: {  	_ =	sfence  }
0xb7: {  	s30 =	sld [smem:$0x0];
	_ =	sdelay $0x2  }
0xb8: {  	s31 =	sshll.u32 s1, $0xD;
	s1 =	sshrl.u32 s1, $0x2  }
0xb9: {  	s3 =	sand.u32 $0x4000, s31;
	s1 =	sadd.s32 s1, s30  }
0xba: {  	s0 =	sor.u32 s3, s0;
	s1 =	sshll.u32 s1, $0x11  }
0xbb: {  	s0 =	sor.u32 s1, s0  }
0xbc: {  	s0 =	sadd.s32 $0x8F2B, s0  }
0xbd: {  	[sflag:s0] =	ssyncadd.remote.s32 $0x1  }
0xbe: {  	_ =	sfence.sel $0xFFFF  }
0xbf: {  	[dreg:$0x0] =	wrdreg $0xFFFFFFFF;
	(pc) =	sbr.abs _section_cstart, $3  }
0xc0: {  	[dreg:$0x1] =	wrdreg $0xFFFFFFFF  }
0xc1: {  	_ =	task.clear_ibuf [dreg:s7], $0x2FFFF;
	_ =	strace $0x9FFFFFFF  }
0xc2: {  	(tm) =	ssettm $0x7FFFFFFF  }
0xc3: {  	_ =	shalt  }
tec
execute0_lowered:
.L_overlay_start_1:
0x0: {  	(tag) =	ssettag $0x1  }
0x1: {  	s0 =	rddreg [dreg:$0x0]  }
0x2: {  	s1 =	rddreg [dreg:$0x1]  }
0x3: {  	s3 =	srdreg.scid;
	s4 =	stileid.u32;
	s2 =	simm.s32 $0x0  }
0x4: {  	s12 =	simm.s32 $0x1;
	s15 =	simm.s32 $0x6180;
	s16 =	simm.s32 $0x6300  }
0x5: {  	s17 =	simm.s32 $0x6380;
	s6 =	sand.u32 $0x1, s3;
	s30 =	sshll.u32 s4, $0x1  }
0x6: {  	s18 =	simm.s32 $0xB380;
	s19 =	simm.s32 $0x0;
	s8 =	sor.u32 s6, s30  }
0x7: {  	[smem:$0x7FF] =	sst s2;
	s3 =	sadd.s32 $0x7C00, s0;
	s7 =	smul.u32 $0xA00, s8  }
.Ltmp0:
0x8: {  	s4 =	sadd.s32 $0x8000, s0;
	s9 =	ssub.s32 $0x2, s6;
	(pc) =	sbr.rel .LBB2_1-.Ltmp0, $4  }
0x9: {  	s5 =	sadd.s32 $0x7800, s0;
	_ =	strace $0x80000047;
	s31 =	sshrl.u32 s9, $0x1  }
0xa: {  	v0 =	vlaneseq.u32;
	vm0 =	vmxor vm0, vm0;
	s6 =	sadd.s32 $0x8400, s0;
	s11 =	ssub.s32 s9, s31;
	s0 =	sadd.s32 s7, s0  }
0xb: {  	v1 =	vimm.s32 $0x0;
	v2 =	vadd.s32 $0x1, v0;
	v3 =	vadd.s32 $0x11, v0;
	s7 =	sshll.u32 s8, $0x8;
	s8 =	sshll.u32 s8, $0x5;
	s11 =	smax.u32 s11, $0x1  }
0xc: {  	v4 =	vadd.s32 $0x21, v0;
	v5 =	vadd.s32 $0x31, v0;
	v6 =	vadd.s32 $0x41, v0;
	s8 =	sadd.s32 s1, s8;
	s9 =	sadd.s32 $0x8600, s0;
	s10 =	sadd.s32 $0x1C600, s0  }
.LBB2_11:
0xd: {  	[hbm4b:s9+s2] =	stream.linear.scatter [tilespmem:s17], [sflag:$0x1], $0x5000, $0x38;
	[tilespmem:$0x10380] =	vst v63  }
0xe: {  	s19 =	sadd.s32 $0x1, s19;
	_ =	swait.ge [sflag:s12], $0x5000  }
0xf: {  	p0 =	sne.s32 s19, s11;
	[sflag:s12] =	ssyncset.done $0x0  }
.Ltmp1:
0x10: {  	[sflag:s12] =	ssyncadd.s32 $0xFFFFB000;
	(pc) =	sbr.rel @!p0 .LBB2_12-.Ltmp1, $4  }
0x11: {  	[hbm4b:s10+s2] =	stream.linear.scatter [tilespmem:s18], [sflag:$0x1], $0x5000, $0x38;
	[tilespmem:$0x10380] =	vst v63  }
0x12: {  	_ =	swait.ge [sflag:s12], $0x5000  }
0x13: {  	[sflag:s12] =	ssyncset.done $0x0  }
0x14: {  	[sflag:s12] =	ssyncadd.s32 $0xFFFFB000  }
.LBB2_1:
0x15: {  	[tilespmem:s2], [sflag:$0x1] =	stream.linear.gather [hbm4b:s3+s2], $0x2000, $0x38;
	[tilespmem:$0x10380] =	vst v63  }
0x16: {  	_ =	swait.ge [sflag:s12], $0x2000  }
0x17: {  	[sflag:s12] =	ssyncset.done $0x0  }
0x18: {  	s0 =	simm.s32 $0x2080;
	[sflag:s12] =	ssyncadd.s32 $0xFFFFE000  }
0x19: {  	[tilespmem:s0], [sflag:$0x1] =	stream.linear.gather [hbm4b:s4+s2], $0x2000, $0x38;
	[tilespmem:$0x10380] =	vst v63  }
0x1a: {  	_ =	swait.ge [sflag:s12], $0x2000  }
0x1b: {  	[sflag:s12] =	ssyncset.done $0x0  }
0x1c: {  	s31 =	simm.s32 $0x4100;
	[sflag:s12] =	ssyncadd.s32 $0xFFFFE000  }
0x1d: {  	[tilespmem:s31], [sflag:$0x1] =	stream.linear.gather [hbm4b:s5+s2], $0x2000, $0x38;
	[tilespmem:$0x10380] =	vst v63  }
0x1e: {  	_ =	swait.ge [sflag:s12], $0x2000  }
0x1f: {  	[sflag:s12] =	ssyncset.done $0x0  }
0x20: {  	[sflag:s12] =	ssyncadd.s32 $0xFFFFE000  }
0x21: {  	[tilespmem:s15], [sflag:$0x1] =	stream.linear.gather [hbm4b:s8+s2], $0x100, $0x38;
	[tilespmem:$0x10380] =	vst v63  }
0x22: {  	_ =	swait.ge [sflag:s12], $0x100  }
0x23: {  	[sflag:s12] =	ssyncset.done $0x0  }
.Ltmp2:
0x24: {  	[sflag:s12] =	ssyncadd.s32 $0xFFFFFF00;
	(pc) =	sbr.rel .LBB2_2-.Ltmp2, $4  }
0x25: {  	[tilespmem:s16], [sflag:$0x1] =	stream.linear.gather [hbm4b:s6+s2], $0x10, $0x38;
	[tilespmem:$0x10380] =	vst v63  }
0x26: {  	_ =	swait.ge [sflag:s12], $0x10  }
0x27: {  	[sflag:s12] =	ssyncset.done $0x0  }
0x28: {  	s20 =	simm.s32 $0x0;
	[sflag:s12] =	ssyncadd.s32 $0xFFFFFFF0  }
.LBB2_3:
0x29: {  	s22 =	smul.u32 $0x50, s20;
	s1 =	simm.s32 $0x0;
	s0 =	simm.s32 $0x0  }
.LBB2_10:
0x2a: {  	_ = 	snop  }
0x2b: {  	v7 =	vld [tilespmem:s22+$0x6380];
	_ =	sdelay $0x2  }
0x2c: {  	v8 =	vmov s1  }
0x2d: {  	vm1 =	vlt.s32 v8, v2  }
0x2e: {  	v7 =	vsel vm1, s21, v7  }
0x2f: {  	[tilespmem:s22+$0x6380] =	vst v7;
	v7 =	vld [tilespmem:s22+$0xB380];
	_ =	sdelay $0x2  }
0x30: {  	v9 =	vmov s0  }
0x31: {  	vm1 =	vlt.s32 v9, v2  }
0x32: {  	v7 =	vsel vm1, s21, v7  }
0x33: {  	[tilespmem:s22+$0xB380] =	vst v7;
	v7 =	vld [tilespmem:s22+$0x6390];
	_ =	sdelay $0x3  }
0x34: {  	vm1 =	vlt.s32 v8, v3  }
0x35: {  	v7 =	vsel vm1, s21, v7  }
0x36: {  	[tilespmem:s22+$0x6390] =	vst v7;
	v7 =	vld [tilespmem:s22+$0xB390];
	_ =	sdelay $0x3  }
0x37: {  	vm1 =	vlt.s32 v9, v3  }
0x38: {  	v7 =	vsel vm1, s21, v7  }
0x39: {  	[tilespmem:s22+$0xB390] =	vst v7;
	v7 =	vld [tilespmem:s22+$0x63A0];
	_ =	sdelay $0x3  }
0x3a: {  	vm1 =	vlt.s32 v8, v4  }
0x3b: {  	v7 =	vsel vm1, s21, v7  }
0x3c: {  	[tilespmem:s22+$0x63A0] =	vst v7;
	v7 =	vld [tilespmem:s22+$0xB3A0];
	_ =	sdelay $0x3  }
0x3d: {  	vm1 =	vlt.s32 v9, v4  }
0x3e: {  	v7 =	vsel vm1, s21, v7  }
0x3f: {  	[tilespmem:s22+$0xB3A0] =	vst v7;
	v7 =	vld [tilespmem:s22+$0x63B0];
	_ =	sdelay $0x3  }
0x40: {  	vm1 =	vlt.s32 v8, v5  }
0x41: {  	v7 =	vsel vm1, s21, v7  }
0x42: {  	[tilespmem:s22+$0x63B0] =	vst v7;
	v7 =	vld [tilespmem:s22+$0xB3B0];
	_ =	sdelay $0x3  }
0x43: {  	vm1 =	vlt.s32 v9, v5  }
0x44: {  	v7 =	vsel vm1, s21, v7  }
0x45: {  	[tilespmem:s22+$0xB3B0] =	vst v7;
	v7 =	vld [tilespmem:s22+$0x63C0];
	_ =	sdelay $0x3  }
0x46: {  	vm1 =	vlt.s32 v8, v6  }
0x47: {  	v7 =	vsel vm1, s21, v7  }
0x48: {  	s20 =	sadd.s32 $0x1, s20;
	[tilespmem:s22+$0x63C0] =	vst v7;
	v7 =	vld [tilespmem:s22+$0xB3C0]  }
0x49: {  	p0 =	sne.s32 s20, $0x100  }
.Ltmp3:
0x4a: {  	_ = 	snop;
	(pc) =	sbr.rel @!p0 .LBB2_11-.Ltmp3, $4  }
0x4b: {  	_ = 	snop  }
0x4c: {  	vm1 =	vlt.s32 v9, v6  }
0x4d: {  	v7 =	vsel vm1, s21, v7  }
0x4e: {  	[tilespmem:s22+$0xB3C0] =	vst v7  }
.LBB2_2:
0x4f: {  	v7 =	vld [tilespmem:s20+$0x6180];
	_ =	sdelay $0x4  }
0x50: {  	(v2sf) =	vpush v7, $0x0;
	_ =	sdelay $0xe  }
0x51: {  	s0 =	spop (v2sf)  }
0x52: {  	v7 =	vld [tilespmem:s0+$0x6300]  }
0x53: {  	v8 =	vld [tilespmem:s0+$0x6301];
	_ =	sdelay $0x3  }
0x54: {  	(v2sf) =	vpush v7, $0x0  }
0x55: {  	(v2sf) =	vpush v8, $0x0;
	_ =	sdelay $0xd  }
0x56: {  	s28 =	spop (v2sf)  }
0x57: {  	s1 =	sshra.s32 s28, $0x1F;
	s21 =	spop (v2sf);
	s22 =	sand.u32 $0xF, s28  }
0x58: {  	p0 =	slt.s32 s28, $0x1;
	s1 =	sshrl.u32 s1, $0x1C;
	s21 =	sadd.s32 $0xF, s21  }
0x59: {  	p1 =	sne.s32 s22, $0x0;
	s22 =	simm.s32 $0x1;
	s1 =	sadd.s32 s1, s28  }
0x5a: {  	s29 =	sand.u32 $0xF, s21;
	p0 =	por !p0, !p1;
	p6 =	slt.s32 s21, $0x1  }
0x5b: {  	s31 =	sshra.s32 s21, $0x1F;
	p2 =	sne.s32 s29, $0x0;
	s30 =	sshra.s32 s1, $0x4  }
0x5c: {  	p0 =	por !p0, !p0;
	s1 =	sshrl.u32 s31, $0x1C;
	p1 =	por !p6, !p2  }
0x5d: {  	s1 =	sadd.s32 s1, s21;
	s21 =	simm.s32 $0x1;
	p1 =	por !p1, !p1  }
0x5e: {  	s22 =	simm.s32 @!p0 $0x0;
	s1 =	sshra.s32 s1, $0x4;
	s21 =	simm.s32 @!p1 $0x0  }
0x5f: {  	s0 =	ssub.s32 s30, s22;
	s24 =	ssub.s32 s1, s21  }
0x60: {  	p0 =	slt.s32 s0, s24  }
.Ltmp4:
0x61: {  	_ = 	snop;
	(pc) =	sbr.rel @!p0 .LBB2_3-.Ltmp4, $2  }
0x62: {  	_ =	sdelay $0x2  }
0x63: {  	s21 =	sadd.s32 s7, s20  }
0x64: {  	s1 =	sshll.u32 s0, $0x6;
	v11 =	vld.msk [tilespmem:s21+$0x0 ss:$0x0], $0xffff  }
0x65: {  	v12 =	vld.msk [tilespmem:s21+$0x2080 ss:$0x0], $0xffff;
	s1 =	sshra.s32 s1, $0x2  }
0x66: {  	s26 =	sadd.s32 $0x2080, s1;
	v10 =	vld [tilespmem:s1+$0x0]  }
0x67: {  	v9 =	vld [tilespmem:s26+$0x0]  }
0x68: {  	v13 =	vld.msk [tilespmem:s21+$0x4100 ss:$0x0], $0xffff;
	s25 =	sadd.s32 $0x4100, s1  }
0x69: {  	v14 =	vld [tilespmem:s25+$0x0]  }
0x6a: {  	s30 =	sadd.s32 $0x1, s0  }
0x6b: {  	s22 =	smul.u32 $0x50, s20;
	p1 =	slt.s32 s30, s24  }
.Ltmp5:
0x6c: {  	v10 =	vsub.f32 v10, v11;
	v9 =	vsub.f32 v9, v12;
	(pc) =	sbr.rel @!p1 .LBB2_5-.Ltmp5, $4  }
0x6d: {  	_ = 	snop  }
0x6e: {  	s28 =	sadd.s32 $0xB380, s22;
	v15 =	vsub.f32 v14, v13;
	v14 =	vmul.f32 v10, v10;
	v16 =	vmul.f32 v9, v9  }
0x6f: {  	s23 =	sadd.s32 $0x6380, s22;
	v10 =	vbroadcast v8, $0x0;
	v8 =	vmov s28;
	v9 =	vbroadcast v7, $0x0  }
0x70: {  	s0 =	sshll.u32 s0, $0x4;
	p0 =	por $0x0, $0x0;
	v7 =	vmov s23;
	s23 =	simm.s32 $0x0;
	v15 =	vmul.f32 v15, v15;
	v14 =	vadd.f32 v16, v14  }
0x71: {  	_ = 	snop  }
0x72: {  	p0 =	por $0x1, $0x1;
	vm2 =	vmmov vm0;
	v14 =	vadd.f32 v15, v14  }
0x73: {  	v15 =	vor.u32 s0, v0;
	vm2 =	vmneg @p0 vm2  }
0x74: {  	vm1 =	vlt.s32 v15, v10;
	vm4 =	vge.s32 v15, v9;
	vm3 =	vle.f32 v14, $3.999999910e-02  }
0x75: {  	vm5 =	vle.f32 v14, $1.599999960e-01;
	vm1 =	vmand vm4, vm1;
	vm3 =	vmand vm2, vm3  }
0x76: {  	vm2 =	vmand vm2, vm5;
	vm3 =	vmand vm1, vm3  }
0x77: {  	vm1 =	vmand vm1, vm2;
	_ =	sdelay $0x2  }
0x78: {  	s28 =	simm.s32 $0x0  }
0x79: {  	s28 =	simm.s32 @!p0 $0x40  }
0x7a: {  	[tilespmem:v7+s28+$0x0 ss:$0x1] =	vst.idx.msk vm3, v15  }
0x7b: {  	[tilespmem:v8+s28+$0x0 ss:$0x1] =	vst.idx.msk vm1, v15;
	v15 =	vsel vm3, $0x1, v1  }
0x7c: {  	v17 =	vsel vm1, $0x1, v1;
	(xrf0) =	vadd.scan.msk.s32 $0xffff, v15  }
0x7d: {  	(xrf0) =	vadd.scan.msk.s32 $0xffff, v17;
	_ =	sdelay $0x4  }
0x7e: {  	v17, _, _ =	vpop (xrf0)  }
0x7f: {  	(v2sf) =	vpush v17, $0xF;
	v17, _, _ =	vpop (xrf0)  }
0x80: {  	(v2sf) =	vpush v17, $0xF  }
0x81: {  	s26 =	sadd.s32 $0x10, s26  }
0x82: {  	s28 =	sadd.s32 $0x10, s1;
	v14 =	vld [tilespmem:s26+$0x0]  }
0x83: {  	v16 =	vld [tilespmem:s28+$0x0]  }
0x84: {  	s29 =	sadd.s32 $0x10, s25  }
0x85: {  	v15 =	vld [tilespmem:s29+$0x0]  }
0x86: {  	s31 =	sadd.s32 $0x1, s30  }
0x87: {  	p1 =	slt.s32 s31, s24  }
.Ltmp6:
0x88: {  	v16 =	vsub.f32 v16, v11;
	v14 =	vsub.f32 v14, v12;
	(pc) =	sbr.rel @!p1 .LBB2_7-.Ltmp6, $4  }
0x89: {  	_ = 	snop  }
0x8a: {  	v15 =	vsub.f32 v15, v13;
	v16 =	vmul.f32 v16, v16;
	v14 =	vmul.f32 v14, v14  }
0x8b: {  	s25 =	smov.u32 s0  }
0x8c: {  	s14 =	simm.s32 $0x0;
	p0 =	por $0x1, $0x1;
	s1 =	simm.s32 $0x0;
	v15 =	vmul.f32 v15, v15;
	v14 =	vadd.f32 v14, v16  }
.LBB2_8:
0x8d: {  	s25 =	sadd.s32 $0x10, s25  }
0x8e: {  	s31 =	sadd.s32 $0x1, s31;
	v14 =	vadd.f32 v15, v14;
	s13 =	spop (v2sf);
	v15 =	vor.u32 s25, v0  }
0x8f: {  	vm5 =	vmmov vm0;
	p1 =	slt.s32 s31, s24;
	s1 =	sadd.s32 s1, s13;
	s13 =	spop (v2sf);
	vm1 =	vlt.s32 v15, v10  }
0x90: {  	vm4 =	vge.s32 v15, v9;
	vm2 =	vle.f32 v14, $1.599999960e-01;
	vm3 =	vle.f32 v14, $3.999999910e-02;
	p2 =	slt.s32 s1, $0x40;
	s14 =	sadd.s32 s14, s13  }
0x91: {  	vm1 =	vmand vm4, vm1;
	vm4 =	vmmov vm0;
	vm5 =	vmneg @p2 vm5;
	p3 =	slt.s32 s14, $0x40  }
0x92: {  	vm3 =	vmand vm5, vm3;
	vm4 =	vmneg @p3 vm4  }
0x93: {  	vm3 =	vmand vm1, vm3;
	vm2 =	vmand vm4, vm2  }
0x94: {  	vm1 =	vmand vm1, vm2;
	v14 =	vsel vm3, $0x1, v1  }
0x95: {  	v16 =	vsel vm1, $0x1, v1;
	(xrf0) =	vadd.scan.msk.s32 $0xffff, v14  }
0x96: {  	s13 =	smov.u32 s1;
	(xrf0) =	vadd.scan.msk.s32 $0xffff, v16  }
0x97: {  	s13 =	simm.s32 @!p2 $0x40;
	s30 =	smov.u32 s14  }
0x98: {  	s30 =	simm.s32 @!p3 $0x40  }
0x99: {  	s26 =	sadd.s32 $0x10, s26;
	[tilespmem:v7+s13+$0x0 ss:$0x1] =	vst.idx.msk vm3, v15  }
0x9a: {  	[tilespmem:v8+s30+$0x0 ss:$0x1] =	vst.idx.msk vm1, v15  }
0x9b: {  	v14, _, _ =	vpop (xrf0)  }
0x9c: {  	(v2sf) =	vpush v14, $0xF;
	v14, _, _ =	vpop (xrf0)  }
0x9d: {  	(v2sf) =	vpush v14, $0xF;
	_ =	sdelay $0x1  }
0x9e: {  	s28 =	sadd.s32 $0x10, s28;
	v14 =	vld [tilespmem:s26+$0x0]  }
0x9f: {  	v15 =	vld [tilespmem:s28+$0x0]  }
0xa0: {  	s29 =	sadd.s32 $0x10, s29  }
0xa1: {  	v16 =	vld [tilespmem:s29+$0x0];
	_ =	sdelay $0x2  }
.Ltmp7:
0xa2: {  	v14 =	vsub.f32 v14, v12;
	v15 =	vsub.f32 v15, v11;
	(pc) =	sbr.rel @p1 .LBB2_8-.Ltmp7, $3  }
0xa3: {  	_ = 	snop  }
0xa4: {  	v14 =	vmul.f32 v14, v14;
	v16 =	vsub.f32 v16, v13;
	v15 =	vmul.f32 v15, v15;
	_ =	sdelay $0x1  }
0xa5: {  	v14 =	vadd.f32 v14, v15;
	v15 =	vmul.f32 v16, v16  }
.LBB2_9:
0xa6: {  	s13 =	sadd.s32 @p0 $0x10, s25  }
0xa7: {  	s24 =	spop @p0 (v2sf);
	s0 =	smov.u32 @p0 s13  }
0xa8: {  	v11 =	vadd.f32 v15, v14;
	s1 =	sadd.s32 @p0 s1, s24;
	s13 =	spop @p0 (v2sf);
	s24 =	simm.s32 $0x0  }
0xa9: {  	vm3 =	vmmov vm0;
	v12 =	vor.u32 s0, v0;
	s24 =	smov.u32 @p0 s1;
	s0 =	sadd.s32 @p0 s14, s13  }
0xaa: {  	vm1 =	vlt.s32 v12, v10;
	vm2 =	vge.s32 v12, v9;
	vm4 =	vle.f32 v11, $3.999999910e-02;
	p1 =	slt.s32 s24, $0x40;
	s23 =	smov.u32 @p0 s0  }
0xab: {  	vm1 =	vmand vm2, vm1;
	vm2 =	vmmov vm0;
	vm3 =	vmneg @p1 vm3;
	p0 =	slt.s32 s23, $0x40  }
0xac: {  	vm5 =	vle.f32 v11, $1.599999960e-01;
	vm3 =	vmand vm3, vm4;
	vm2 =	vmneg @p0 vm2  }
0xad: {  	vm3 =	vmand vm1, vm3;
	vm2 =	vmand vm2, vm5  }
0xae: {  	vm1 =	vmand vm1, vm2;
	v61 =	vsel vm3, $0x1, v1  }
0xaf: {  	v62 =	vsel vm1, $0x1, v1;
	(xrf0) =	vadd.scan.msk.s32 $0xffff, v61  }
0xb0: {  	(xrf0) =	vadd.scan.msk.s32 $0xffff, v62;
	_ =	sdelay $0x4  }
0xb1: {  	v9, _, _ =	vpop (xrf0)  }
0xb2: {  	(v2sf) =	vpush v9, $0xF;
	v63, _, _ =	vpop (xrf0)  }
0xb3: {  	(v2sf) =	vpush v63, $0xF;
	_ =	sdelay $0xd  }
.Ltmp8:
0xb4: {  	s13 =	smov.u32 s24;
	s30 =	spop (v2sf);
	(pc) =	sbr.rel .LBB2_10-.Ltmp8, $4  }
0xb5: {  	s13 =	simm.s32 @!p1 $0x40;
	s31 =	spop (v2sf)  }
0xb6: {  	s25 =	smov.u32 s23;
	s1 =	sadd.s32 s24, s30;
	s0 =	sadd.s32 s23, s31  }
0xb7: {  	s25 =	simm.s32 @!p0 $0x40;
	[tilespmem:v7+s13+$0x0 ss:$0x1] =	vst.idx.msk vm3, v12;
	p0 =	slt.s32 s1, $0x40;
	p1 =	slt.s32 s0, $0x40  }
0xb8: {  	[tilespmem:v8+s25+$0x0 ss:$0x1] =	vst.idx.msk vm1, v12;
	s1 =	simm.s32 @!p0 $0x40;
	s0 =	simm.s32 @!p1 $0x40  }
.LBB2_5:
.Ltmp9:
0xb9: {  	(pc) =	sbr.rel .LBB2_9-.Ltmp9, $2  }
0xba: {  	_ =	sdelay $0x2  }
0xbb: {  	s25 =	smov.u32 s0;
	s1 =	simm.s32 $0x0;
	s14 =	simm.s32 $0x0  }
.LBB2_7:
.Ltmp10:
0xbc: {  	(pc) =	sbr.rel .LBB2_9-.Ltmp10, $2  }
0xbd: {  	_ =	sdelay $0x2  }
0xbe: {  	s25 =	smov.u32 s0;
	s1 =	simm.s32 $0x0;
	s14 =	simm.s32 $0x0  }
.LBB2_12:
0xbf: {  	_ =	sfence.sel $0x180000  }
0xc0: {  	[bflag:$0x0] =	sbarrier.arrive $0xFFFF  }
0xc1: {  	_ =	strace $0x90000047  }
0xc2: {  	s0 =	stileid.u32;
	[bflag:$0x2] =	sbarrier.arrive $0xFFFF  }
0xc3: {  	p0 =	sne.s32 s0, $0x0;
	s0 =	rddreg [dreg:$0x2]  }
0xc4: {  	s0 =	sadd.s32 @!p0 $0x100000, s0  }
0xc5: {  	[sflag:s0] =	ssyncadd.tile.s32 @!p0 $0x1;
	_ =	shalt  }
.Lfunc_end2:
_tile_overlayer_lowered:
.L_overlay_start_2:
0xc6: {  	(tag) =	ssettag $0x2  }
0xc7: {  	s0 =	rddreg [dreg:$0x0];
	s2 =	stileid.u32  }
0xc8: {  	s1 =	rddreg [dreg:$0x1];
	p0 =	sne.s32 s2, $0x0  }
0xc9: {  	s3 =	rddreg [dreg:$0x2];
	[bflag:$0x3] =	sbarrier.arrive $0xFFFF;
	s2 =	simm.s32 @!p0 $0x1C01  }
0xca: {  	[timem:s3], [sflag:s2] =	dma.local @!p0 [hbm:s0], s1  }
0xcb: {  	s0 =	simm.s32 @!p0 $0x1  }
0xcc: {  	_ =	swait.ge @!p0 [sflag:s0], s1  }
0xcd: {  	s1 =	ssub.s32 @!p0 $0x0, s1;
	[sflag:s0] =	ssyncset.done @!p0 $0x0  }
0xce: {  	[sflag:s0] =	ssyncadd.s32 @!p0 s1  }
0xcf: {  	[bflag:$0x3] =	sbarrier.arrive $0xFFFF  }
0xd0: {  	_ =	shalt  }

</sc_bundles>
